<compile_context>
chip_gen: v7x
topology: tpu7x:2x2x1
jax: 0.10.2.dev20260603
libtpu: 0.0.44.dev20260713+nightly
codegen_flags: <defaults>
</compile_context>

<pallas_src>
import functools

import jax
import jax.numpy as jnp
from jax import lax
from jax.experimental import pallas as pl
from jax.experimental.pallas import tpu as pltpu
from jax.experimental.pallas import tpu_sc as plsc

D_MODEL = 128
SCALE = float(D_MODEL) ** 0.5

NC = 2
NS = 16
NW = NC * NS

G = 128


NBUF = 5


def _make_gather(batch, hist):
    assert batch % (NW * G) == 0
    bat_per_w = batch // NW
    nsub = bat_per_w // G
    ng = hist * nsub
    assert ng % NBUF == 0 and ng >= 2 * NBUF

    mesh = plsc.VectorSubcoreMesh(core_axis_name="c", subcore_axis_name="s")

    @functools.partial(
        pl.kernel,
        out_type=jax.ShapeDtypeStruct((hist, batch, D_MODEL), jnp.float32),
        mesh=mesh,
        scratch_types=[
            pltpu.VMEM((ng, G), jnp.int32),
            *[pltpu.VMEM((G, D_MODEL), jnp.float32) for _ in range(NBUF)],
            *[pltpu.SemaphoreType.DMA for _ in range(2 * NBUF)],
        ],
    )
    def gather(table_hbm, idx_hbm, out_hbm, idx_v, *scratch):
        bufs = scratch[:NBUF]
        gs = scratch[NBUF:2 * NBUF]
        ss = scratch[2 * NBUF:]
        wid = lax.axis_index("s") * NC + lax.axis_index("c")
        base = wid * bat_per_w
        pltpu.sync_copy(idx_hbm.at[wid], idx_v)

        def out_slice(j):
            return out_hbm.at[j // nsub, pl.ds(base + (j % nsub) * G, G)]

        def g_start(j, b):
            pltpu.async_copy(table_hbm.at[idx_v.at[j]], bufs[b], gs[b])

        def g_wait(j, b):
            pltpu.make_async_copy(table_hbm.at[idx_v.at[j]], bufs[b], gs[b]).wait()

        def s_start(j, b):
            pltpu.async_copy(bufs[b], out_slice(j), ss[b])

        def s_wait(j, b):
            pltpu.make_async_copy(bufs[b], out_slice(j), ss[b]).wait()

        def scale_buf(b):
            buf = bufs[b]

            def srow(r, carry):
                for c in range(D_MODEL // 16):
                    buf[r, pl.ds(c * 16, 16)] = buf[r, pl.ds(c * 16, 16)] * SCALE
                return carry

            lax.fori_loop(0, G, srow, 0)

        def step(j, b):
            g_wait(j, b)
            scale_buf(b)
            s_start(j, b)
            bg = (b + NBUF - 1) % NBUF
            s_wait(j - 1, bg)
            g_start(j + NBUF - 1, bg)

        for j in range(NBUF - 1):
            g_start(j, j)
        g_wait(0, 0)
        scale_buf(0)
        s_start(0, 0)
        g_start(NBUF - 1, NBUF - 1)
        for j in range(1, NBUF):
            step(j, j)

        def body(t, carry):
            j0 = t * NBUF
            for b in range(NBUF):
                step(j0 + b, b)
            return carry

        lax.fori_loop(1, ng // NBUF - 1, body, 0)

        j0 = ng - NBUF
        g_wait(j0, 0)
        scale_buf(0)
        s_start(j0, 0)
        s_wait(j0 - 1, NBUF - 1)
        g_start(ng - 1, NBUF - 1)
        for b in range(1, NBUF):
            g_wait(j0 + b, b)
            scale_buf(b)
            s_start(j0 + b, b)
        for b in range(NBUF):
            s_wait(j0 + b, b)

    return gather


def kernel(inputs, shared_weights):
    batch, hist = inputs.shape
    bat_per_w = batch // NW
    idx = (inputs.astype(jnp.int32)
           .reshape(NW, bat_per_w, hist)
           .transpose(0, 2, 1)
           .reshape(NW, hist * (bat_per_w // G), G))
    out_t = _make_gather(batch, hist)(shared_weights, idx)
    return out_t.transpose(1, 0, 2)

# --- scband reference (transcript-rebuilt; emitter-appended) ---
"""Pipeline reference for scband-shared-embedding-35381940585128 (READ-ONLY COPY).

The authoritative reference and input builder live on the scoring server;
editing this copy changes nothing except your own understanding.
"""

import jax, jax.numpy as jnp
import numpy as np

N_VOCAB = 100000
D_MODEL = 128
BATCH = 16384
HIST = 50

def setup_inputs(seed: int = 0) -> dict:
    key = jax.random.key(seed)
    k_idx, k_w = jax.random.split(key)
    inputs = jax.random.randint(k_idx, (BATCH, HIST), 0, N_VOCAB, dtype=jnp.int64)
    # TruncatedNormal(stddev=d_model**-0.5) approximated with truncated normal
    shared_weights = (jax.random.truncated_normal(k_w, -2.0, 2.0, (N_VOCAB, D_MODEL), dtype=jnp.float32) * (D_MODEL ** -0.5))
    return {"inputs": inputs, "shared_weights": shared_weights}

def reference(inputs, shared_weights):
    # mode='embedding' path of SharedEmbedding.call
    idx = inputs.astype(jnp.int32)
    embed = jnp.take(shared_weights, idx, axis=0)
    embed = embed * (D_MODEL ** 0.5)
    return embed

if __name__ == "__main__":
    import jax
    _d = setup_inputs()
    print(jax.jit(kernel)(*tuple(_d.values())))

</pallas_src>

<mosaic_0001>
#map = affine_map<(d0, d1) -> (0, 0)>
#map1 = affine_map<(d0, d1) -> (0, 0, 0)>
module attributes {stable_mosaic.version = 14 : i64} {
  func.func @gather(%arg0: i32, %arg1: i32, %arg2: memref<100000x128xf32, #tpu.memory_space<hbm>>, %arg3: memref<32x200x128xi32, #tpu.memory_space<hbm>>, %arg4: memref<50x16384x128xf32, #tpu.memory_space<hbm>>, %arg5: memref<200x128xi32, #tpu.memory_space<vmem>>, %arg6: memref<128x128xf32, #tpu.memory_space<vmem>>, %arg7: memref<128x128xf32, #tpu.memory_space<vmem>>, %arg8: memref<128x128xf32, #tpu.memory_space<vmem>>, %arg9: memref<128x128xf32, #tpu.memory_space<vmem>>, %arg10: memref<128x128xf32, #tpu.memory_space<vmem>>, %arg11: memref<!tpu.dma_semaphore, #tpu.memory_space<semaphore_mem>>, %arg12: memref<!tpu.dma_semaphore, #tpu.memory_space<semaphore_mem>>, %arg13: memref<!tpu.dma_semaphore, #tpu.memory_space<semaphore_mem>>, %arg14: memref<!tpu.dma_semaphore, #tpu.memory_space<semaphore_mem>>, %arg15: memref<!tpu.dma_semaphore, #tpu.memory_space<semaphore_mem>>, %arg16: memref<!tpu.dma_semaphore, #tpu.memory_space<semaphore_mem>>, %arg17: memref<!tpu.dma_semaphore, #tpu.memory_space<semaphore_mem>>, %arg18: memref<!tpu.dma_semaphore, #tpu.memory_space<semaphore_mem>>, %arg19: memref<!tpu.dma_semaphore, #tpu.memory_space<semaphore_mem>>, %arg20: memref<!tpu.dma_semaphore, #tpu.memory_space<semaphore_mem>>) attributes {dimension_semantics = [#tpu.dimension_semantics<core_parallel>, #tpu.dimension_semantics<subcore_parallel>], iteration_bounds = array<i64: 2, 16>, scalar_prefetch = 0 : i64, scratch_operands = 16 : i64, tpu.core_type = #tpu.core_type<sc_vector_subcore>, window_params = [{transform_indices = #map}, {transform_indices = #map1}, {transform_indices = #map1}]} {
    %mul3A = arith.constant 2 : i32
    %mul3A_0 = arith.muli %arg1, %mul3A : i32
    %add3A = arith.addi %mul3A_0, %arg0 : i32
    %mul3A_1 = arith.constant 512 : i32
    %mul3A_2 = arith.muli %add3A, %mul3A_1 : i32
    "tpu.region"() ({
      %run_scoped3A = tpu.sem_alloc : memref<!tpu.dma_semaphore, #tpu.memory_space<semaphore_mem>>
      %dma_start3A_386 = arith.constant 0 : i32
      %dma_start3A_387 = arith.constant 0 : i32
      %dma_start3A_388 = tpu.memref_slice %arg3[%add3A, %dma_start3A_386, %dma_start3A_387] : memref<32x200x128xi32, #tpu.memory_space<hbm>> -> memref<1x200x128xi32, #tpu.memory_space<hbm>>
      %dma_start3A_389 = tpu.memref_squeeze %dma_start3A_388 : memref<1x200x128xi32, #tpu.memory_space<hbm>> -> memref<200x128xi32, #tpu.memory_space<hbm>>
      %dma_start3A_390 = arith.constant 0 : i32
      %dma_start3A_391 = arith.constant 0 : i32
      %dma_start3A_392 = tpu.memref_slice %arg3[%add3A, %dma_start3A_390, %dma_start3A_391] : memref<32x200x128xi32, #tpu.memory_space<hbm>> -> memref<1x200x128xi32, #tpu.memory_space<hbm>>
      %dma_start3A_393 = tpu.memref_squeeze %dma_start3A_392 : memref<1x200x128xi32, #tpu.memory_space<hbm>> -> memref<200x128xi32, #tpu.memory_space<hbm>>
      tpu.enqueue_dma source(%dma_start3A_393 : memref<200x128xi32, #tpu.memory_space<hbm>>) target(%arg5 : memref<200x128xi32, #tpu.memory_space<vmem>>) target_semaphore(%run_scoped3A : memref<!tpu.dma_semaphore, #tpu.memory_space<semaphore_mem>>)
      %dma_wait3A_394 = arith.constant 0 : i32
      %dma_wait3A_395 = arith.constant 0 : i32
      %dma_wait3A_396 = tpu.memref_slice %arg3[%add3A, %dma_wait3A_394, %dma_wait3A_395] : memref<32x200x128xi32, #tpu.memory_space<hbm>> -> memref<1x200x128xi32, #tpu.memory_space<hbm>>
      %dma_wait3A_397 = tpu.memref_squeeze %dma_wait3A_396 : memref<1x200x128xi32, #tpu.memory_space<hbm>> -> memref<200x128xi32, #tpu.memory_space<hbm>>
      %dma_wait3A_398 = arith.constant 0 : i32
      %dma_wait3A_399 = arith.constant 0 : i32
      %dma_wait3A_400 = tpu.memref_slice %arg3[%add3A, %dma_wait3A_398, %dma_wait3A_399] : memref<32x200x128xi32, #tpu.memory_space<hbm>> -> memref<1x200x128xi32, #tpu.memory_space<hbm>>
      %dma_wait3A_401 = tpu.memref_squeeze %dma_wait3A_400 : memref<1x200x128xi32, #tpu.memory_space<hbm>> -> memref<200x128xi32, #tpu.memory_space<hbm>>
      tpu.wait_dma2 semaphore(%run_scoped3A : memref<!tpu.dma_semaphore, #tpu.memory_space<semaphore_mem>>) src(%dma_wait3A_401 : memref<200x128xi32, #tpu.memory_space<hbm>>) dst(%arg5 : memref<200x128xi32, #tpu.memory_space<vmem>>)
      tpu.yield
    }) : () -> ()
    %dma_start3A = arith.constant 0 : i32
    %dma_start3A_3 = arith.constant 0 : i32
    %dma_start3A_4 = tpu.memref_slice %arg5[%dma_start3A, %dma_start3A_3] : memref<200x128xi32, #tpu.memory_space<vmem>> -> memref<1x128xi32, #tpu.memory_space<vmem>>
    %dma_start3A_5 = tpu.memref_squeeze %dma_start3A_4 : memref<1x128xi32, #tpu.memory_space<vmem>> -> memref<128xi32, #tpu.memory_space<vmem>>
    %dma_start3A_6 = arith.constant 0 : i32
    %dma_start3A_7 = arith.constant 0 : i32
    %dma_start3A_8 = tpu.memref_slice %arg2[%dma_start3A_6, %dma_start3A_7] : memref<100000x128xf32, #tpu.memory_space<hbm>> -> memref<100000x128xf32, #tpu.memory_space<hbm>>
    tpu.enqueue_indirect_dma source(%dma_start3A_8 : memref<100000x128xf32, #tpu.memory_space<hbm>>) target(%arg6 : memref<128x128xf32, #tpu.memory_space<vmem>>) offsets(%dma_start3A_5 : memref<128xi32, #tpu.memory_space<vmem>>) semaphore(%arg11 : memref<!tpu.dma_semaphore, #tpu.memory_space<semaphore_mem>>)
    %dma_start3A_9 = arith.constant 1 : i32
    %dma_start3A_10 = arith.constant 0 : i32
    %dma_start3A_11 = tpu.memref_slice %arg5[%dma_start3A_9, %dma_start3A_10] : memref<200x128xi32, #tpu.memory_space<vmem>> -> memref<1x128xi32, #tpu.memory_space<vmem>>
    %dma_start3A_12 = tpu.memref_squeeze %dma_start3A_11 : memref<1x128xi32, #tpu.memory_space<vmem>> -> memref<128xi32, #tpu.memory_space<vmem>>
    %dma_start3A_13 = arith.constant 0 : i32
    %dma_start3A_14 = arith.constant 0 : i32
    %dma_start3A_15 = tpu.memref_slice %arg2[%dma_start3A_13, %dma_start3A_14] : memref<100000x128xf32, #tpu.memory_space<hbm>> -> memref<100000x128xf32, #tpu.memory_space<hbm>>
    tpu.enqueue_indirect_dma source(%dma_start3A_15 : memref<100000x128xf32, #tpu.memory_space<hbm>>) target(%arg7 : memref<128x128xf32, #tpu.memory_space<vmem>>) offsets(%dma_start3A_12 : memref<128xi32, #tpu.memory_space<vmem>>) semaphore(%arg12 : memref<!tpu.dma_semaphore, #tpu.memory_space<semaphore_mem>>)
    %dma_start3A_16 = arith.constant 2 : i32
    %dma_start3A_17 = arith.constant 0 : i32
    %dma_start3A_18 = tpu.memref_slice %arg5[%dma_start3A_16, %dma_start3A_17] : memref<200x128xi32, #tpu.memory_space<vmem>> -> memref<1x128xi32, #tpu.memory_space<vmem>>
    %dma_start3A_19 = tpu.memref_squeeze %dma_start3A_18 : memref<1x128xi32, #tpu.memory_space<vmem>> -> memref<128xi32, #tpu.memory_space<vmem>>
    %dma_start3A_20 = arith.constant 0 : i32
    %dma_start3A_21 = arith.constant 0 : i32
    %dma_start3A_22 = tpu.memref_slice %arg2[%dma_start3A_20, %dma_start3A_21] : memref<100000x128xf32, #tpu.memory_space<hbm>> -> memref<100000x128xf32, #tpu.memory_space<hbm>>
    tpu.enqueue_indirect_dma source(%dma_start3A_22 : memref<100000x128xf32, #tpu.memory_space<hbm>>) target(%arg8 : memref<128x128xf32, #tpu.memory_space<vmem>>) offsets(%dma_start3A_19 : memref<128xi32, #tpu.memory_space<vmem>>) semaphore(%arg13 : memref<!tpu.dma_semaphore, #tpu.memory_space<semaphore_mem>>)
    %dma_start3A_23 = arith.constant 3 : i32
    %dma_start3A_24 = arith.constant 0 : i32
    %dma_start3A_25 = tpu.memref_slice %arg5[%dma_start3A_23, %dma_start3A_24] : memref<200x128xi32, #tpu.memory_space<vmem>> -> memref<1x128xi32, #tpu.memory_space<vmem>>
    %dma_start3A_26 = tpu.memref_squeeze %dma_start3A_25 : memref<1x128xi32, #tpu.memory_space<vmem>> -> memref<128xi32, #tpu.memory_space<vmem>>
    %dma_start3A_27 = arith.constant 0 : i32
    %dma_start3A_28 = arith.constant 0 : i32
    %dma_start3A_29 = tpu.memref_slice %arg2[%dma_start3A_27, %dma_start3A_28] : memref<100000x128xf32, #tpu.memory_space<hbm>> -> memref<100000x128xf32, #tpu.memory_space<hbm>>
    tpu.enqueue_indirect_dma source(%dma_start3A_29 : memref<100000x128xf32, #tpu.memory_space<hbm>>) target(%arg9 : memref<128x128xf32, #tpu.memory_space<vmem>>) offsets(%dma_start3A_26 : memref<128xi32, #tpu.memory_space<vmem>>) semaphore(%arg14 : memref<!tpu.dma_semaphore, #tpu.memory_space<semaphore_mem>>)
    %dma_wait3A = arith.constant 0 : i32
    %dma_wait3A_30 = arith.constant 0 : i32
    %dma_wait3A_31 = tpu.memref_slice %arg5[%dma_wait3A, %dma_wait3A_30] : memref<200x128xi32, #tpu.memory_space<vmem>> -> memref<1x128xi32, #tpu.memory_space<vmem>>
    %dma_wait3A_32 = tpu.memref_squeeze %dma_wait3A_31 : memref<1x128xi32, #tpu.memory_space<vmem>> -> memref<128xi32, #tpu.memory_space<vmem>>
    %dma_wait3A_33 = arith.constant 0 : i32
    %dma_wait3A_34 = arith.constant 0 : i32
    %dma_wait3A_35 = tpu.memref_slice %arg2[%dma_wait3A_33, %dma_wait3A_34] : memref<100000x128xf32, #tpu.memory_space<hbm>> -> memref<100000x128xf32, #tpu.memory_space<hbm>>
    tpu.wait_indirect_dma semaphore(%arg11 : memref<!tpu.dma_semaphore, #tpu.memory_space<semaphore_mem>>) src(%dma_wait3A_35 : memref<100000x128xf32, #tpu.memory_space<hbm>>) dst(%arg6 : memref<128x128xf32, #tpu.memory_space<vmem>>)
    %scan3A = arith.constant 0 : i32
    %scan3A_36 = arith.constant 0 : i32
    %scan3A_37 = arith.constant 128 : i32
    %scan3A_38 = arith.addi %scan3A_36, %scan3A_37 : i32
    %scan3A_39 = arith.constant 1 : i32
    scf.for %scan3A_386 = %scan3A_36 to %scan3A_38 step %scan3A_39  : i32 {
      %get3A = arith.index_cast %scan3A_386 : i32 to index
      %get3A_387 = arith.constant 0 : index
      %get3A_388 = tpu.vector_load %arg6[%get3A, %get3A_387] {strides = array<i32>} : memref<128x128xf32, #tpu.memory_space<vmem>>, vector<1x16xf32>,
      %get3A_389 = vector.shape_cast %get3A_388 : vector<1x16xf32> to vector<16xf32>
      %mul3A_390 = arith.constant 11.3137083 : f32
      %mul3A_391 = vector.broadcast %mul3A_390 : f32 to vector<16xf32>
      %mul3A_392 = arith.mulf %get3A_389, %mul3A_391 : vector<16xf32>
      %swap3A = arith.index_cast %scan3A_386 : i32 to index
      %swap3A_393 = arith.constant 0 : index
      %swap3A_394 = tpu.vector_load %arg6[%swap3A, %swap3A_393] {strides = array<i32>} : memref<128x128xf32, #tpu.memory_space<vmem>>, vector<1x16xf32>,
      %swap3A_395 = vector.shape_cast %swap3A_394 : vector<1x16xf32> to vector<16xf32>
      %swap3A_396 = vector.shape_cast %mul3A_392 : vector<16xf32> to vector<1x16xf32>
      tpu.vector_store %arg6[%swap3A, %swap3A_393], %swap3A_396 {strides = array<i32>} : memref<128x128xf32, #tpu.memory_space<vmem>>, vector<1x16xf32>,
      %get3A_397 = arith.index_cast %scan3A_386 : i32 to index
      %get3A_398 = arith.constant 16 : index
      %get3A_399 = tpu.vector_load %arg6[%get3A_397, %get3A_398] {strides = array<i32>} : memref<128x128xf32, #tpu.memory_space<vmem>>, vector<1x16xf32>,
      %get3A_400 = vector.shape_cast %get3A_399 : vector<1x16xf32> to vector<16xf32>
      %mul3A_401 = arith.constant 11.3137083 : f32
      %mul3A_402 = vector.broadcast %mul3A_401 : f32 to vector<16xf32>
      %mul3A_403 = arith.mulf %get3A_400, %mul3A_402 : vector<16xf32>
      %swap3A_404 = arith.index_cast %scan3A_386 : i32 to index
      %swap3A_405 = arith.constant 16 : index
      %swap3A_406 = tpu.vector_load %arg6[%swap3A_404, %swap3A_405] {strides = array<i32>} : memref<128x128xf32, #tpu.memory_space<vmem>>, vector<1x16xf32>,
      %swap3A_407 = vector.shape_cast %swap3A_406 : vector<1x16xf32> to vector<16xf32>
      %swap3A_408 = vector.shape_cast %mul3A_403 : vector<16xf32> to vector<1x16xf32>
      tpu.vector_store %arg6[%swap3A_404, %swap3A_405], %swap3A_408 {strides = array<i32>} : memref<128x128xf32, #tpu.memory_space<vmem>>, vector<1x16xf32>,
      %get3A_409 = arith.index_cast %scan3A_386 : i32 to index
      %get3A_410 = arith.constant 32 : index
      %get3A_411 = tpu.vector_load %arg6[%get3A_409, %get3A_410] {strides = array<i32>} : memref<128x128xf32, #tpu.memory_space<vmem>>, vector<1x16xf32>,
      %get3A_412 = vector.shape_cast %get3A_411 : vector<1x16xf32> to vector<16xf32>
      %mul3A_413 = arith.constant 11.3137083 : f32
      %mul3A_414 = vector.broadcast %mul3A_413 : f32 to vector<16xf32>
      %mul3A_415 = arith.mulf %get3A_412, %mul3A_414 : vector<16xf32>
      %swap3A_416 = arith.index_cast %scan3A_386 : i32 to index
      %swap3A_417 = arith.constant 32 : index
      %swap3A_418 = tpu.vector_load %arg6[%swap3A_416, %swap3A_417] {strides = array<i32>} : memref<128x128xf32, #tpu.memory_space<vmem>>, vector<1x16xf32>,
      %swap3A_419 = vector.shape_cast %swap3A_418 : vector<1x16xf32> to vector<16xf32>
      %swap3A_420 = vector.shape_cast %mul3A_415 : vector<16xf32> to vector<1x16xf32>
      tpu.vector_store %arg6[%swap3A_416, %swap3A_417], %swap3A_420 {strides = array<i32>} : memref<128x128xf32, #tpu.memory_space<vmem>>, vector<1x16xf32>,
      %get3A_421 = arith.index_cast %scan3A_386 : i32 to index
      %get3A_422 = arith.constant 48 : index
      %get3A_423 = tpu.vector_load %arg6[%get3A_421, %get3A_422] {strides = array<i32>} : memref<128x128xf32, #tpu.memory_space<vmem>>, vector<1x16xf32>,
      %get3A_424 = vector.shape_cast %get3A_423 : vector<1x16xf32> to vector<16xf32>
      %mul3A_425 = arith.constant 11.3137083 : f32
      %mul3A_426 = vector.broadcast %mul3A_425 : f32 to vector<16xf32>
      %mul3A_427 = arith.mulf %get3A_424, %mul3A_426 : vector<16xf32>
      %swap3A_428 = arith.index_cast %scan3A_386 : i32 to index
      %swap3A_429 = arith.constant 48 : index
      %swap3A_430 = tpu.vector_load %arg6[%swap3A_428, %swap3A_429] {strides = array<i32>} : memref<128x128xf32, #tpu.memory_space<vmem>>, vector<1x16xf32>,
      %swap3A_431 = vector.shape_cast %swap3A_430 : vector<1x16xf32> to vector<16xf32>
      %swap3A_432 = vector.shape_cast %mul3A_427 : vector<16xf32> to vector<1x16xf32>
      tpu.vector_store %arg6[%swap3A_428, %swap3A_429], %swap3A_432 {strides = array<i32>} : memref<128x128xf32, #tpu.memory_space<vmem>>, vector<1x16xf32>,
      %get3A_433 = arith.index_cast %scan3A_386 : i32 to index
      %get3A_434 = arith.constant 64 : index
      %get3A_435 = tpu.vector_load %arg6[%get3A_433, %get3A_434] {strides = array<i32>} : memref<128x128xf32, #tpu.memory_space<vmem>>, vector<1x16xf32>,
      %get3A_436 = vector.shape_cast %get3A_435 : vector<1x16xf32> to vector<16xf32>
      %mul3A_437 = arith.constant 11.3137083 : f32
      %mul3A_438 = vector.broadcast %mul3A_437 : f32 to vector<16xf32>
      %mul3A_439 = arith.mulf %get3A_436, %mul3A_438 : vector<16xf32>
      %swap3A_440 = arith.index_cast %scan3A_386 : i32 to index
      %swap3A_441 = arith.constant 64 : index
      %swap3A_442 = tpu.vector_load %arg6[%swap3A_440, %swap3A_441] {strides = array<i32>} : memref<128x128xf32, #tpu.memory_space<vmem>>, vector<1x16xf32>,
      %swap3A_443 = vector.shape_cast %swap3A_442 : vector<1x16xf32> to vector<16xf32>
      %swap3A_444 = vector.shape_cast %mul3A_439 : vector<16xf32> to vector<1x16xf32>
      tpu.vector_store %arg6[%swap3A_440, %swap3A_441], %swap3A_444 {strides = array<i32>} : memref<128x128xf32, #tpu.memory_space<vmem>>, vector<1x16xf32>,
      %get3A_445 = arith.index_cast %scan3A_386 : i32 to index
      %get3A_446 = arith.constant 80 : index
      %get3A_447 = tpu.vector_load %arg6[%get3A_445, %get3A_446] {strides = array<i32>} : memref<128x128xf32, #tpu.memory_space<vmem>>, vector<1x16xf32>,
      %get3A_448 = vector.shape_cast %get3A_447 : vector<1x16xf32> to vector<16xf32>
      %mul3A_449 = arith.constant 11.3137083 : f32
      %mul3A_450 = vector.broadcast %mul3A_449 : f32 to vector<16xf32>
      %mul3A_451 = arith.mulf %get3A_448, %mul3A_450 : vector<16xf32>
      %swap3A_452 = arith.index_cast %scan3A_386 : i32 to index
      %swap3A_453 = arith.constant 80 : index
      %swap3A_454 = tpu.vector_load %arg6[%swap3A_452, %swap3A_453] {strides = array<i32>} : memref<128x128xf32, #tpu.memory_space<vmem>>, vector<1x16xf32>,
      %swap3A_455 = vector.shape_cast %swap3A_454 : vector<1x16xf32> to vector<16xf32>
      %swap3A_456 = vector.shape_cast %mul3A_451 : vector<16xf32> to vector<1x16xf32>
      tpu.vector_store %arg6[%swap3A_452, %swap3A_453], %swap3A_456 {strides = array<i32>} : memref<128x128xf32, #tpu.memory_space<vmem>>, vector<1x16xf32>,
      %get3A_457 = arith.index_cast %scan3A_386 : i32 to index
      %get3A_458 = arith.constant 96 : index
      %get3A_459 = tpu.vector_load %arg6[%get3A_457, %get3A_458] {strides = array<i32>} : memref<128x128xf32, #tpu.memory_space<vmem>>, vector<1x16xf32>,
      %get3A_460 = vector.shape_cast %get3A_459 : vector<1x16xf32> to vector<16xf32>
      %mul3A_461 = arith.constant 11.3137083 : f32
      %mul3A_462 = vector.broadcast %mul3A_461 : f32 to vector<16xf32>
      %mul3A_463 = arith.mulf %get3A_460, %mul3A_462 : vector<16xf32>
      %swap3A_464 = arith.index_cast %scan3A_386 : i32 to index
      %swap3A_465 = arith.constant 96 : index
      %swap3A_466 = tpu.vector_load %arg6[%swap3A_464, %swap3A_465] {strides = array<i32>} : memref<128x128xf32, #tpu.memory_space<vmem>>, vector<1x16xf32>,
      %swap3A_467 = vector.shape_cast %swap3A_466 : vector<1x16xf32> to vector<16xf32>
      %swap3A_468 = vector.shape_cast %mul3A_463 : vector<16xf32> to vector<1x16xf32>
      tpu.vector_store %arg6[%swap3A_464, %swap3A_465], %swap3A_468 {strides = array<i32>} : memref<128x128xf32, #tpu.memory_space<vmem>>, vector<1x16xf32>,
      %get3A_469 = arith.index_cast %scan3A_386 : i32 to index
      %get3A_470 = arith.constant 112 : index
      %get3A_471 = tpu.vector_load %arg6[%get3A_469, %get3A_470] {strides = array<i32>} : memref<128x128xf32, #tpu.memory_space<vmem>>, vector<1x16xf32>,
      %get3A_472 = vector.shape_cast %get3A_471 : vector<1x16xf32> to vector<16xf32>
      %mul3A_473 = arith.constant 11.3137083 : f32
      %mul3A_474 = vector.broadcast %mul3A_473 : f32 to vector<16xf32>
      %mul3A_475 = arith.mulf %get3A_472, %mul3A_474 : vector<16xf32>
      %swap3A_476 = arith.index_cast %scan3A_386 : i32 to index
      %swap3A_477 = arith.constant 112 : index
      %swap3A_478 = tpu.vector_load %arg6[%swap3A_476, %swap3A_477] {strides = array<i32>} : memref<128x128xf32, #tpu.memory_space<vmem>>, vector<1x16xf32>,
      %swap3A_479 = vector.shape_cast %swap3A_478 : vector<1x16xf32> to vector<16xf32>
      %swap3A_480 = vector.shape_cast %mul3A_475 : vector<16xf32> to vector<1x16xf32>
      tpu.vector_store %arg6[%swap3A_476, %swap3A_477], %swap3A_480 {strides = array<i32>} : memref<128x128xf32, #tpu.memory_space<vmem>>, vector<1x16xf32>,
    }
    %scan3A_40 = arith.constant 128 : i32
    %add3A_41 = arith.constant 0 : i32
    %add3A_42 = arith.addi %mul3A_2, %add3A_41 : i32
    %dma_start3A_43 = arith.constant 0 : i32
    %dma_start3A_44 = arith.constant 0 : i32
    %dma_start3A_45 = tpu.memref_slice %arg4[%dma_start3A_43, %add3A_42, %dma_start3A_44] : memref<50x16384x128xf32, #tpu.memory_space<hbm>> -> memref<1x128x128xf32, #tpu.memory_space<hbm>>
    %dma_start3A_46 = tpu.memref_squeeze %dma_start3A_45 : memref<1x128x128xf32, #tpu.memory_space<hbm>> -> memref<128x128xf32, #tpu.memory_space<hbm>>
    %dma_start3A_47 = arith.constant 0 : i32
    %dma_start3A_48 = tpu.memref_slice %arg4[%dma_start3A_43, %add3A_42, %dma_start3A_47] : memref<50x16384x128xf32, #tpu.memory_space<hbm>> -> memref<1x128x128xf32, #tpu.memory_space<hbm>>
    %dma_start3A_49 = tpu.memref_squeeze %dma_start3A_48 : memref<1x128x128xf32, #tpu.memory_space<hbm>> -> memref<128x128xf32, #tpu.memory_space<hbm>>
    tpu.enqueue_dma source(%arg6 : memref<128x128xf32, #tpu.memory_space<vmem>>) target(%dma_start3A_49 : memref<128x128xf32, #tpu.memory_space<hbm>>) target_semaphore(%arg16 : memref<!tpu.dma_semaphore, #tpu.memory_space<semaphore_mem>>)
    %dma_start3A_50 = arith.constant 4 : i32
    %dma_start3A_51 = arith.constant 0 : i32
    %dma_start3A_52 = tpu.memref_slice %arg5[%dma_start3A_50, %dma_start3A_51] : memref<200x128xi32, #tpu.memory_space<vmem>> -> memref<1x128xi32, #tpu.memory_space<vmem>>
    %dma_start3A_53 = tpu.memref_squeeze %dma_start3A_52 : memref<1x128xi32, #tpu.memory_space<vmem>> -> memref<128xi32, #tpu.memory_space<vmem>>
    %dma_start3A_54 = arith.constant 0 : i32
    %dma_start3A_55 = arith.constant 0 : i32
    %dma_start3A_56 = tpu.memref_slice %arg2[%dma_start3A_54, %dma_start3A_55] : memref<100000x128xf32, #tpu.memory_space<hbm>> -> memref<100000x128xf32, #tpu.memory_space<hbm>>
    tpu.enqueue_indirect_dma source(%dma_start3A_56 : memref<100000x128xf32, #tpu.memory_space<hbm>>) target(%arg10 : memref<128x128xf32, #tpu.memory_space<vmem>>) offsets(%dma_start3A_53 : memref<128xi32, #tpu.memory_space<vmem>>) semaphore(%arg15 : memref<!tpu.dma_semaphore, #tpu.memory_space<semaphore_mem>>)
    %dma_wait3A_57 = arith.constant 1 : i32
    %dma_wait3A_58 = arith.constant 0 : i32
    %dma_wait3A_59 = tpu.memref_slice %arg5[%dma_wait3A_57, %dma_wait3A_58] : memref<200x128xi32, #tpu.memory_space<vmem>> -> memref<1x128xi32, #tpu.memory_space<vmem>>
    %dma_wait3A_60 = tpu.memref_squeeze %dma_wait3A_59 : memref<1x128xi32, #tpu.memory_space<vmem>> -> memref<128xi32, #tpu.memory_space<vmem>>
    %dma_wait3A_61 = arith.constant 0 : i32
    %dma_wait3A_62 = arith.constant 0 : i32
    %dma_wait3A_63 = tpu.memref_slice %arg2[%dma_wait3A_61, %dma_wait3A_62] : memref<100000x128xf32, #tpu.memory_space<hbm>> -> memref<100000x128xf32, #tpu.memory_space<hbm>>
    tpu.wait_indirect_dma semaphore(%arg12 : memref<!tpu.dma_semaphore, #tpu.memory_space<semaphore_mem>>) src(%dma_wait3A_63 : memref<100000x128xf32, #tpu.memory_space<hbm>>) dst(%arg7 : memref<128x128xf32, #tpu.memory_space<vmem>>)
    %scan3A_64 = arith.constant 0 : i32
    %scan3A_65 = arith.constant 0 : i32
    %scan3A_66 = arith.constant 128 : i32
    %scan3A_67 = arith.addi %scan3A_65, %scan3A_66 : i32
    %scan3A_68 = arith.constant 1 : i32
    scf.for %scan3A_386 = %scan3A_65 to %scan3A_67 step %scan3A_68  : i32 {
      %get3A = arith.index_cast %scan3A_386 : i32 to index
      %get3A_387 = arith.constant 0 : index
      %get3A_388 = tpu.vector_load %arg7[%get3A, %get3A_387] {strides = array<i32>} : memref<128x128xf32, #tpu.memory_space<vmem>>, vector<1x16xf32>,
      %get3A_389 = vector.shape_cast %get3A_388 : vector<1x16xf32> to vector<16xf32>
      %mul3A_390 = arith.constant 11.3137083 : f32
      %mul3A_391 = vector.broadcast %mul3A_390 : f32 to vector<16xf32>
      %mul3A_392 = arith.mulf %get3A_389, %mul3A_391 : vector<16xf32>
      %swap3A = arith.index_cast %scan3A_386 : i32 to index
      %swap3A_393 = arith.constant 0 : index
      %swap3A_394 = tpu.vector_load %arg7[%swap3A, %swap3A_393] {strides = array<i32>} : memref<128x128xf32, #tpu.memory_space<vmem>>, vector<1x16xf32>,
      %swap3A_395 = vector.shape_cast %swap3A_394 : vector<1x16xf32> to vector<16xf32>
      %swap3A_396 = vector.shape_cast %mul3A_392 : vector<16xf32> to vector<1x16xf32>
      tpu.vector_store %arg7[%swap3A, %swap3A_393], %swap3A_396 {strides = array<i32>} : memref<128x128xf32, #tpu.memory_space<vmem>>, vector<1x16xf32>,
      %get3A_397 = arith.index_cast %scan3A_386 : i32 to index
      %get3A_398 = arith.constant 16 : index
      %get3A_399 = tpu.vector_load %arg7[%get3A_397, %get3A_398] {strides = array<i32>} : memref<128x128xf32, #tpu.memory_space<vmem>>, vector<1x16xf32>,
      %get3A_400 = vector.shape_cast %get3A_399 : vector<1x16xf32> to vector<16xf32>
      %mul3A_401 = arith.constant 11.3137083 : f32
      %mul3A_402 = vector.broadcast %mul3A_401 : f32 to vector<16xf32>
      %mul3A_403 = arith.mulf %get3A_400, %mul3A_402 : vector<16xf32>
      %swap3A_404 = arith.index_cast %scan3A_386 : i32 to index
      %swap3A_405 = arith.constant 16 : index
      %swap3A_406 = tpu.vector_load %arg7[%swap3A_404, %swap3A_405] {strides = array<i32>} : memref<128x128xf32, #tpu.memory_space<vmem>>, vector<1x16xf32>,
      %swap3A_407 = vector.shape_cast %swap3A_406 : vector<1x16xf32> to vector<16xf32>
      %swap3A_408 = vector.shape_cast %mul3A_403 : vector<16xf32> to vector<1x16xf32>
      tpu.vector_store %arg7[%swap3A_404, %swap3A_405], %swap3A_408 {strides = array<i32>} : memref<128x128xf32, #tpu.memory_space<vmem>>, vector<1x16xf32>,
      %get3A_409 = arith.index_cast %scan3A_386 : i32 to index
      %get3A_410 = arith.constant 32 : index
      %get3A_411 = tpu.vector_load %arg7[%get3A_409, %get3A_410] {strides = array<i32>} : memref<128x128xf32, #tpu.memory_space<vmem>>, vector<1x16xf32>,
      %get3A_412 = vector.shape_cast %get3A_411 : vector<1x16xf32> to vector<16xf32>
      %mul3A_413 = arith.constant 11.3137083 : f32
      %mul3A_414 = vector.broadcast %mul3A_413 : f32 to vector<16xf32>
      %mul3A_415 = arith.mulf %get3A_412, %mul3A_414 : vector<16xf32>
      %swap3A_416 = arith.index_cast %scan3A_386 : i32 to index
      %swap3A_417 = arith.constant 32 : index
      %swap3A_418 = tpu.vector_load %arg7[%swap3A_416, %swap3A_417] {strides = array<i32>} : memref<128x128xf32, #tpu.memory_space<vmem>>, vector<1x16xf32>,
      %swap3A_419 = vector.shape_cast %swap3A_418 : vector<1x16xf32> to vector<16xf32>
      %swap3A_420 = vector.shape_cast %mul3A_415 : vector<16xf32> to vector<1x16xf32>
      tpu.vector_store %arg7[%swap3A_416, %swap3A_417], %swap3A_420 {strides = array<i32>} : memref<128x128xf32, #tpu.memory_space<vmem>>, vector<1x16xf32>,
      %get3A_421 = arith.index_cast %scan3A_386 : i32 to index
      %get3A_422 = arith.constant 48 : index
      %get3A_423 = tpu.vector_load %arg7[%get3A_421, %get3A_422] {strides = array<i32>} : memref<128x128xf32, #tpu.memory_space<vmem>>, vector<1x16xf32>,
      %get3A_424 = vector.shape_cast %get3A_423 : vector<1x16xf32> to vector<16xf32>
      %mul3A_425 = arith.constant 11.3137083 : f32
      %mul3A_426 = vector.broadcast %mul3A_425 : f32 to vector<16xf32>
      %mul3A_427 = arith.mulf %get3A_424, %mul3A_426 : vector<16xf32>
      %swap3A_428 = arith.index_cast %scan3A_386 : i32 to index
      %swap3A_429 = arith.constant 48 : index
      %swap3A_430 = tpu.vector_load %arg7[%swap3A_428, %swap3A_429] {strides = array<i32>} : memref<128x128xf32, #tpu.memory_space<vmem>>, vector<1x16xf32>,
      %swap3A_431 = vector.shape_cast %swap3A_430 : vector<1x16xf32> to vector<16xf32>
      %swap3A_432 = vector.shape_cast %mul3A_427 : vector<16xf32> to vector<1x16xf32>
      tpu.vector_store %arg7[%swap3A_428, %swap3A_429], %swap3A_432 {strides = array<i32>} : memref<128x128xf32, #tpu.memory_space<vmem>>, vector<1x16xf32>,
      %get3A_433 = arith.index_cast %scan3A_386 : i32 to index
      %get3A_434 = arith.constant 64 : index
      %get3A_435 = tpu.vector_load %arg7[%get3A_433, %get3A_434] {strides = array<i32>} : memref<128x128xf32, #tpu.memory_space<vmem>>, vector<1x16xf32>,
      %get3A_436 = vector.shape_cast %get3A_435 : vector<1x16xf32> to vector<16xf32>
      %mul3A_437 = arith.constant 11.3137083 : f32
      %mul3A_438 = vector.broadcast %mul3A_437 : f32 to vector<16xf32>
      %mul3A_439 = arith.mulf %get3A_436, %mul3A_438 : vector<16xf32>
      %swap3A_440 = arith.index_cast %scan3A_386 : i32 to index
      %swap3A_441 = arith.constant 64 : index
      %swap3A_442 = tpu.vector_load %arg7[%swap3A_440, %swap3A_441] {strides = array<i32>} : memref<128x128xf32, #tpu.memory_space<vmem>>, vector<1x16xf32>,
      %swap3A_443 = vector.shape_cast %swap3A_442 : vector<1x16xf32> to vector<16xf32>
      %swap3A_444 = vector.shape_cast %mul3A_439 : vector<16xf32> to vector<1x16xf32>
      tpu.vector_store %arg7[%swap3A_440, %swap3A_441], %swap3A_444 {strides = array<i32>} : memref<128x128xf32, #tpu.memory_space<vmem>>, vector<1x16xf32>,
      %get3A_445 = arith.index_cast %scan3A_386 : i32 to index
      %get3A_446 = arith.constant 80 : index
      %get3A_447 = tpu.vector_load %arg7[%get3A_445, %get3A_446] {strides = array<i32>} : memref<128x128xf32, #tpu.memory_space<vmem>>, vector<1x16xf32>,
      %get3A_448 = vector.shape_cast %get3A_447 : vector<1x16xf32> to vector<16xf32>
      %mul3A_449 = arith.constant 11.3137083 : f32
      %mul3A_450 = vector.broadcast %mul3A_449 : f32 to vector<16xf32>
      %mul3A_451 = arith.mulf %get3A_448, %mul3A_450 : vector<16xf32>
      %swap3A_452 = arith.index_cast %scan3A_386 : i32 to index
      %swap3A_453 = arith.constant 80 : index
      %swap3A_454 = tpu.vector_load %arg7[%swap3A_452, %swap3A_453] {strides = array<i32>} : memref<128x128xf32, #tpu.memory_space<vmem>>, vector<1x16xf32>,
      %swap3A_455 = vector.shape_cast %swap3A_454 : vector<1x16xf32> to vector<16xf32>
      %swap3A_456 = vector.shape_cast %mul3A_451 : vector<16xf32> to vector<1x16xf32>
      tpu.vector_store %arg7[%swap3A_452, %swap3A_453], %swap3A_456 {strides = array<i32>} : memref<128x128xf32, #tpu.memory_space<vmem>>, vector<1x16xf32>,
      %get3A_457 = arith.index_cast %scan3A_386 : i32 to index
      %get3A_458 = arith.constant 96 : index
      %get3A_459 = tpu.vector_load %arg7[%get3A_457, %get3A_458] {strides = array<i32>} : memref<128x128xf32, #tpu.memory_space<vmem>>, vector<1x16xf32>,
      %get3A_460 = vector.shape_cast %get3A_459 : vector<1x16xf32> to vector<16xf32>
      %mul3A_461 = arith.constant 11.3137083 : f32
      %mul3A_462 = vector.broadcast %mul3A_461 : f32 to vector<16xf32>
      %mul3A_463 = arith.mulf %get3A_460, %mul3A_462 : vector<16xf32>
      %swap3A_464 = arith.index_cast %scan3A_386 : i32 to index
      %swap3A_465 = arith.constant 96 : index
      %swap3A_466 = tpu.vector_load %arg7[%swap3A_464, %swap3A_465] {strides = array<i32>} : memref<128x128xf32, #tpu.memory_space<vmem>>, vector<1x16xf32>,
      %swap3A_467 = vector.shape_cast %swap3A_466 : vector<1x16xf32> to vector<16xf32>
      %swap3A_468 = vector.shape_cast %mul3A_463 : vector<16xf32> to vector<1x16xf32>
      tpu.vector_store %arg7[%swap3A_464, %swap3A_465], %swap3A_468 {strides = array<i32>} : memref<128x128xf32, #tpu.memory_space<vmem>>, vector<1x16xf32>,
      %get3A_469 = arith.index_cast %scan3A_386 : i32 to index
      %get3A_470 = arith.constant 112 : index
      %get3A_471 = tpu.vector_load %arg7[%get3A_469, %get3A_470] {strides = array<i32>} : memref<128x128xf32, #tpu.memory_space<vmem>>, vector<1x16xf32>,
      %get3A_472 = vector.shape_cast %get3A_471 : vector<1x16xf32> to vector<16xf32>
      %mul3A_473 = arith.constant 11.3137083 : f32
      %mul3A_474 = vector.broadcast %mul3A_473 : f32 to vector<16xf32>
      %mul3A_475 = arith.mulf %get3A_472, %mul3A_474 : vector<16xf32>
      %swap3A_476 = arith.index_cast %scan3A_386 : i32 to index
      %swap3A_477 = arith.constant 112 : index
      %swap3A_478 = tpu.vector_load %arg7[%swap3A_476, %swap3A_477] {strides = array<i32>} : memref<128x128xf32, #tpu.memory_space<vmem>>, vector<1x16xf32>,
      %swap3A_479 = vector.shape_cast %swap3A_478 : vector<1x16xf32> to vector<16xf32>
      %swap3A_480 = vector.shape_cast %mul3A_475 : vector<16xf32> to vector<1x16xf32>
      tpu.vector_store %arg7[%swap3A_476, %swap3A_477], %swap3A_480 {strides = array<i32>} : memref<128x128xf32, #tpu.memory_space<vmem>>, vector<1x16xf32>,
    }
    %scan3A_69 = arith.constant 128 : i32
    %add3A_70 = arith.constant 128 : i32
    %add3A_71 = arith.addi %mul3A_2, %add3A_70 : i32
    %dma_start3A_72 = arith.constant 0 : i32
    %dma_start3A_73 = arith.constant 0 : i32
    %dma_start3A_74 = tpu.memref_slice %arg4[%dma_start3A_72, %add3A_71, %dma_start3A_73] : memref<50x16384x128xf32, #tpu.memory_space<hbm>> -> memref<1x128x128xf32, #tpu.memory_space<hbm>>
    %dma_start3A_75 = tpu.memref_squeeze %dma_start3A_74 : memref<1x128x128xf32, #tpu.memory_space<hbm>> -> memref<128x128xf32, #tpu.memory_space<hbm>>
    %dma_start3A_76 = arith.constant 0 : i32
    %dma_start3A_77 = tpu.memref_slice %arg4[%dma_start3A_72, %add3A_71, %dma_start3A_76] : memref<50x16384x128xf32, #tpu.memory_space<hbm>> -> memref<1x128x128xf32, #tpu.memory_space<hbm>>
    %dma_start3A_78 = tpu.memref_squeeze %dma_start3A_77 : memref<1x128x128xf32, #tpu.memory_space<hbm>> -> memref<128x128xf32, #tpu.memory_space<hbm>>
    tpu.enqueue_dma source(%arg7 : memref<128x128xf32, #tpu.memory_space<vmem>>) target(%dma_start3A_78 : memref<128x128xf32, #tpu.memory_space<hbm>>) target_semaphore(%arg17 : memref<!tpu.dma_semaphore, #tpu.memory_space<semaphore_mem>>)
    %add3A_79 = arith.constant 0 : i32
    %add3A_80 = arith.addi %mul3A_2, %add3A_79 : i32
    %dma_wait3A_81 = arith.constant 0 : i32
    %dma_wait3A_82 = arith.constant 0 : i32
    %dma_wait3A_83 = tpu.memref_slice %arg4[%dma_wait3A_81, %add3A_80, %dma_wait3A_82] : memref<50x16384x128xf32, #tpu.memory_space<hbm>> -> memref<1x128x128xf32, #tpu.memory_space<hbm>>
    %dma_wait3A_84 = tpu.memref_squeeze %dma_wait3A_83 : memref<1x128x128xf32, #tpu.memory_space<hbm>> -> memref<128x128xf32, #tpu.memory_space<hbm>>
    %dma_wait3A_85 = arith.constant 0 : i32
    %dma_wait3A_86 = tpu.memref_slice %arg4[%dma_wait3A_81, %add3A_80, %dma_wait3A_85] : memref<50x16384x128xf32, #tpu.memory_space<hbm>> -> memref<1x128x128xf32, #tpu.memory_space<hbm>>
    %dma_wait3A_87 = tpu.memref_squeeze %dma_wait3A_86 : memref<1x128x128xf32, #tpu.memory_space<hbm>> -> memref<128x128xf32, #tpu.memory_space<hbm>>
    tpu.wait_dma2 semaphore(%arg16 : memref<!tpu.dma_semaphore, #tpu.memory_space<semaphore_mem>>) src(%arg6 : memref<128x128xf32, #tpu.memory_space<vmem>>) dst(%dma_wait3A_87 : memref<128x128xf32, #tpu.memory_space<hbm>>)
    %dma_start3A_88 = arith.constant 5 : i32
    %dma_start3A_89 = arith.constant 0 : i32
    %dma_start3A_90 = tpu.memref_slice %arg5[%dma_start3A_88, %dma_start3A_89] : memref<200x128xi32, #tpu.memory_space<vmem>> -> memref<1x128xi32, #tpu.memory_space<vmem>>
    %dma_start3A_91 = tpu.memref_squeeze %dma_start3A_90 : memref<1x128xi32, #tpu.memory_space<vmem>> -> memref<128xi32, #tpu.memory_space<vmem>>
    %dma_start3A_92 = arith.constant 0 : i32
    %dma_start3A_93 = arith.constant 0 : i32
    %dma_start3A_94 = tpu.memref_slice %arg2[%dma_start3A_92, %dma_start3A_93] : memref<100000x128xf32, #tpu.memory_space<hbm>> -> memref<100000x128xf32, #tpu.memory_space<hbm>>
    tpu.enqueue_indirect_dma source(%dma_start3A_94 : memref<100000x128xf32, #tpu.memory_space<hbm>>) target(%arg6 : memref<128x128xf32, #tpu.memory_space<vmem>>) offsets(%dma_start3A_91 : memref<128xi32, #tpu.memory_space<vmem>>) semaphore(%arg11 : memref<!tpu.dma_semaphore, #tpu.memory_space<semaphore_mem>>)
    %dma_wait3A_95 = arith.constant 2 : i32
    %dma_wait3A_96 = arith.constant 0 : i32
    %dma_wait3A_97 = tpu.memref_slice %arg5[%dma_wait3A_95, %dma_wait3A_96] : memref<200x128xi32, #tpu.memory_space<vmem>> -> memref<1x128xi32, #tpu.memory_space<vmem>>
    %dma_wait3A_98 = tpu.memref_squeeze %dma_wait3A_97 : memref<1x128xi32, #tpu.memory_space<vmem>> -> memref<128xi32, #tpu.memory_space<vmem>>
    %dma_wait3A_99 = arith.constant 0 : i32
    %dma_wait3A_100 = arith.constant 0 : i32
    %dma_wait3A_101 = tpu.memref_slice %arg2[%dma_wait3A_99, %dma_wait3A_100] : memref<100000x128xf32, #tpu.memory_space<hbm>> -> memref<100000x128xf32, #tpu.memory_space<hbm>>
    tpu.wait_indirect_dma semaphore(%arg13 : memref<!tpu.dma_semaphore, #tpu.memory_space<semaphore_mem>>) src(%dma_wait3A_101 : memref<100000x128xf32, #tpu.memory_space<hbm>>) dst(%arg8 : memref<128x128xf32, #tpu.memory_space<vmem>>)
    %scan3A_102 = arith.constant 0 : i32
    %scan3A_103 = arith.constant 0 : i32
    %scan3A_104 = arith.constant 128 : i32
    %scan3A_105 = arith.addi %scan3A_103, %scan3A_104 : i32
    %scan3A_106 = arith.constant 1 : i32
    scf.for %scan3A_386 = %scan3A_103 to %scan3A_105 step %scan3A_106  : i32 {
      %get3A = arith.index_cast %scan3A_386 : i32 to index
      %get3A_387 = arith.constant 0 : index
      %get3A_388 = tpu.vector_load %arg8[%get3A, %get3A_387] {strides = array<i32>} : memref<128x128xf32, #tpu.memory_space<vmem>>, vector<1x16xf32>,
      %get3A_389 = vector.shape_cast %get3A_388 : vector<1x16xf32> to vector<16xf32>
      %mul3A_390 = arith.constant 11.3137083 : f32
      %mul3A_391 = vector.broadcast %mul3A_390 : f32 to vector<16xf32>
      %mul3A_392 = arith.mulf %get3A_389, %mul3A_391 : vector<16xf32>
      %swap3A = arith.index_cast %scan3A_386 : i32 to index
      %swap3A_393 = arith.constant 0 : index
      %swap3A_394 = tpu.vector_load %arg8[%swap3A, %swap3A_393] {strides = array<i32>} : memref<128x128xf32, #tpu.memory_space<vmem>>, vector<1x16xf32>,
      %swap3A_395 = vector.shape_cast %swap3A_394 : vector<1x16xf32> to vector<16xf32>
      %swap3A_396 = vector.shape_cast %mul3A_392 : vector<16xf32> to vector<1x16xf32>
      tpu.vector_store %arg8[%swap3A, %swap3A_393], %swap3A_396 {strides = array<i32>} : memref<128x128xf32, #tpu.memory_space<vmem>>, vector<1x16xf32>,
      %get3A_397 = arith.index_cast %scan3A_386 : i32 to index
      %get3A_398 = arith.constant 16 : index
      %get3A_399 = tpu.vector_load %arg8[%get3A_397, %get3A_398] {strides = array<i32>} : memref<128x128xf32, #tpu.memory_space<vmem>>, vector<1x16xf32>,
      %get3A_400 = vector.shape_cast %get3A_399 : vector<1x16xf32> to vector<16xf32>
      %mul3A_401 = arith.constant 11.3137083 : f32
      %mul3A_402 = vector.broadcast %mul3A_401 : f32 to vector<16xf32>
      %mul3A_403 = arith.mulf %get3A_400, %mul3A_402 : vector<16xf32>
      %swap3A_404 = arith.index_cast %scan3A_386 : i32 to index
      %swap3A_405 = arith.constant 16 : index
      %swap3A_406 = tpu.vector_load %arg8[%swap3A_404, %swap3A_405] {strides = array<i32>} : memref<128x128xf32, #tpu.memory_space<vmem>>, vector<1x16xf32>,
      %swap3A_407 = vector.shape_cast %swap3A_406 : vector<1x16xf32> to vector<16xf32>
      %swap3A_408 = vector.shape_cast %mul3A_403 : vector<16xf32> to vector<1x16xf32>
      tpu.vector_store %arg8[%swap3A_404, %swap3A_405], %swap3A_408 {strides = array<i32>} : memref<128x128xf32, #tpu.memory_space<vmem>>, vector<1x16xf32>,
      %get3A_409 = arith.index_cast %scan3A_386 : i32 to index
      %get3A_410 = arith.constant 32 : index
      %get3A_411 = tpu.vector_load %arg8[%get3A_409, %get3A_410] {strides = array<i32>} : memref<128x128xf32, #tpu.memory_space<vmem>>, vector<1x16xf32>,
      %get3A_412 = vector.shape_cast %get3A_411 : vector<1x16xf32> to vector<16xf32>
      %mul3A_413 = arith.constant 11.3137083 : f32
      %mul3A_414 = vector.broadcast %mul3A_413 : f32 to vector<16xf32>
      %mul3A_415 = arith.mulf %get3A_412, %mul3A_414 : vector<16xf32>
      %swap3A_416 = arith.index_cast %scan3A_386 : i32 to index
      %swap3A_417 = arith.constant 32 : index
      %swap3A_418 = tpu.vector_load %arg8[%swap3A_416, %swap3A_417] {strides = array<i32>} : memref<128x128xf32, #tpu.memory_space<vmem>>, vector<1x16xf32>,
      %swap3A_419 = vector.shape_cast %swap3A_418 : vector<1x16xf32> to vector<16xf32>
      %swap3A_420 = vector.shape_cast %mul3A_415 : vector<16xf32> to vector<1x16xf32>
      tpu.vector_store %arg8[%swap3A_416, %swap3A_417], %swap3A_420 {strides = array<i32>} : memref<128x128xf32, #tpu.memory_space<vmem>>, vector<1x16xf32>,
      %get3A_421 = arith.index_cast %scan3A_386 : i32 to index
      %get3A_422 = arith.constant 48 : index
      %get3A_423 = tpu.vector_load %arg8[%get3A_421, %get3A_422] {strides = array<i32>} : memref<128x128xf32, #tpu.memory_space<vmem>>, vector<1x16xf32>,
      %get3A_424 = vector.shape_cast %get3A_423 : vector<1x16xf32> to vector<16xf32>
      %mul3A_425 = arith.constant 11.3137083 : f32
      %mul3A_426 = vector.broadcast %mul3A_425 : f32 to vector<16xf32>
      %mul3A_427 = arith.mulf %get3A_424, %mul3A_426 : vector<16xf32>
      %swap3A_428 = arith.index_cast %scan3A_386 : i32 to index
      %swap3A_429 = arith.constant 48 : index
      %swap3A_430 = tpu.vector_load %arg8[%swap3A_428, %swap3A_429] {strides = array<i32>} : memref<128x128xf32, #tpu.memory_space<vmem>>, vector<1x16xf32>,
      %swap3A_431 = vector.shape_cast %swap3A_430 : vector<1x16xf32> to vector<16xf32>
      %swap3A_432 = vector.shape_cast %mul3A_427 : vector<16xf32> to vector<1x16xf32>
      tpu.vector_store %arg8[%swap3A_428, %swap3A_429], %swap3A_432 {strides = array<i32>} : memref<128x128xf32, #tpu.memory_space<vmem>>, vector<1x16xf32>,
      %get3A_433 = arith.index_cast %scan3A_386 : i32 to index
      %get3A_434 = arith.constant 64 : index
      %get3A_435 = tpu.vector_load %arg8[%get3A_433, %get3A_434] {strides = array<i32>} : memref<128x128xf32, #tpu.memory_space<vmem>>, vector<1x16xf32>,
      %get3A_436 = vector.shape_cast %get3A_435 : vector<1x16xf32> to vector<16xf32>
      %mul3A_437 = arith.constant 11.3137083 : f32
      %mul3A_438 = vector.broadcast %mul3A_437 : f32 to vector<16xf32>
      %mul3A_439 = arith.mulf %get3A_436, %mul3A_438 : vector<16xf32>
      %swap3A_440 = arith.index_cast %scan3A_386 : i32 to index
      %swap3A_441 = arith.constant 64 : index
      %swap3A_442 = tpu.vector_load %arg8[%swap3A_440, %swap3A_441] {strides = array<i32>} : memref<128x128xf32, #tpu.memory_space<vmem>>, vector<1x16xf32>,
      %swap3A_443 = vector.shape_cast %swap3A_442 : vector<1x16xf32> to vector<16xf32>
      %swap3A_444 = vector.shape_cast %mul3A_439 : vector<16xf32> to vector<1x16xf32>
      tpu.vector_store %arg8[%swap3A_440, %swap3A_441], %swap3A_444 {strides = array<i32>} : memref<128x128xf32, #tpu.memory_space<vmem>>, vector<1x16xf32>,
      %get3A_445 = arith.index_cast %scan3A_386 : i32 to index
      %get3A_446 = arith.constant 80 : index
      %get3A_447 = tpu.vector_load %arg8[%get3A_445, %get3A_446] {strides = array<i32>} : memref<128x128xf32, #tpu.memory_space<vmem>>, vector<1x16xf32>,
      %get3A_448 = vector.shape_cast %get3A_447 : vector<1x16xf32> to vector<16xf32>
      %mul3A_449 = arith.constant 11.3137083 : f32
      %mul3A_450 = vector.broadcast %mul3A_449 : f32 to vector<16xf32>
      %mul3A_451 = arith.mulf %get3A_448, %mul3A_450 : vector<16xf32>
      %swap3A_452 = arith.index_cast %scan3A_386 : i32 to index
      %swap3A_453 = arith.constant 80 : index
      %swap3A_454 = tpu.vector_load %arg8[%swap3A_452, %swap3A_453] {strides = array<i32>} : memref<128x128xf32, #tpu.memory_space<vmem>>, vector<1x16xf32>,
      %swap3A_455 = vector.shape_cast %swap3A_454 : vector<1x16xf32> to vector<16xf32>
      %swap3A_456 = vector.shape_cast %mul3A_451 : vector<16xf32> to vector<1x16xf32>
      tpu.vector_store %arg8[%swap3A_452, %swap3A_453], %swap3A_456 {strides = array<i32>} : memref<128x128xf32, #tpu.memory_space<vmem>>, vector<1x16xf32>,
      %get3A_457 = arith.index_cast %scan3A_386 : i32 to index
      %get3A_458 = arith.constant 96 : index
      %get3A_459 = tpu.vector_load %arg8[%get3A_457, %get3A_458] {strides = array<i32>} : memref<128x128xf32, #tpu.memory_space<vmem>>, vector<1x16xf32>,
      %get3A_460 = vector.shape_cast %get3A_459 : vector<1x16xf32> to vector<16xf32>
      %mul3A_461 = arith.constant 11.3137083 : f32
      %mul3A_462 = vector.broadcast %mul3A_461 : f32 to vector<16xf32>
      %mul3A_463 = arith.mulf %get3A_460, %mul3A_462 : vector<16xf32>
      %swap3A_464 = arith.index_cast %scan3A_386 : i32 to index
      %swap3A_465 = arith.constant 96 : index
      %swap3A_466 = tpu.vector_load %arg8[%swap3A_464, %swap3A_465] {strides = array<i32>} : memref<128x128xf32, #tpu.memory_space<vmem>>, vector<1x16xf32>,
      %swap3A_467 = vector.shape_cast %swap3A_466 : vector<1x16xf32> to vector<16xf32>
      %swap3A_468 = vector.shape_cast %mul3A_463 : vector<16xf32> to vector<1x16xf32>
      tpu.vector_store %arg8[%swap3A_464, %swap3A_465], %swap3A_468 {strides = array<i32>} : memref<128x128xf32, #tpu.memory_space<vmem>>, vector<1x16xf32>,
      %get3A_469 = arith.index_cast %scan3A_386 : i32 to index
      %get3A_470 = arith.constant 112 : index
      %get3A_471 = tpu.vector_load %arg8[%get3A_469, %get3A_470] {strides = array<i32>} : memref<128x128xf32, #tpu.memory_space<vmem>>, vector<1x16xf32>,
      %get3A_472 = vector.shape_cast %get3A_471 : vector<1x16xf32> to vector<16xf32>
      %mul3A_473 = arith.constant 11.3137083 : f32
      %mul3A_474 = vector.broadcast %mul3A_473 : f32 to vector<16xf32>
      %mul3A_475 = arith.mulf %get3A_472, %mul3A_474 : vector<16xf32>
      %swap3A_476 = arith.index_cast %scan3A_386 : i32 to index
      %swap3A_477 = arith.constant 112 : index
      %swap3A_478 = tpu.vector_load %arg8[%swap3A_476, %swap3A_477] {strides = array<i32>} : memref<128x128xf32, #tpu.memory_space<vmem>>, vector<1x16xf32>,
      %swap3A_479 = vector.shape_cast %swap3A_478 : vector<1x16xf32> to vector<16xf32>
      %swap3A_480 = vector.shape_cast %mul3A_475 : vector<16xf32> to vector<1x16xf32>
      tpu.vector_store %arg8[%swap3A_476, %swap3A_477], %swap3A_480 {strides = array<i32>} : memref<128x128xf32, #tpu.memory_space<vmem>>, vector<1x16xf32>,
    }
    %scan3A_107 = arith.constant 128 : i32
    %add3A_108 = arith.constant 256 : i32
    %add3A_109 = arith.addi %mul3A_2, %add3A_108 : i32
    %dma_start3A_110 = arith.constant 0 : i32
    %dma_start3A_111 = arith.constant 0 : i32
    %dma_start3A_112 = tpu.memref_slice %arg4[%dma_start3A_110, %add3A_109, %dma_start3A_111] : memref<50x16384x128xf32, #tpu.memory_space<hbm>> -> memref<1x128x128xf32, #tpu.memory_space<hbm>>
    %dma_start3A_113 = tpu.memref_squeeze %dma_start3A_112 : memref<1x128x128xf32, #tpu.memory_space<hbm>> -> memref<128x128xf32, #tpu.memory_space<hbm>>
    %dma_start3A_114 = arith.constant 0 : i32
    %dma_start3A_115 = tpu.memref_slice %arg4[%dma_start3A_110, %add3A_109, %dma_start3A_114] : memref<50x16384x128xf32, #tpu.memory_space<hbm>> -> memref<1x128x128xf32, #tpu.memory_space<hbm>>
    %dma_start3A_116 = tpu.memref_squeeze %dma_start3A_115 : memref<1x128x128xf32, #tpu.memory_space<hbm>> -> memref<128x128xf32, #tpu.memory_space<hbm>>
    tpu.enqueue_dma source(%arg8 : memref<128x128xf32, #tpu.memory_space<vmem>>) target(%dma_start3A_116 : memref<128x128xf32, #tpu.memory_space<hbm>>) target_semaphore(%arg18 : memref<!tpu.dma_semaphore, #tpu.memory_space<semaphore_mem>>)
    %add3A_117 = arith.constant 128 : i32
    %add3A_118 = arith.addi %mul3A_2, %add3A_117 : i32
    %dma_wait3A_119 = arith.constant 0 : i32
    %dma_wait3A_120 = arith.constant 0 : i32
    %dma_wait3A_121 = tpu.memref_slice %arg4[%dma_wait3A_119, %add3A_118, %dma_wait3A_120] : memref<50x16384x128xf32, #tpu.memory_space<hbm>> -> memref<1x128x128xf32, #tpu.memory_space<hbm>>
    %dma_wait3A_122 = tpu.memref_squeeze %dma_wait3A_121 : memref<1x128x128xf32, #tpu.memory_space<hbm>> -> memref<128x128xf32, #tpu.memory_space<hbm>>
    %dma_wait3A_123 = arith.constant 0 : i32
    %dma_wait3A_124 = tpu.memref_slice %arg4[%dma_wait3A_119, %add3A_118, %dma_wait3A_123] : memref<50x16384x128xf32, #tpu.memory_space<hbm>> -> memref<1x128x128xf32, #tpu.memory_space<hbm>>
    %dma_wait3A_125 = tpu.memref_squeeze %dma_wait3A_124 : memref<1x128x128xf32, #tpu.memory_space<hbm>> -> memref<128x128xf32, #tpu.memory_space<hbm>>
    tpu.wait_dma2 semaphore(%arg17 : memref<!tpu.dma_semaphore, #tpu.memory_space<semaphore_mem>>) src(%arg7 : memref<128x128xf32, #tpu.memory_space<vmem>>) dst(%dma_wait3A_125 : memref<128x128xf32, #tpu.memory_space<hbm>>)
    %dma_start3A_126 = arith.constant 6 : i32
    %dma_start3A_127 = arith.constant 0 : i32
    %dma_start3A_128 = tpu.memref_slice %arg5[%dma_start3A_126, %dma_start3A_127] : memref<200x128xi32, #tpu.memory_space<vmem>> -> memref<1x128xi32, #tpu.memory_space<vmem>>
    %dma_start3A_129 = tpu.memref_squeeze %dma_start3A_128 : memref<1x128xi32, #tpu.memory_space<vmem>> -> memref<128xi32, #tpu.memory_space<vmem>>
    %dma_start3A_130 = arith.constant 0 : i32
    %dma_start3A_131 = arith.constant 0 : i32
    %dma_start3A_132 = tpu.memref_slice %arg2[%dma_start3A_130, %dma_start3A_131] : memref<100000x128xf32, #tpu.memory_space<hbm>> -> memref<100000x128xf32, #tpu.memory_space<hbm>>
    tpu.enqueue_indirect_dma source(%dma_start3A_132 : memref<100000x128xf32, #tpu.memory_space<hbm>>) target(%arg7 : memref<128x128xf32, #tpu.memory_space<vmem>>) offsets(%dma_start3A_129 : memref<128xi32, #tpu.memory_space<vmem>>) semaphore(%arg12 : memref<!tpu.dma_semaphore, #tpu.memory_space<semaphore_mem>>)
    %dma_wait3A_133 = arith.constant 3 : i32
    %dma_wait3A_134 = arith.constant 0 : i32
    %dma_wait3A_135 = tpu.memref_slice %arg5[%dma_wait3A_133, %dma_wait3A_134] : memref<200x128xi32, #tpu.memory_space<vmem>> -> memref<1x128xi32, #tpu.memory_space<vmem>>
    %dma_wait3A_136 = tpu.memref_squeeze %dma_wait3A_135 : memref<1x128xi32, #tpu.memory_space<vmem>> -> memref<128xi32, #tpu.memory_space<vmem>>
    %dma_wait3A_137 = arith.constant 0 : i32
    %dma_wait3A_138 = arith.constant 0 : i32
    %dma_wait3A_139 = tpu.memref_slice %arg2[%dma_wait3A_137, %dma_wait3A_138] : memref<100000x128xf32, #tpu.memory_space<hbm>> -> memref<100000x128xf32, #tpu.memory_space<hbm>>
    tpu.wait_indirect_dma semaphore(%arg14 : memref<!tpu.dma_semaphore, #tpu.memory_space<semaphore_mem>>) src(%dma_wait3A_139 : memref<100000x128xf32, #tpu.memory_space<hbm>>) dst(%arg9 : memref<128x128xf32, #tpu.memory_space<vmem>>)
    %scan3A_140 = arith.constant 0 : i32
    %scan3A_141 = arith.constant 0 : i32
    %scan3A_142 = arith.constant 128 : i32
    %scan3A_143 = arith.addi %scan3A_141, %scan3A_142 : i32
    %scan3A_144 = arith.constant 1 : i32
    scf.for %scan3A_386 = %scan3A_141 to %scan3A_143 step %scan3A_144  : i32 {
      %get3A = arith.index_cast %scan3A_386 : i32 to index
      %get3A_387 = arith.constant 0 : index
      %get3A_388 = tpu.vector_load %arg9[%get3A, %get3A_387] {strides = array<i32>} : memref<128x128xf32, #tpu.memory_space<vmem>>, vector<1x16xf32>,
      %get3A_389 = vector.shape_cast %get3A_388 : vector<1x16xf32> to vector<16xf32>
      %mul3A_390 = arith.constant 11.3137083 : f32
      %mul3A_391 = vector.broadcast %mul3A_390 : f32 to vector<16xf32>
      %mul3A_392 = arith.mulf %get3A_389, %mul3A_391 : vector<16xf32>
      %swap3A = arith.index_cast %scan3A_386 : i32 to index
      %swap3A_393 = arith.constant 0 : index
      %swap3A_394 = tpu.vector_load %arg9[%swap3A, %swap3A_393] {strides = array<i32>} : memref<128x128xf32, #tpu.memory_space<vmem>>, vector<1x16xf32>,
      %swap3A_395 = vector.shape_cast %swap3A_394 : vector<1x16xf32> to vector<16xf32>
      %swap3A_396 = vector.shape_cast %mul3A_392 : vector<16xf32> to vector<1x16xf32>
      tpu.vector_store %arg9[%swap3A, %swap3A_393], %swap3A_396 {strides = array<i32>} : memref<128x128xf32, #tpu.memory_space<vmem>>, vector<1x16xf32>,
      %get3A_397 = arith.index_cast %scan3A_386 : i32 to index
      %get3A_398 = arith.constant 16 : index
      %get3A_399 = tpu.vector_load %arg9[%get3A_397, %get3A_398] {strides = array<i32>} : memref<128x128xf32, #tpu.memory_space<vmem>>, vector<1x16xf32>,
      %get3A_400 = vector.shape_cast %get3A_399 : vector<1x16xf32> to vector<16xf32>
      %mul3A_401 = arith.constant 11.3137083 : f32
      %mul3A_402 = vector.broadcast %mul3A_401 : f32 to vector<16xf32>
      %mul3A_403 = arith.mulf %get3A_400, %mul3A_402 : vector<16xf32>
      %swap3A_404 = arith.index_cast %scan3A_386 : i32 to index
      %swap3A_405 = arith.constant 16 : index
      %swap3A_406 = tpu.vector_load %arg9[%swap3A_404, %swap3A_405] {strides = array<i32>} : memref<128x128xf32, #tpu.memory_space<vmem>>, vector<1x16xf32>,
      %swap3A_407 = vector.shape_cast %swap3A_406 : vector<1x16xf32> to vector<16xf32>
      %swap3A_408 = vector.shape_cast %mul3A_403 : vector<16xf32> to vector<1x16xf32>
      tpu.vector_store %arg9[%swap3A_404, %swap3A_405], %swap3A_408 {strides = array<i32>} : memref<128x128xf32, #tpu.memory_space<vmem>>, vector<1x16xf32>,
      %get3A_409 = arith.index_cast %scan3A_386 : i32 to index
      %get3A_410 = arith.constant 32 : index
      %get3A_411 = tpu.vector_load %arg9[%get3A_409, %get3A_410] {strides = array<i32>} : memref<128x128xf32, #tpu.memory_space<vmem>>, vector<1x16xf32>,
      %get3A_412 = vector.shape_cast %get3A_411 : vector<1x16xf32> to vector<16xf32>
      %mul3A_413 = arith.constant 11.3137083 : f32
      %mul3A_414 = vector.broadcast %mul3A_413 : f32 to vector<16xf32>
      %mul3A_415 = arith.mulf %get3A_412, %mul3A_414 : vector<16xf32>
      %swap3A_416 = arith.index_cast %scan3A_386 : i32 to index
      %swap3A_417 = arith.constant 32 : index
      %swap3A_418 = tpu.vector_load %arg9[%swap3A_416, %swap3A_417] {strides = array<i32>} : memref<128x128xf32, #tpu.memory_space<vmem>>, vector<1x16xf32>,
      %swap3A_419 = vector.shape_cast %swap3A_418 : vector<1x16xf32> to vector<16xf32>
      %swap3A_420 = vector.shape_cast %mul3A_415 : vector<16xf32> to vector<1x16xf32>
      tpu.vector_store %arg9[%swap3A_416, %swap3A_417], %swap3A_420 {strides = array<i32>} : memref<128x128xf32, #tpu.memory_space<vmem>>, vector<1x16xf32>,
      %get3A_421 = arith.index_cast %scan3A_386 : i32 to index
      %get3A_422 = arith.constant 48 : index
      %get3A_423 = tpu.vector_load %arg9[%get3A_421, %get3A_422] {strides = array<i32>} : memref<128x128xf32, #tpu.memory_space<vmem>>, vector<1x16xf32>,
      %get3A_424 = vector.shape_cast %get3A_423 : vector<1x16xf32> to vector<16xf32>
      %mul3A_425 = arith.constant 11.3137083 : f32
      %mul3A_426 = vector.broadcast %mul3A_425 : f32 to vector<16xf32>
      %mul3A_427 = arith.mulf %get3A_424, %mul3A_426 : vector<16xf32>
      %swap3A_428 = arith.index_cast %scan3A_386 : i32 to index
      %swap3A_429 = arith.constant 48 : index
      %swap3A_430 = tpu.vector_load %arg9[%swap3A_428, %swap3A_429] {strides = array<i32>} : memref<128x128xf32, #tpu.memory_space<vmem>>, vector<1x16xf32>,
      %swap3A_431 = vector.shape_cast %swap3A_430 : vector<1x16xf32> to vector<16xf32>
      %swap3A_432 = vector.shape_cast %mul3A_427 : vector<16xf32> to vector<1x16xf32>
      tpu.vector_store %arg9[%swap3A_428, %swap3A_429], %swap3A_432 {strides = array<i32>} : memref<128x128xf32, #tpu.memory_space<vmem>>, vector<1x16xf32>,
      %get3A_433 = arith.index_cast %scan3A_386 : i32 to index
      %get3A_434 = arith.constant 64 : index
      %get3A_435 = tpu.vector_load %arg9[%get3A_433, %get3A_434] {strides = array<i32>} : memref<128x128xf32, #tpu.memory_space<vmem>>, vector<1x16xf32>,
      %get3A_436 = vector.shape_cast %get3A_435 : vector<1x16xf32> to vector<16xf32>
      %mul3A_437 = arith.constant 11.3137083 : f32
      %mul3A_438 = vector.broadcast %mul3A_437 : f32 to vector<16xf32>
      %mul3A_439 = arith.mulf %get3A_436, %mul3A_438 : vector<16xf32>
      %swap3A_440 = arith.index_cast %scan3A_386 : i32 to index
      %swap3A_441 = arith.constant 64 : index
      %swap3A_442 = tpu.vector_load %arg9[%swap3A_440, %swap3A_441] {strides = array<i32>} : memref<128x128xf32, #tpu.memory_space<vmem>>, vector<1x16xf32>,
      %swap3A_443 = vector.shape_cast %swap3A_442 : vector<1x16xf32> to vector<16xf32>
      %swap3A_444 = vector.shape_cast %mul3A_439 : vector<16xf32> to vector<1x16xf32>
      tpu.vector_store %arg9[%swap3A_440, %swap3A_441], %swap3A_444 {strides = array<i32>} : memref<128x128xf32, #tpu.memory_space<vmem>>, vector<1x16xf32>,
      %get3A_445 = arith.index_cast %scan3A_386 : i32 to index
      %get3A_446 = arith.constant 80 : index
      %get3A_447 = tpu.vector_load %arg9[%get3A_445, %get3A_446] {strides = array<i32>} : memref<128x128xf32, #tpu.memory_space<vmem>>, vector<1x16xf32>,
      %get3A_448 = vector.shape_cast %get3A_447 : vector<1x16xf32> to vector<16xf32>
      %mul3A_449 = arith.constant 11.3137083 : f32
      %mul3A_450 = vector.broadcast %mul3A_449 : f32 to vector<16xf32>
      %mul3A_451 = arith.mulf %get3A_448, %mul3A_450 : vector<16xf32>
      %swap3A_452 = arith.index_cast %scan3A_386 : i32 to index
      %swap3A_453 = arith.constant 80 : index
      %swap3A_454 = tpu.vector_load %arg9[%swap3A_452, %swap3A_453] {strides = array<i32>} : memref<128x128xf32, #tpu.memory_space<vmem>>, vector<1x16xf32>,
      %swap3A_455 = vector.shape_cast %swap3A_454 : vector<1x16xf32> to vector<16xf32>
      %swap3A_456 = vector.shape_cast %mul3A_451 : vector<16xf32> to vector<1x16xf32>
      tpu.vector_store %arg9[%swap3A_452, %swap3A_453], %swap3A_456 {strides = array<i32>} : memref<128x128xf32, #tpu.memory_space<vmem>>, vector<1x16xf32>,
      %get3A_457 = arith.index_cast %scan3A_386 : i32 to index
      %get3A_458 = arith.constant 96 : index
      %get3A_459 = tpu.vector_load %arg9[%get3A_457, %get3A_458] {strides = array<i32>} : memref<128x128xf32, #tpu.memory_space<vmem>>, vector<1x16xf32>,
      %get3A_460 = vector.shape_cast %get3A_459 : vector<1x16xf32> to vector<16xf32>
      %mul3A_461 = arith.constant 11.3137083 : f32
      %mul3A_462 = vector.broadcast %mul3A_461 : f32 to vector<16xf32>
      %mul3A_463 = arith.mulf %get3A_460, %mul3A_462 : vector<16xf32>
      %swap3A_464 = arith.index_cast %scan3A_386 : i32 to index
      %swap3A_465 = arith.constant 96 : index
      %swap3A_466 = tpu.vector_load %arg9[%swap3A_464, %swap3A_465] {strides = array<i32>} : memref<128x128xf32, #tpu.memory_space<vmem>>, vector<1x16xf32>,
      %swap3A_467 = vector.shape_cast %swap3A_466 : vector<1x16xf32> to vector<16xf32>
      %swap3A_468 = vector.shape_cast %mul3A_463 : vector<16xf32> to vector<1x16xf32>
      tpu.vector_store %arg9[%swap3A_464, %swap3A_465], %swap3A_468 {strides = array<i32>} : memref<128x128xf32, #tpu.memory_space<vmem>>, vector<1x16xf32>,
      %get3A_469 = arith.index_cast %scan3A_386 : i32 to index
      %get3A_470 = arith.constant 112 : index
      %get3A_471 = tpu.vector_load %arg9[%get3A_469, %get3A_470] {strides = array<i32>} : memref<128x128xf32, #tpu.memory_space<vmem>>, vector<1x16xf32>,
      %get3A_472 = vector.shape_cast %get3A_471 : vector<1x16xf32> to vector<16xf32>
      %mul3A_473 = arith.constant 11.3137083 : f32
      %mul3A_474 = vector.broadcast %mul3A_473 : f32 to vector<16xf32>
      %mul3A_475 = arith.mulf %get3A_472, %mul3A_474 : vector<16xf32>
      %swap3A_476 = arith.index_cast %scan3A_386 : i32 to index
      %swap3A_477 = arith.constant 112 : index
      %swap3A_478 = tpu.vector_load %arg9[%swap3A_476, %swap3A_477] {strides = array<i32>} : memref<128x128xf32, #tpu.memory_space<vmem>>, vector<1x16xf32>,
      %swap3A_479 = vector.shape_cast %swap3A_478 : vector<1x16xf32> to vector<16xf32>
      %swap3A_480 = vector.shape_cast %mul3A_475 : vector<16xf32> to vector<1x16xf32>
      tpu.vector_store %arg9[%swap3A_476, %swap3A_477], %swap3A_480 {strides = array<i32>} : memref<128x128xf32, #tpu.memory_space<vmem>>, vector<1x16xf32>,
    }
    %scan3A_145 = arith.constant 128 : i32
    %add3A_146 = arith.constant 384 : i32
    %add3A_147 = arith.addi %mul3A_2, %add3A_146 : i32
    %dma_start3A_148 = arith.constant 0 : i32
    %dma_start3A_149 = arith.constant 0 : i32
    %dma_start3A_150 = tpu.memref_slice %arg4[%dma_start3A_148, %add3A_147, %dma_start3A_149] : memref<50x16384x128xf32, #tpu.memory_space<hbm>> -> memref<1x128x128xf32, #tpu.memory_space<hbm>>
    %dma_start3A_151 = tpu.memref_squeeze %dma_start3A_150 : memref<1x128x128xf32, #tpu.memory_space<hbm>> -> memref<128x128xf32, #tpu.memory_space<hbm>>
    %dma_start3A_152 = arith.constant 0 : i32
    %dma_start3A_153 = tpu.memref_slice %arg4[%dma_start3A_148, %add3A_147, %dma_start3A_152] : memref<50x16384x128xf32, #tpu.memory_space<hbm>> -> memref<1x128x128xf32, #tpu.memory_space<hbm>>
    %dma_start3A_154 = tpu.memref_squeeze %dma_start3A_153 : memref<1x128x128xf32, #tpu.memory_space<hbm>> -> memref<128x128xf32, #tpu.memory_space<hbm>>
    tpu.enqueue_dma source(%arg9 : memref<128x128xf32, #tpu.memory_space<vmem>>) target(%dma_start3A_154 : memref<128x128xf32, #tpu.memory_space<hbm>>) target_semaphore(%arg19 : memref<!tpu.dma_semaphore, #tpu.memory_space<semaphore_mem>>)
    %add3A_155 = arith.constant 256 : i32
    %add3A_156 = arith.addi %mul3A_2, %add3A_155 : i32
    %dma_wait3A_157 = arith.constant 0 : i32
    %dma_wait3A_158 = arith.constant 0 : i32
    %dma_wait3A_159 = tpu.memref_slice %arg4[%dma_wait3A_157, %add3A_156, %dma_wait3A_158] : memref<50x16384x128xf32, #tpu.memory_space<hbm>> -> memref<1x128x128xf32, #tpu.memory_space<hbm>>
    %dma_wait3A_160 = tpu.memref_squeeze %dma_wait3A_159 : memref<1x128x128xf32, #tpu.memory_space<hbm>> -> memref<128x128xf32, #tpu.memory_space<hbm>>
    %dma_wait3A_161 = arith.constant 0 : i32
    %dma_wait3A_162 = tpu.memref_slice %arg4[%dma_wait3A_157, %add3A_156, %dma_wait3A_161] : memref<50x16384x128xf32, #tpu.memory_space<hbm>> -> memref<1x128x128xf32, #tpu.memory_space<hbm>>
    %dma_wait3A_163 = tpu.memref_squeeze %dma_wait3A_162 : memref<1x128x128xf32, #tpu.memory_space<hbm>> -> memref<128x128xf32, #tpu.memory_space<hbm>>
    tpu.wait_dma2 semaphore(%arg18 : memref<!tpu.dma_semaphore, #tpu.memory_space<semaphore_mem>>) src(%arg8 : memref<128x128xf32, #tpu.memory_space<vmem>>) dst(%dma_wait3A_163 : memref<128x128xf32, #tpu.memory_space<hbm>>)
    %dma_start3A_164 = arith.constant 7 : i32
    %dma_start3A_165 = arith.constant 0 : i32
    %dma_start3A_166 = tpu.memref_slice %arg5[%dma_start3A_164, %dma_start3A_165] : memref<200x128xi32, #tpu.memory_space<vmem>> -> memref<1x128xi32, #tpu.memory_space<vmem>>
    %dma_start3A_167 = tpu.memref_squeeze %dma_start3A_166 : memref<1x128xi32, #tpu.memory_space<vmem>> -> memref<128xi32, #tpu.memory_space<vmem>>
    %dma_start3A_168 = arith.constant 0 : i32
    %dma_start3A_169 = arith.constant 0 : i32
    %dma_start3A_170 = tpu.memref_slice %arg2[%dma_start3A_168, %dma_start3A_169] : memref<100000x128xf32, #tpu.memory_space<hbm>> -> memref<100000x128xf32, #tpu.memory_space<hbm>>
    tpu.enqueue_indirect_dma source(%dma_start3A_170 : memref<100000x128xf32, #tpu.memory_space<hbm>>) target(%arg8 : memref<128x128xf32, #tpu.memory_space<vmem>>) offsets(%dma_start3A_167 : memref<128xi32, #tpu.memory_space<vmem>>) semaphore(%arg13 : memref<!tpu.dma_semaphore, #tpu.memory_space<semaphore_mem>>)
    %dma_wait3A_171 = arith.constant 4 : i32
    %dma_wait3A_172 = arith.constant 0 : i32
    %dma_wait3A_173 = tpu.memref_slice %arg5[%dma_wait3A_171, %dma_wait3A_172] : memref<200x128xi32, #tpu.memory_space<vmem>> -> memref<1x128xi32, #tpu.memory_space<vmem>>
    %dma_wait3A_174 = tpu.memref_squeeze %dma_wait3A_173 : memref<1x128xi32, #tpu.memory_space<vmem>> -> memref<128xi32, #tpu.memory_space<vmem>>
    %dma_wait3A_175 = arith.constant 0 : i32
    %dma_wait3A_176 = arith.constant 0 : i32
    %dma_wait3A_177 = tpu.memref_slice %arg2[%dma_wait3A_175, %dma_wait3A_176] : memref<100000x128xf32, #tpu.memory_space<hbm>> -> memref<100000x128xf32, #tpu.memory_space<hbm>>
    tpu.wait_indirect_dma semaphore(%arg15 : memref<!tpu.dma_semaphore, #tpu.memory_space<semaphore_mem>>) src(%dma_wait3A_177 : memref<100000x128xf32, #tpu.memory_space<hbm>>) dst(%arg10 : memref<128x128xf32, #tpu.memory_space<vmem>>)
    %scan3A_178 = arith.constant 0 : i32
    %scan3A_179 = arith.constant 0 : i32
    %scan3A_180 = arith.constant 128 : i32
    %scan3A_181 = arith.addi %scan3A_179, %scan3A_180 : i32
    %scan3A_182 = arith.constant 1 : i32
    scf.for %scan3A_386 = %scan3A_179 to %scan3A_181 step %scan3A_182  : i32 {
      %get3A = arith.index_cast %scan3A_386 : i32 to index
      %get3A_387 = arith.constant 0 : index
      %get3A_388 = tpu.vector_load %arg10[%get3A, %get3A_387] {strides = array<i32>} : memref<128x128xf32, #tpu.memory_space<vmem>>, vector<1x16xf32>,
      %get3A_389 = vector.shape_cast %get3A_388 : vector<1x16xf32> to vector<16xf32>
      %mul3A_390 = arith.constant 11.3137083 : f32
      %mul3A_391 = vector.broadcast %mul3A_390 : f32 to vector<16xf32>
      %mul3A_392 = arith.mulf %get3A_389, %mul3A_391 : vector<16xf32>
      %swap3A = arith.index_cast %scan3A_386 : i32 to index
      %swap3A_393 = arith.constant 0 : index
      %swap3A_394 = tpu.vector_load %arg10[%swap3A, %swap3A_393] {strides = array<i32>} : memref<128x128xf32, #tpu.memory_space<vmem>>, vector<1x16xf32>,
      %swap3A_395 = vector.shape_cast %swap3A_394 : vector<1x16xf32> to vector<16xf32>
      %swap3A_396 = vector.shape_cast %mul3A_392 : vector<16xf32> to vector<1x16xf32>
      tpu.vector_store %arg10[%swap3A, %swap3A_393], %swap3A_396 {strides = array<i32>} : memref<128x128xf32, #tpu.memory_space<vmem>>, vector<1x16xf32>,
      %get3A_397 = arith.index_cast %scan3A_386 : i32 to index
      %get3A_398 = arith.constant 16 : index
      %get3A_399 = tpu.vector_load %arg10[%get3A_397, %get3A_398] {strides = array<i32>} : memref<128x128xf32, #tpu.memory_space<vmem>>, vector<1x16xf32>,
      %get3A_400 = vector.shape_cast %get3A_399 : vector<1x16xf32> to vector<16xf32>
      %mul3A_401 = arith.constant 11.3137083 : f32
      %mul3A_402 = vector.broadcast %mul3A_401 : f32 to vector<16xf32>
      %mul3A_403 = arith.mulf %get3A_400, %mul3A_402 : vector<16xf32>
      %swap3A_404 = arith.index_cast %scan3A_386 : i32 to index
      %swap3A_405 = arith.constant 16 : index
      %swap3A_406 = tpu.vector_load %arg10[%swap3A_404, %swap3A_405] {strides = array<i32>} : memref<128x128xf32, #tpu.memory_space<vmem>>, vector<1x16xf32>,
      %swap3A_407 = vector.shape_cast %swap3A_406 : vector<1x16xf32> to vector<16xf32>
      %swap3A_408 = vector.shape_cast %mul3A_403 : vector<16xf32> to vector<1x16xf32>
      tpu.vector_store %arg10[%swap3A_404, %swap3A_405], %swap3A_408 {strides = array<i32>} : memref<128x128xf32, #tpu.memory_space<vmem>>, vector<1x16xf32>,
      %get3A_409 = arith.index_cast %scan3A_386 : i32 to index
      %get3A_410 = arith.constant 32 : index
      %get3A_411 = tpu.vector_load %arg10[%get3A_409, %get3A_410] {strides = array<i32>} : memref<128x128xf32, #tpu.memory_space<vmem>>, vector<1x16xf32>,
      %get3A_412 = vector.shape_cast %get3A_411 : vector<1x16xf32> to vector<16xf32>
      %mul3A_413 = arith.constant 11.3137083 : f32
      %mul3A_414 = vector.broadcast %mul3A_413 : f32 to vector<16xf32>
      %mul3A_415 = arith.mulf %get3A_412, %mul3A_414 : vector<16xf32>
      %swap3A_416 = arith.index_cast %scan3A_386 : i32 to index
      %swap3A_417 = arith.constant 32 : index
      %swap3A_418 = tpu.vector_load %arg10[%swap3A_416, %swap3A_417] {strides = array<i32>} : memref<128x128xf32, #tpu.memory_space<vmem>>, vector<1x16xf32>,
      %swap3A_419 = vector.shape_cast %swap3A_418 : vector<1x16xf32> to vector<16xf32>
      %swap3A_420 = vector.shape_cast %mul3A_415 : vector<16xf32> to vector<1x16xf32>
      tpu.vector_store %arg10[%swap3A_416, %swap3A_417], %swap3A_420 {strides = array<i32>} : memref<128x128xf32, #tpu.memory_space<vmem>>, vector<1x16xf32>,
      %get3A_421 = arith.index_cast %scan3A_386 : i32 to index
      %get3A_422 = arith.constant 48 : index
      %get3A_423 = tpu.vector_load %arg10[%get3A_421, %get3A_422] {strides = array<i32>} : memref<128x128xf32, #tpu.memory_space<vmem>>, vector<1x16xf32>,
      %get3A_424 = vector.shape_cast %get3A_423 : vector<1x16xf32> to vector<16xf32>
      %mul3A_425 = arith.constant 11.3137083 : f32
      %mul3A_426 = vector.broadcast %mul3A_425 : f32 to vector<16xf32>
      %mul3A_427 = arith.mulf %get3A_424, %mul3A_426 : vector<16xf32>
      %swap3A_428 = arith.index_cast %scan3A_386 : i32 to index
      %swap3A_429 = arith.constant 48 : index
      %swap3A_430 = tpu.vector_load %arg10[%swap3A_428, %swap3A_429] {strides = array<i32>} : memref<128x128xf32, #tpu.memory_space<vmem>>, vector<1x16xf32>,
      %swap3A_431 = vector.shape_cast %swap3A_430 : vector<1x16xf32> to vector<16xf32>
      %swap3A_432 = vector.shape_cast %mul3A_427 : vector<16xf32> to vector<1x16xf32>
      tpu.vector_store %arg10[%swap3A_428, %swap3A_429], %swap3A_432 {strides = array<i32>} : memref<128x128xf32, #tpu.memory_space<vmem>>, vector<1x16xf32>,
      %get3A_433 = arith.index_cast %scan3A_386 : i32 to index
      %get3A_434 = arith.constant 64 : index
      %get3A_435 = tpu.vector_load %arg10[%get3A_433, %get3A_434] {strides = array<i32>} : memref<128x128xf32, #tpu.memory_space<vmem>>, vector<1x16xf32>,
      %get3A_436 = vector.shape_cast %get3A_435 : vector<1x16xf32> to vector<16xf32>
      %mul3A_437 = arith.constant 11.3137083 : f32
      %mul3A_438 = vector.broadcast %mul3A_437 : f32 to vector<16xf32>
      %mul3A_439 = arith.mulf %get3A_436, %mul3A_438 : vector<16xf32>
      %swap3A_440 = arith.index_cast %scan3A_386 : i32 to index
      %swap3A_441 = arith.constant 64 : index
      %swap3A_442 = tpu.vector_load %arg10[%swap3A_440, %swap3A_441] {strides = array<i32>} : memref<128x128xf32, #tpu.memory_space<vmem>>, vector<1x16xf32>,
      %swap3A_443 = vector.shape_cast %swap3A_442 : vector<1x16xf32> to vector<16xf32>
      %swap3A_444 = vector.shape_cast %mul3A_439 : vector<16xf32> to vector<1x16xf32>
      tpu.vector_store %arg10[%swap3A_440, %swap3A_441], %swap3A_444 {strides = array<i32>} : memref<128x128xf32, #tpu.memory_space<vmem>>, vector<1x16xf32>,
      %get3A_445 = arith.index_cast %scan3A_386 : i32 to index
      %get3A_446 = arith.constant 80 : index
      %get3A_447 = tpu.vector_load %arg10[%get3A_445, %get3A_446] {strides = array<i32>} : memref<128x128xf32, #tpu.memory_space<vmem>>, vector<1x16xf32>,
      %get3A_448 = vector.shape_cast %get3A_447 : vector<1x16xf32> to vector<16xf32>
      %mul3A_449 = arith.constant 11.3137083 : f32
      %mul3A_450 = vector.broadcast %mul3A_449 : f32 to vector<16xf32>
      %mul3A_451 = arith.mulf %get3A_448, %mul3A_450 : vector<16xf32>
      %swap3A_452 = arith.index_cast %scan3A_386 : i32 to index
      %swap3A_453 = arith.constant 80 : index
      %swap3A_454 = tpu.vector_load %arg10[%swap3A_452, %swap3A_453] {strides = array<i32>} : memref<128x128xf32, #tpu.memory_space<vmem>>, vector<1x16xf32>,
      %swap3A_455 = vector.shape_cast %swap3A_454 : vector<1x16xf32> to vector<16xf32>
      %swap3A_456 = vector.shape_cast %mul3A_451 : vector<16xf32> to vector<1x16xf32>
      tpu.vector_store %arg10[%swap3A_452, %swap3A_453], %swap3A_456 {strides = array<i32>} : memref<128x128xf32, #tpu.memory_space<vmem>>, vector<1x16xf32>,
      %get3A_457 = arith.index_cast %scan3A_386 : i32 to index
      %get3A_458 = arith.constant 96 : index
      %get3A_459 = tpu.vector_load %arg10[%get3A_457, %get3A_458] {strides = array<i32>} : memref<128x128xf32, #tpu.memory_space<vmem>>, vector<1x16xf32>,
      %get3A_460 = vector.shape_cast %get3A_459 : vector<1x16xf32> to vector<16xf32>
      %mul3A_461 = arith.constant 11.3137083 : f32
      %mul3A_462 = vector.broadcast %mul3A_461 : f32 to vector<16xf32>
      %mul3A_463 = arith.mulf %get3A_460, %mul3A_462 : vector<16xf32>
      %swap3A_464 = arith.index_cast %scan3A_386 : i32 to index
      %swap3A_465 = arith.constant 96 : index
      %swap3A_466 = tpu.vector_load %arg10[%swap3A_464, %swap3A_465] {strides = array<i32>} : memref<128x128xf32, #tpu.memory_space<vmem>>, vector<1x16xf32>,
      %swap3A_467 = vector.shape_cast %swap3A_466 : vector<1x16xf32> to vector<16xf32>
      %swap3A_468 = vector.shape_cast %mul3A_463 : vector<16xf32> to vector<1x16xf32>
      tpu.vector_store %arg10[%swap3A_464, %swap3A_465], %swap3A_468 {strides = array<i32>} : memref<128x128xf32, #tpu.memory_space<vmem>>, vector<1x16xf32>,
      %get3A_469 = arith.index_cast %scan3A_386 : i32 to index
      %get3A_470 = arith.constant 112 : index
      %get3A_471 = tpu.vector_load %arg10[%get3A_469, %get3A_470] {strides = array<i32>} : memref<128x128xf32, #tpu.memory_space<vmem>>, vector<1x16xf32>,
      %get3A_472 = vector.shape_cast %get3A_471 : vector<1x16xf32> to vector<16xf32>
      %mul3A_473 = arith.constant 11.3137083 : f32
      %mul3A_474 = vector.broadcast %mul3A_473 : f32 to vector<16xf32>
      %mul3A_475 = arith.mulf %get3A_472, %mul3A_474 : vector<16xf32>
      %swap3A_476 = arith.index_cast %scan3A_386 : i32 to index
      %swap3A_477 = arith.constant 112 : index
      %swap3A_478 = tpu.vector_load %arg10[%swap3A_476, %swap3A_477] {strides = array<i32>} : memref<128x128xf32, #tpu.memory_space<vmem>>, vector<1x16xf32>,
      %swap3A_479 = vector.shape_cast %swap3A_478 : vector<1x16xf32> to vector<16xf32>
      %swap3A_480 = vector.shape_cast %mul3A_475 : vector<16xf32> to vector<1x16xf32>
      tpu.vector_store %arg10[%swap3A_476, %swap3A_477], %swap3A_480 {strides = array<i32>} : memref<128x128xf32, #tpu.memory_space<vmem>>, vector<1x16xf32>,
    }
    %scan3A_183 = arith.constant 128 : i32
    %add3A_184 = arith.constant 0 : i32
    %add3A_185 = arith.addi %mul3A_2, %add3A_184 : i32
    %dma_start3A_186 = arith.constant 1 : i32
    %dma_start3A_187 = arith.constant 0 : i32
    %dma_start3A_188 = tpu.memref_slice %arg4[%dma_start3A_186, %add3A_185, %dma_start3A_187] : memref<50x16384x128xf32, #tpu.memory_space<hbm>> -> memref<1x128x128xf32, #tpu.memory_space<hbm>>
    %dma_start3A_189 = tpu.memref_squeeze %dma_start3A_188 : memref<1x128x128xf32, #tpu.memory_space<hbm>> -> memref<128x128xf32, #tpu.memory_space<hbm>>
    %dma_start3A_190 = arith.constant 0 : i32
    %dma_start3A_191 = tpu.memref_slice %arg4[%dma_start3A_186, %add3A_185, %dma_start3A_190] : memref<50x16384x128xf32, #tpu.memory_space<hbm>> -> memref<1x128x128xf32, #tpu.memory_space<hbm>>
    %dma_start3A_192 = tpu.memref_squeeze %dma_start3A_191 : memref<1x128x128xf32, #tpu.memory_space<hbm>> -> memref<128x128xf32, #tpu.memory_space<hbm>>
    tpu.enqueue_dma source(%arg10 : memref<128x128xf32, #tpu.memory_space<vmem>>) target(%dma_start3A_192 : memref<128x128xf32, #tpu.memory_space<hbm>>) target_semaphore(%arg20 : memref<!tpu.dma_semaphore, #tpu.memory_space<semaphore_mem>>)
    %add3A_193 = arith.constant 384 : i32
    %add3A_194 = arith.addi %mul3A_2, %add3A_193 : i32
    %dma_wait3A_195 = arith.constant 0 : i32
    %dma_wait3A_196 = arith.constant 0 : i32
    %dma_wait3A_197 = tpu.memref_slice %arg4[%dma_wait3A_195, %add3A_194, %dma_wait3A_196] : memref<50x16384x128xf32, #tpu.memory_space<hbm>> -> memref<1x128x128xf32, #tpu.memory_space<hbm>>
    %dma_wait3A_198 = tpu.memref_squeeze %dma_wait3A_197 : memref<1x128x128xf32, #tpu.memory_space<hbm>> -> memref<128x128xf32, #tpu.memory_space<hbm>>
    %dma_wait3A_199 = arith.constant 0 : i32
    %dma_wait3A_200 = tpu.memref_slice %arg4[%dma_wait3A_195, %add3A_194, %dma_wait3A_199] : memref<50x16384x128xf32, #tpu.memory_space<hbm>> -> memref<1x128x128xf32, #tpu.memory_space<hbm>>
    %dma_wait3A_201 = tpu.memref_squeeze %dma_wait3A_200 : memref<1x128x128xf32, #tpu.memory_space<hbm>> -> memref<128x128xf32, #tpu.memory_space<hbm>>
    tpu.wait_dma2 semaphore(%arg19 : memref<!tpu.dma_semaphore, #tpu.memory_space<semaphore_mem>>) src(%arg9 : memref<128x128xf32, #tpu.memory_space<vmem>>) dst(%dma_wait3A_201 : memref<128x128xf32, #tpu.memory_space<hbm>>)
    %dma_start3A_202 = arith.constant 8 : i32
    %dma_start3A_203 = arith.constant 0 : i32
    %dma_start3A_204 = tpu.memref_slice %arg5[%dma_start3A_202, %dma_start3A_203] : memref<200x128xi32, #tpu.memory_space<vmem>> -> memref<1x128xi32, #tpu.memory_space<vmem>>
    %dma_start3A_205 = tpu.memref_squeeze %dma_start3A_204 : memref<1x128xi32, #tpu.memory_space<vmem>> -> memref<128xi32, #tpu.memory_space<vmem>>
    %dma_start3A_206 = arith.constant 0 : i32
    %dma_start3A_207 = arith.constant 0 : i32
    %dma_start3A_208 = tpu.memref_slice %arg2[%dma_start3A_206, %dma_start3A_207] : memref<100000x128xf32, #tpu.memory_space<hbm>> -> memref<100000x128xf32, #tpu.memory_space<hbm>>
    tpu.enqueue_indirect_dma source(%dma_start3A_208 : memref<100000x128xf32, #tpu.memory_space<hbm>>) target(%arg9 : memref<128x128xf32, #tpu.memory_space<vmem>>) offsets(%dma_start3A_205 : memref<128xi32, #tpu.memory_space<vmem>>) semaphore(%arg14 : memref<!tpu.dma_semaphore, #tpu.memory_space<semaphore_mem>>)
    %scan3A_209 = arith.constant 0 : i32
    %scan3A_210 = arith.constant 1 : i32
    %scan3A_211 = arith.constant 38 : i32
    %scan3A_212 = arith.addi %scan3A_210, %scan3A_211 : i32
    %scan3A_213 = arith.constant 1 : i32
    scf.for %scan3A_386 = %scan3A_210 to %scan3A_212 step %scan3A_213  : i32 {
      %mul3A_387 = arith.constant 5 : i32
      %mul3A_388 = arith.muli %scan3A_386, %mul3A_387 : i32
      %add3A_389 = arith.constant 0 : i32
      %add3A_390 = arith.addi %mul3A_388, %add3A_389 : i32
      %dma_wait3A_391 = arith.constant 0 : i32
      %dma_wait3A_392 = tpu.memref_slice %arg5[%add3A_390, %dma_wait3A_391] : memref<200x128xi32, #tpu.memory_space<vmem>> -> memref<1x128xi32, #tpu.memory_space<vmem>>
      %dma_wait3A_393 = tpu.memref_squeeze %dma_wait3A_392 : memref<1x128xi32, #tpu.memory_space<vmem>> -> memref<128xi32, #tpu.memory_space<vmem>>
      %dma_wait3A_394 = arith.constant 0 : i32
      %dma_wait3A_395 = arith.constant 0 : i32
      %dma_wait3A_396 = tpu.memref_slice %arg2[%dma_wait3A_394, %dma_wait3A_395] : memref<100000x128xf32, #tpu.memory_space<hbm>> -> memref<100000x128xf32, #tpu.memory_space<hbm>>
      tpu.wait_indirect_dma semaphore(%arg11 : memref<!tpu.dma_semaphore, #tpu.memory_space<semaphore_mem>>) src(%dma_wait3A_396 : memref<100000x128xf32, #tpu.memory_space<hbm>>) dst(%arg6 : memref<128x128xf32, #tpu.memory_space<vmem>>)
      %scan3A_397 = arith.constant 0 : i32
      %scan3A_398 = arith.constant 0 : i32
      %scan3A_399 = arith.constant 128 : i32
      %scan3A_400 = arith.addi %scan3A_398, %scan3A_399 : i32
      %scan3A_401 = arith.constant 1 : i32
      scf.for %scan3A_999 = %scan3A_398 to %scan3A_400 step %scan3A_401  : i32 {
        %get3A = arith.index_cast %scan3A_999 : i32 to index
        %get3A_1000 = arith.constant 0 : index
        %get3A_1001 = tpu.vector_load %arg6[%get3A, %get3A_1000] {strides = array<i32>} : memref<128x128xf32, #tpu.memory_space<vmem>>, vector<1x16xf32>,
        %get3A_1002 = vector.shape_cast %get3A_1001 : vector<1x16xf32> to vector<16xf32>
        %mul3A_1003 = arith.constant 11.3137083 : f32
        %mul3A_1004 = vector.broadcast %mul3A_1003 : f32 to vector<16xf32>
        %mul3A_1005 = arith.mulf %get3A_1002, %mul3A_1004 : vector<16xf32>
        %swap3A = arith.index_cast %scan3A_999 : i32 to index
        %swap3A_1006 = arith.constant 0 : index
        %swap3A_1007 = tpu.vector_load %arg6[%swap3A, %swap3A_1006] {strides = array<i32>} : memref<128x128xf32, #tpu.memory_space<vmem>>, vector<1x16xf32>,
        %swap3A_1008 = vector.shape_cast %swap3A_1007 : vector<1x16xf32> to vector<16xf32>
        %swap3A_1009 = vector.shape_cast %mul3A_1005 : vector<16xf32> to vector<1x16xf32>
        tpu.vector_store %arg6[%swap3A, %swap3A_1006], %swap3A_1009 {strides = array<i32>} : memref<128x128xf32, #tpu.memory_space<vmem>>, vector<1x16xf32>,
        %get3A_1010 = arith.index_cast %scan3A_999 : i32 to index
        %get3A_1011 = arith.constant 16 : index
        %get3A_1012 = tpu.vector_load %arg6[%get3A_1010, %get3A_1011] {strides = array<i32>} : memref<128x128xf32, #tpu.memory_space<vmem>>, vector<1x16xf32>,
        %get3A_1013 = vector.shape_cast %get3A_1012 : vector<1x16xf32> to vector<16xf32>
        %mul3A_1014 = arith.constant 11.3137083 : f32
        %mul3A_1015 = vector.broadcast %mul3A_1014 : f32 to vector<16xf32>
        %mul3A_1016 = arith.mulf %get3A_1013, %mul3A_1015 : vector<16xf32>
        %swap3A_1017 = arith.index_cast %scan3A_999 : i32 to index
        %swap3A_1018 = arith.constant 16 : index
        %swap3A_1019 = tpu.vector_load %arg6[%swap3A_1017, %swap3A_1018] {strides = array<i32>} : memref<128x128xf32, #tpu.memory_space<vmem>>, vector<1x16xf32>,
        %swap3A_1020 = vector.shape_cast %swap3A_1019 : vector<1x16xf32> to vector<16xf32>
        %swap3A_1021 = vector.shape_cast %mul3A_1016 : vector<16xf32> to vector<1x16xf32>
        tpu.vector_store %arg6[%swap3A_1017, %swap3A_1018], %swap3A_1021 {strides = array<i32>} : memref<128x128xf32, #tpu.memory_space<vmem>>, vector<1x16xf32>,
        %get3A_1022 = arith.index_cast %scan3A_999 : i32 to index
        %get3A_1023 = arith.constant 32 : index
        %get3A_1024 = tpu.vector_load %arg6[%get3A_1022, %get3A_1023] {strides = array<i32>} : memref<128x128xf32, #tpu.memory_space<vmem>>, vector<1x16xf32>,
        %get3A_1025 = vector.shape_cast %get3A_1024 : vector<1x16xf32> to vector<16xf32>
        %mul3A_1026 = arith.constant 11.3137083 : f32
        %mul3A_1027 = vector.broadcast %mul3A_1026 : f32 to vector<16xf32>
        %mul3A_1028 = arith.mulf %get3A_1025, %mul3A_1027 : vector<16xf32>
        %swap3A_1029 = arith.index_cast %scan3A_999 : i32 to index
        %swap3A_1030 = arith.constant 32 : index
        %swap3A_1031 = tpu.vector_load %arg6[%swap3A_1029, %swap3A_1030] {strides = array<i32>} : memref<128x128xf32, #tpu.memory_space<vmem>>, vector<1x16xf32>,
        %swap3A_1032 = vector.shape_cast %swap3A_1031 : vector<1x16xf32> to vector<16xf32>
        %swap3A_1033 = vector.shape_cast %mul3A_1028 : vector<16xf32> to vector<1x16xf32>
        tpu.vector_store %arg6[%swap3A_1029, %swap3A_1030], %swap3A_1033 {strides = array<i32>} : memref<128x128xf32, #tpu.memory_space<vmem>>, vector<1x16xf32>,
        %get3A_1034 = arith.index_cast %scan3A_999 : i32 to index
        %get3A_1035 = arith.constant 48 : index
        %get3A_1036 = tpu.vector_load %arg6[%get3A_1034, %get3A_1035] {strides = array<i32>} : memref<128x128xf32, #tpu.memory_space<vmem>>, vector<1x16xf32>,
        %get3A_1037 = vector.shape_cast %get3A_1036 : vector<1x16xf32> to vector<16xf32>
        %mul3A_1038 = arith.constant 11.3137083 : f32
        %mul3A_1039 = vector.broadcast %mul3A_1038 : f32 to vector<16xf32>
        %mul3A_1040 = arith.mulf %get3A_1037, %mul3A_1039 : vector<16xf32>
        %swap3A_1041 = arith.index_cast %scan3A_999 : i32 to index
        %swap3A_1042 = arith.constant 48 : index
        %swap3A_1043 = tpu.vector_load %arg6[%swap3A_1041, %swap3A_1042] {strides = array<i32>} : memref<128x128xf32, #tpu.memory_space<vmem>>, vector<1x16xf32>,
        %swap3A_1044 = vector.shape_cast %swap3A_1043 : vector<1x16xf32> to vector<16xf32>
        %swap3A_1045 = vector.shape_cast %mul3A_1040 : vector<16xf32> to vector<1x16xf32>
        tpu.vector_store %arg6[%swap3A_1041, %swap3A_1042], %swap3A_1045 {strides = array<i32>} : memref<128x128xf32, #tpu.memory_space<vmem>>, vector<1x16xf32>,
        %get3A_1046 = arith.index_cast %scan3A_999 : i32 to index
        %get3A_1047 = arith.constant 64 : index
        %get3A_1048 = tpu.vector_load %arg6[%get3A_1046, %get3A_1047] {strides = array<i32>} : memref<128x128xf32, #tpu.memory_space<vmem>>, vector<1x16xf32>,
        %get3A_1049 = vector.shape_cast %get3A_1048 : vector<1x16xf32> to vector<16xf32>
        %mul3A_1050 = arith.constant 11.3137083 : f32
        %mul3A_1051 = vector.broadcast %mul3A_1050 : f32 to vector<16xf32>
        %mul3A_1052 = arith.mulf %get3A_1049, %mul3A_1051 : vector<16xf32>
        %swap3A_1053 = arith.index_cast %scan3A_999 : i32 to index
        %swap3A_1054 = arith.constant 64 : index
        %swap3A_1055 = tpu.vector_load %arg6[%swap3A_1053, %swap3A_1054] {strides = array<i32>} : memref<128x128xf32, #tpu.memory_space<vmem>>, vector<1x16xf32>,
        %swap3A_1056 = vector.shape_cast %swap3A_1055 : vector<1x16xf32> to vector<16xf32>
        %swap3A_1057 = vector.shape_cast %mul3A_1052 : vector<16xf32> to vector<1x16xf32>
        tpu.vector_store %arg6[%swap3A_1053, %swap3A_1054], %swap3A_1057 {strides = array<i32>} : memref<128x128xf32, #tpu.memory_space<vmem>>, vector<1x16xf32>,
        %get3A_1058 = arith.index_cast %scan3A_999 : i32 to index
        %get3A_1059 = arith.constant 80 : index
        %get3A_1060 = tpu.vector_load %arg6[%get3A_1058, %get3A_1059] {strides = array<i32>} : memref<128x128xf32, #tpu.memory_space<vmem>>, vector<1x16xf32>,
        %get3A_1061 = vector.shape_cast %get3A_1060 : vector<1x16xf32> to vector<16xf32>
        %mul3A_1062 = arith.constant 11.3137083 : f32
        %mul3A_1063 = vector.broadcast %mul3A_1062 : f32 to vector<16xf32>
        %mul3A_1064 = arith.mulf %get3A_1061, %mul3A_1063 : vector<16xf32>
        %swap3A_1065 = arith.index_cast %scan3A_999 : i32 to index
        %swap3A_1066 = arith.constant 80 : index
        %swap3A_1067 = tpu.vector_load %arg6[%swap3A_1065, %swap3A_1066] {strides = array<i32>} : memref<128x128xf32, #tpu.memory_space<vmem>>, vector<1x16xf32>,
        %swap3A_1068 = vector.shape_cast %swap3A_1067 : vector<1x16xf32> to vector<16xf32>
        %swap3A_1069 = vector.shape_cast %mul3A_1064 : vector<16xf32> to vector<1x16xf32>
        tpu.vector_store %arg6[%swap3A_1065, %swap3A_1066], %swap3A_1069 {strides = array<i32>} : memref<128x128xf32, #tpu.memory_space<vmem>>, vector<1x16xf32>,
        %get3A_1070 = arith.index_cast %scan3A_999 : i32 to index
        %get3A_1071 = arith.constant 96 : index
        %get3A_1072 = tpu.vector_load %arg6[%get3A_1070, %get3A_1071] {strides = array<i32>} : memref<128x128xf32, #tpu.memory_space<vmem>>, vector<1x16xf32>,
        %get3A_1073 = vector.shape_cast %get3A_1072 : vector<1x16xf32> to vector<16xf32>
        %mul3A_1074 = arith.constant 11.3137083 : f32
        %mul3A_1075 = vector.broadcast %mul3A_1074 : f32 to vector<16xf32>
        %mul3A_1076 = arith.mulf %get3A_1073, %mul3A_1075 : vector<16xf32>
        %swap3A_1077 = arith.index_cast %scan3A_999 : i32 to index
        %swap3A_1078 = arith.constant 96 : index
        %swap3A_1079 = tpu.vector_load %arg6[%swap3A_1077, %swap3A_1078] {strides = array<i32>} : memref<128x128xf32, #tpu.memory_space<vmem>>, vector<1x16xf32>,
        %swap3A_1080 = vector.shape_cast %swap3A_1079 : vector<1x16xf32> to vector<16xf32>
        %swap3A_1081 = vector.shape_cast %mul3A_1076 : vector<16xf32> to vector<1x16xf32>
        tpu.vector_store %arg6[%swap3A_1077, %swap3A_1078], %swap3A_1081 {strides = array<i32>} : memref<128x128xf32, #tpu.memory_space<vmem>>, vector<1x16xf32>,
        %get3A_1082 = arith.index_cast %scan3A_999 : i32 to index
        %get3A_1083 = arith.constant 112 : index
        %get3A_1084 = tpu.vector_load %arg6[%get3A_1082, %get3A_1083] {strides = array<i32>} : memref<128x128xf32, #tpu.memory_space<vmem>>, vector<1x16xf32>,
        %get3A_1085 = vector.shape_cast %get3A_1084 : vector<1x16xf32> to vector<16xf32>
        %mul3A_1086 = arith.constant 11.3137083 : f32
        %mul3A_1087 = vector.broadcast %mul3A_1086 : f32 to vector<16xf32>
        %mul3A_1088 = arith.mulf %get3A_1085, %mul3A_1087 : vector<16xf32>
        %swap3A_1089 = arith.index_cast %scan3A_999 : i32 to index
        %swap3A_1090 = arith.constant 112 : index
        %swap3A_1091 = tpu.vector_load %arg6[%swap3A_1089, %swap3A_1090] {strides = array<i32>} : memref<128x128xf32, #tpu.memory_space<vmem>>, vector<1x16xf32>,
        %swap3A_1092 = vector.shape_cast %swap3A_1091 : vector<1x16xf32> to vector<16xf32>
        %swap3A_1093 = vector.shape_cast %mul3A_1088 : vector<16xf32> to vector<1x16xf32>
        tpu.vector_store %arg6[%swap3A_1089, %swap3A_1090], %swap3A_1093 {strides = array<i32>} : memref<128x128xf32, #tpu.memory_space<vmem>>, vector<1x16xf32>,
      }
      %scan3A_402 = arith.constant 128 : i32
      %jit3A = arith.constant 4 : i32
      %div3A = arith.divsi %add3A_390, %jit3A : i32
      %sign3A = arith.constant 0 : i32
      %sign3A_403 = arith.cmpi sgt, %add3A_390, %sign3A : i32
      %sign3A_404 = arith.extui %sign3A_403 : i1 to i32
      %sign3A_405 = arith.constant 0 : i32
      %sign3A_406 = arith.cmpi slt, %add3A_390, %sign3A_405 : i32
      %sign3A_407 = arith.extui %sign3A_406 : i1 to i32
      %sign3A_408 = arith.subi %sign3A_404, %sign3A_407 : i32
      %sign3A_409 = arith.constant 0 : i32
      %sign3A_410 = arith.cmpi sgt, %jit3A, %sign3A_409 : i32
      %sign3A_411 = arith.extui %sign3A_410 : i1 to i32
      %sign3A_412 = arith.constant 0 : i32
      %sign3A_413 = arith.cmpi slt, %jit3A, %sign3A_412 : i32
      %sign3A_414 = arith.extui %sign3A_413 : i1 to i32
      %sign3A_415 = arith.subi %sign3A_411, %sign3A_414 : i32
      %ne3A = arith.cmpi ne, %sign3A_408, %sign3A_415 : i32
      %rem3A = arith.remsi %add3A_390, %jit3A : i32
      %ne3A_416 = arith.constant 0 : i32
      %ne3A_417 = arith.cmpi ne, %rem3A, %ne3A_416 : i32
      %and3A = arith.andi %ne3A, %ne3A_417 : i1
      %sub3A = arith.constant 1 : i32
      %sub3A_418 = arith.subi %div3A, %sub3A : i32
      %select_n3A = arith.select %and3A, %sub3A_418, %div3A : i32
      %jit3A_419 = arith.constant 4 : i32
      %eq3A = arith.constant 0 : i32
      %eq3A_420 = arith.cmpi eq, %jit3A_419, %eq3A : i32
      %jit3A_421 = arith.constant 1 : i32
      %select_n3A_422 = arith.select %eq3A_420, %jit3A_421, %jit3A_419 : i32
      %rem3A_423 = arith.remsi %add3A_390, %select_n3A_422 : i32
      %ne3A_424 = arith.constant 0 : i32
      %ne3A_425 = arith.cmpi ne, %rem3A_423, %ne3A_424 : i32
      %lt3A = arith.constant 0 : i32
      %lt3A_426 = arith.cmpi slt, %rem3A_423, %lt3A : i32
      %lt3A_427 = arith.constant 0 : i32
      %lt3A_428 = arith.cmpi slt, %select_n3A_422, %lt3A_427 : i32
      %ne3A_429 = arith.xori %lt3A_426, %lt3A_428 : i1
      %and3A_430 = arith.andi %ne3A_429, %ne3A_425 : i1
      %add3A_431 = arith.addi %rem3A_423, %select_n3A_422 : i32
      %select_n3A_432 = arith.select %and3A_430, %add3A_431, %rem3A_423 : i32
      %mul3A_433 = arith.constant 128 : i32
      %mul3A_434 = arith.muli %select_n3A_432, %mul3A_433 : i32
      %add3A_435 = arith.addi %mul3A_2, %mul3A_434 : i32
      %dma_start3A_436 = arith.constant 0 : i32
      %dma_start3A_437 = tpu.memref_slice %arg4[%select_n3A, %add3A_435, %dma_start3A_436] : memref<50x16384x128xf32, #tpu.memory_space<hbm>> -> memref<1x128x128xf32, #tpu.memory_space<hbm>>
      %dma_start3A_438 = tpu.memref_squeeze %dma_start3A_437 : memref<1x128x128xf32, #tpu.memory_space<hbm>> -> memref<128x128xf32, #tpu.memory_space<hbm>>
      %dma_start3A_439 = arith.constant 0 : i32
      %dma_start3A_440 = tpu.memref_slice %arg4[%select_n3A, %add3A_435, %dma_start3A_439] : memref<50x16384x128xf32, #tpu.memory_space<hbm>> -> memref<1x128x128xf32, #tpu.memory_space<hbm>>
      %dma_start3A_441 = tpu.memref_squeeze %dma_start3A_440 : memref<1x128x128xf32, #tpu.memory_space<hbm>> -> memref<128x128xf32, #tpu.memory_space<hbm>>
      tpu.enqueue_dma source(%arg6 : memref<128x128xf32, #tpu.memory_space<vmem>>) target(%dma_start3A_441 : memref<128x128xf32, #tpu.memory_space<hbm>>) target_semaphore(%arg16 : memref<!tpu.dma_semaphore, #tpu.memory_space<semaphore_mem>>)
      %sub3A_442 = arith.constant 1 : i32
      %sub3A_443 = arith.subi %add3A_390, %sub3A_442 : i32
      %jit3A_444 = arith.constant 4 : i32
      %div3A_445 = arith.divsi %sub3A_443, %jit3A_444 : i32
      %sign3A_446 = arith.constant 0 : i32
      %sign3A_447 = arith.cmpi sgt, %sub3A_443, %sign3A_446 : i32
      %sign3A_448 = arith.extui %sign3A_447 : i1 to i32
      %sign3A_449 = arith.constant 0 : i32
      %sign3A_450 = arith.cmpi slt, %sub3A_443, %sign3A_449 : i32
      %sign3A_451 = arith.extui %sign3A_450 : i1 to i32
      %sign3A_452 = arith.subi %sign3A_448, %sign3A_451 : i32
      %sign3A_453 = arith.constant 0 : i32
      %sign3A_454 = arith.cmpi sgt, %jit3A_444, %sign3A_453 : i32
      %sign3A_455 = arith.extui %sign3A_454 : i1 to i32
      %sign3A_456 = arith.constant 0 : i32
      %sign3A_457 = arith.cmpi slt, %jit3A_444, %sign3A_456 : i32
      %sign3A_458 = arith.extui %sign3A_457 : i1 to i32
      %sign3A_459 = arith.subi %sign3A_455, %sign3A_458 : i32
      %ne3A_460 = arith.cmpi ne, %sign3A_452, %sign3A_459 : i32
      %rem3A_461 = arith.remsi %sub3A_443, %jit3A_444 : i32
      %ne3A_462 = arith.constant 0 : i32
      %ne3A_463 = arith.cmpi ne, %rem3A_461, %ne3A_462 : i32
      %and3A_464 = arith.andi %ne3A_460, %ne3A_463 : i1
      %sub3A_465 = arith.constant 1 : i32
      %sub3A_466 = arith.subi %div3A_445, %sub3A_465 : i32
      %select_n3A_467 = arith.select %and3A_464, %sub3A_466, %div3A_445 : i32
      %jit3A_468 = arith.constant 4 : i32
      %eq3A_469 = arith.constant 0 : i32
      %eq3A_470 = arith.cmpi eq, %jit3A_468, %eq3A_469 : i32
      %jit3A_471 = arith.constant 1 : i32
      %select_n3A_472 = arith.select %eq3A_470, %jit3A_471, %jit3A_468 : i32
      %rem3A_473 = arith.remsi %sub3A_443, %select_n3A_472 : i32
      %ne3A_474 = arith.constant 0 : i32
      %ne3A_475 = arith.cmpi ne, %rem3A_473, %ne3A_474 : i32
      %lt3A_476 = arith.constant 0 : i32
      %lt3A_477 = arith.cmpi slt, %rem3A_473, %lt3A_476 : i32
      %lt3A_478 = arith.constant 0 : i32
      %lt3A_479 = arith.cmpi slt, %select_n3A_472, %lt3A_478 : i32
      %ne3A_480 = arith.xori %lt3A_477, %lt3A_479 : i1
      %and3A_481 = arith.andi %ne3A_480, %ne3A_475 : i1
      %add3A_482 = arith.addi %rem3A_473, %select_n3A_472 : i32
      %select_n3A_483 = arith.select %and3A_481, %add3A_482, %rem3A_473 : i32
      %mul3A_484 = arith.constant 128 : i32
      %mul3A_485 = arith.muli %select_n3A_483, %mul3A_484 : i32
      %add3A_486 = arith.addi %mul3A_2, %mul3A_485 : i32
      %dma_wait3A_487 = arith.constant 0 : i32
      %dma_wait3A_488 = tpu.memref_slice %arg4[%select_n3A_467, %add3A_486, %dma_wait3A_487] : memref<50x16384x128xf32, #tpu.memory_space<hbm>> -> memref<1x128x128xf32, #tpu.memory_space<hbm>>
      %dma_wait3A_489 = tpu.memref_squeeze %dma_wait3A_488 : memref<1x128x128xf32, #tpu.memory_space<hbm>> -> memref<128x128xf32, #tpu.memory_space<hbm>>
      %dma_wait3A_490 = arith.constant 0 : i32
      %dma_wait3A_491 = tpu.memref_slice %arg4[%select_n3A_467, %add3A_486, %dma_wait3A_490] : memref<50x16384x128xf32, #tpu.memory_space<hbm>> -> memref<1x128x128xf32, #tpu.memory_space<hbm>>
      %dma_wait3A_492 = tpu.memref_squeeze %dma_wait3A_491 : memref<1x128x128xf32, #tpu.memory_space<hbm>> -> memref<128x128xf32, #tpu.memory_space<hbm>>
      tpu.wait_dma2 semaphore(%arg20 : memref<!tpu.dma_semaphore, #tpu.memory_space<semaphore_mem>>) src(%arg10 : memref<128x128xf32, #tpu.memory_space<vmem>>) dst(%dma_wait3A_492 : memref<128x128xf32, #tpu.memory_space<hbm>>)
      %add3A_493 = arith.constant 5 : i32
      %add3A_494 = arith.addi %add3A_390, %add3A_493 : i32
      %sub3A_495 = arith.constant 1 : i32
      %sub3A_496 = arith.subi %add3A_494, %sub3A_495 : i32
      %dma_start3A_497 = arith.constant 0 : i32
      %dma_start3A_498 = tpu.memref_slice %arg5[%sub3A_496, %dma_start3A_497] : memref<200x128xi32, #tpu.memory_space<vmem>> -> memref<1x128xi32, #tpu.memory_space<vmem>>
      %dma_start3A_499 = tpu.memref_squeeze %dma_start3A_498 : memref<1x128xi32, #tpu.memory_space<vmem>> -> memref<128xi32, #tpu.memory_space<vmem>>
      %dma_start3A_500 = arith.constant 0 : i32
      %dma_start3A_501 = arith.constant 0 : i32
      %dma_start3A_502 = tpu.memref_slice %arg2[%dma_start3A_500, %dma_start3A_501] : memref<100000x128xf32, #tpu.memory_space<hbm>> -> memref<100000x128xf32, #tpu.memory_space<hbm>>
      tpu.enqueue_indirect_dma source(%dma_start3A_502 : memref<100000x128xf32, #tpu.memory_space<hbm>>) target(%arg10 : memref<128x128xf32, #tpu.memory_space<vmem>>) offsets(%dma_start3A_499 : memref<128xi32, #tpu.memory_space<vmem>>) semaphore(%arg15 : memref<!tpu.dma_semaphore, #tpu.memory_space<semaphore_mem>>)
      %add3A_503 = arith.constant 1 : i32
      %add3A_504 = arith.addi %mul3A_388, %add3A_503 : i32
      %dma_wait3A_505 = arith.constant 0 : i32
      %dma_wait3A_506 = tpu.memref_slice %arg5[%add3A_504, %dma_wait3A_505] : memref<200x128xi32, #tpu.memory_space<vmem>> -> memref<1x128xi32, #tpu.memory_space<vmem>>
      %dma_wait3A_507 = tpu.memref_squeeze %dma_wait3A_506 : memref<1x128xi32, #tpu.memory_space<vmem>> -> memref<128xi32, #tpu.memory_space<vmem>>
      %dma_wait3A_508 = arith.constant 0 : i32
      %dma_wait3A_509 = arith.constant 0 : i32
      %dma_wait3A_510 = tpu.memref_slice %arg2[%dma_wait3A_508, %dma_wait3A_509] : memref<100000x128xf32, #tpu.memory_space<hbm>> -> memref<100000x128xf32, #tpu.memory_space<hbm>>
      tpu.wait_indirect_dma semaphore(%arg12 : memref<!tpu.dma_semaphore, #tpu.memory_space<semaphore_mem>>) src(%dma_wait3A_510 : memref<100000x128xf32, #tpu.memory_space<hbm>>) dst(%arg7 : memref<128x128xf32, #tpu.memory_space<vmem>>)
      %scan3A_511 = arith.constant 0 : i32
      %scan3A_512 = arith.constant 0 : i32
      %scan3A_513 = arith.constant 128 : i32
      %scan3A_514 = arith.addi %scan3A_512, %scan3A_513 : i32
      %scan3A_515 = arith.constant 1 : i32
      scf.for %scan3A_999 = %scan3A_512 to %scan3A_514 step %scan3A_515  : i32 {
        %get3A = arith.index_cast %scan3A_999 : i32 to index
        %get3A_1000 = arith.constant 0 : index
        %get3A_1001 = tpu.vector_load %arg7[%get3A, %get3A_1000] {strides = array<i32>} : memref<128x128xf32, #tpu.memory_space<vmem>>, vector<1x16xf32>,
        %get3A_1002 = vector.shape_cast %get3A_1001 : vector<1x16xf32> to vector<16xf32>
        %mul3A_1003 = arith.constant 11.3137083 : f32
        %mul3A_1004 = vector.broadcast %mul3A_1003 : f32 to vector<16xf32>
        %mul3A_1005 = arith.mulf %get3A_1002, %mul3A_1004 : vector<16xf32>
        %swap3A = arith.index_cast %scan3A_999 : i32 to index
        %swap3A_1006 = arith.constant 0 : index
        %swap3A_1007 = tpu.vector_load %arg7[%swap3A, %swap3A_1006] {strides = array<i32>} : memref<128x128xf32, #tpu.memory_space<vmem>>, vector<1x16xf32>,
        %swap3A_1008 = vector.shape_cast %swap3A_1007 : vector<1x16xf32> to vector<16xf32>
        %swap3A_1009 = vector.shape_cast %mul3A_1005 : vector<16xf32> to vector<1x16xf32>
        tpu.vector_store %arg7[%swap3A, %swap3A_1006], %swap3A_1009 {strides = array<i32>} : memref<128x128xf32, #tpu.memory_space<vmem>>, vector<1x16xf32>,
        %get3A_1010 = arith.index_cast %scan3A_999 : i32 to index
        %get3A_1011 = arith.constant 16 : index
        %get3A_1012 = tpu.vector_load %arg7[%get3A_1010, %get3A_1011] {strides = array<i32>} : memref<128x128xf32, #tpu.memory_space<vmem>>, vector<1x16xf32>,
        %get3A_1013 = vector.shape_cast %get3A_1012 : vector<1x16xf32> to vector<16xf32>
        %mul3A_1014 = arith.constant 11.3137083 : f32
        %mul3A_1015 = vector.broadcast %mul3A_1014 : f32 to vector<16xf32>
        %mul3A_1016 = arith.mulf %get3A_1013, %mul3A_1015 : vector<16xf32>
        %swap3A_1017 = arith.index_cast %scan3A_999 : i32 to index
        %swap3A_1018 = arith.constant 16 : index
        %swap3A_1019 = tpu.vector_load %arg7[%swap3A_1017, %swap3A_1018] {strides = array<i32>} : memref<128x128xf32, #tpu.memory_space<vmem>>, vector<1x16xf32>,
        %swap3A_1020 = vector.shape_cast %swap3A_1019 : vector<1x16xf32> to vector<16xf32>
        %swap3A_1021 = vector.shape_cast %mul3A_1016 : vector<16xf32> to vector<1x16xf32>
        tpu.vector_store %arg7[%swap3A_1017, %swap3A_1018], %swap3A_1021 {strides = array<i32>} : memref<128x128xf32, #tpu.memory_space<vmem>>, vector<1x16xf32>,
        %get3A_1022 = arith.index_cast %scan3A_999 : i32 to index
        %get3A_1023 = arith.constant 32 : index
        %get3A_1024 = tpu.vector_load %arg7[%get3A_1022, %get3A_1023] {strides = array<i32>} : memref<128x128xf32, #tpu.memory_space<vmem>>, vector<1x16xf32>,
        %get3A_1025 = vector.shape_cast %get3A_1024 : vector<1x16xf32> to vector<16xf32>
        %mul3A_1026 = arith.constant 11.3137083 : f32
        %mul3A_1027 = vector.broadcast %mul3A_1026 : f32 to vector<16xf32>
        %mul3A_1028 = arith.mulf %get3A_1025, %mul3A_1027 : vector<16xf32>
        %swap3A_1029 = arith.index_cast %scan3A_999 : i32 to index
        %swap3A_1030 = arith.constant 32 : index
        %swap3A_1031 = tpu.vector_load %arg7[%swap3A_1029, %swap3A_1030] {strides = array<i32>} : memref<128x128xf32, #tpu.memory_space<vmem>>, vector<1x16xf32>,
        %swap3A_1032 = vector.shape_cast %swap3A_1031 : vector<1x16xf32> to vector<16xf32>
        %swap3A_1033 = vector.shape_cast %mul3A_1028 : vector<16xf32> to vector<1x16xf32>
        tpu.vector_store %arg7[%swap3A_1029, %swap3A_1030], %swap3A_1033 {strides = array<i32>} : memref<128x128xf32, #tpu.memory_space<vmem>>, vector<1x16xf32>,
        %get3A_1034 = arith.index_cast %scan3A_999 : i32 to index
        %get3A_1035 = arith.constant 48 : index
        %get3A_1036 = tpu.vector_load %arg7[%get3A_1034, %get3A_1035] {strides = array<i32>} : memref<128x128xf32, #tpu.memory_space<vmem>>, vector<1x16xf32>,
        %get3A_1037 = vector.shape_cast %get3A_1036 : vector<1x16xf32> to vector<16xf32>
        %mul3A_1038 = arith.constant 11.3137083 : f32
        %mul3A_1039 = vector.broadcast %mul3A_1038 : f32 to vector<16xf32>
        %mul3A_1040 = arith.mulf %get3A_1037, %mul3A_1039 : vector<16xf32>
        %swap3A_1041 = arith.index_cast %scan3A_999 : i32 to index
        %swap3A_1042 = arith.constant 48 : index
        %swap3A_1043 = tpu.vector_load %arg7[%swap3A_1041, %swap3A_1042] {strides = array<i32>} : memref<128x128xf32, #tpu.memory_space<vmem>>, vector<1x16xf32>,
        %swap3A_1044 = vector.shape_cast %swap3A_1043 : vector<1x16xf32> to vector<16xf32>
        %swap3A_1045 = vector.shape_cast %mul3A_1040 : vector<16xf32> to vector<1x16xf32>
        tpu.vector_store %arg7[%swap3A_1041, %swap3A_1042], %swap3A_1045 {strides = array<i32>} : memref<128x128xf32, #tpu.memory_space<vmem>>, vector<1x16xf32>,
        %get3A_1046 = arith.index_cast %scan3A_999 : i32 to index
        %get3A_1047 = arith.constant 64 : index
        %get3A_1048 = tpu.vector_load %arg7[%get3A_1046, %get3A_1047] {strides = array<i32>} : memref<128x128xf32, #tpu.memory_space<vmem>>, vector<1x16xf32>,
        %get3A_1049 = vector.shape_cast %get3A_1048 : vector<1x16xf32> to vector<16xf32>
        %mul3A_1050 = arith.constant 11.3137083 : f32
        %mul3A_1051 = vector.broadcast %mul3A_1050 : f32 to vector<16xf32>
        %mul3A_1052 = arith.mulf %get3A_1049, %mul3A_1051 : vector<16xf32>
        %swap3A_1053 = arith.index_cast %scan3A_999 : i32 to index
        %swap3A_1054 = arith.constant 64 : index
        %swap3A_1055 = tpu.vector_load %arg7[%swap3A_1053, %swap3A_1054] {strides = array<i32>} : memref<128x128xf32, #tpu.memory_space<vmem>>, vector<1x16xf32>,
        %swap3A_1056 = vector.shape_cast %swap3A_1055 : vector<1x16xf32> to vector<16xf32>
        %swap3A_1057 = vector.shape_cast %mul3A_1052 : vector<16xf32> to vector<1x16xf32>
        tpu.vector_store %arg7[%swap3A_1053, %swap3A_1054], %swap3A_1057 {strides = array<i32>} : memref<128x128xf32, #tpu.memory_space<vmem>>, vector<1x16xf32>,
        %get3A_1058 = arith.index_cast %scan3A_999 : i32 to index
        %get3A_1059 = arith.constant 80 : index
        %get3A_1060 = tpu.vector_load %arg7[%get3A_1058, %get3A_1059] {strides = array<i32>} : memref<128x128xf32, #tpu.memory_space<vmem>>, vector<1x16xf32>,
        %get3A_1061 = vector.shape_cast %get3A_1060 : vector<1x16xf32> to vector<16xf32>
        %mul3A_1062 = arith.constant 11.3137083 : f32
        %mul3A_1063 = vector.broadcast %mul3A_1062 : f32 to vector<16xf32>
        %mul3A_1064 = arith.mulf %get3A_1061, %mul3A_1063 : vector<16xf32>
        %swap3A_1065 = arith.index_cast %scan3A_999 : i32 to index
        %swap3A_1066 = arith.constant 80 : index
        %swap3A_1067 = tpu.vector_load %arg7[%swap3A_1065, %swap3A_1066] {strides = array<i32>} : memref<128x128xf32, #tpu.memory_space<vmem>>, vector<1x16xf32>,
        %swap3A_1068 = vector.shape_cast %swap3A_1067 : vector<1x16xf32> to vector<16xf32>
        %swap3A_1069 = vector.shape_cast %mul3A_1064 : vector<16xf32> to vector<1x16xf32>
        tpu.vector_store %arg7[%swap3A_1065, %swap3A_1066], %swap3A_1069 {strides = array<i32>} : memref<128x128xf32, #tpu.memory_space<vmem>>, vector<1x16xf32>,
        %get3A_1070 = arith.index_cast %scan3A_999 : i32 to index
        %get3A_1071 = arith.constant 96 : index
        %get3A_1072 = tpu.vector_load %arg7[%get3A_1070, %get3A_1071] {strides = array<i32>} : memref<128x128xf32, #tpu.memory_space<vmem>>, vector<1x16xf32>,
        %get3A_1073 = vector.shape_cast %get3A_1072 : vector<1x16xf32> to vector<16xf32>
        %mul3A_1074 = arith.constant 11.3137083 : f32
        %mul3A_1075 = vector.broadcast %mul3A_1074 : f32 to vector<16xf32>
        %mul3A_1076 = arith.mulf %get3A_1073, %mul3A_1075 : vector<16xf32>
        %swap3A_1077 = arith.index_cast %scan3A_999 : i32 to index
        %swap3A_1078 = arith.constant 96 : index
        %swap3A_1079 = tpu.vector_load %arg7[%swap3A_1077, %swap3A_1078] {strides = array<i32>} : memref<128x128xf32, #tpu.memory_space<vmem>>, vector<1x16xf32>,
        %swap3A_1080 = vector.shape_cast %swap3A_1079 : vector<1x16xf32> to vector<16xf32>
        %swap3A_1081 = vector.shape_cast %mul3A_1076 : vector<16xf32> to vector<1x16xf32>
        tpu.vector_store %arg7[%swap3A_1077, %swap3A_1078], %swap3A_1081 {strides = array<i32>} : memref<128x128xf32, #tpu.memory_space<vmem>>, vector<1x16xf32>,
        %get3A_1082 = arith.index_cast %scan3A_999 : i32 to index
        %get3A_1083 = arith.constant 112 : index
        %get3A_1084 = tpu.vector_load %arg7[%get3A_1082, %get3A_1083] {strides = array<i32>} : memref<128x128xf32, #tpu.memory_space<vmem>>, vector<1x16xf32>,
        %get3A_1085 = vector.shape_cast %get3A_1084 : vector<1x16xf32> to vector<16xf32>
        %mul3A_1086 = arith.constant 11.3137083 : f32
        %mul3A_1087 = vector.broadcast %mul3A_1086 : f32 to vector<16xf32>
        %mul3A_1088 = arith.mulf %get3A_1085, %mul3A_1087 : vector<16xf32>
        %swap3A_1089 = arith.index_cast %scan3A_999 : i32 to index
        %swap3A_1090 = arith.constant 112 : index
        %swap3A_1091 = tpu.vector_load %arg7[%swap3A_1089, %swap3A_1090] {strides = array<i32>} : memref<128x128xf32, #tpu.memory_space<vmem>>, vector<1x16xf32>,
        %swap3A_1092 = vector.shape_cast %swap3A_1091 : vector<1x16xf32> to vector<16xf32>
        %swap3A_1093 = vector.shape_cast %mul3A_1088 : vector<16xf32> to vector<1x16xf32>
        tpu.vector_store %arg7[%swap3A_1089, %swap3A_1090], %swap3A_1093 {strides = array<i32>} : memref<128x128xf32, #tpu.memory_space<vmem>>, vector<1x16xf32>,
      }
      %scan3A_516 = arith.constant 128 : i32
      %jit3A_517 = arith.constant 4 : i32
      %div3A_518 = arith.divsi %add3A_504, %jit3A_517 : i32
      %sign3A_519 = arith.constant 0 : i32
      %sign3A_520 = arith.cmpi sgt, %add3A_504, %sign3A_519 : i32
      %sign3A_521 = arith.extui %sign3A_520 : i1 to i32
      %sign3A_522 = arith.constant 0 : i32
      %sign3A_523 = arith.cmpi slt, %add3A_504, %sign3A_522 : i32
      %sign3A_524 = arith.extui %sign3A_523 : i1 to i32
      %sign3A_525 = arith.subi %sign3A_521, %sign3A_524 : i32
      %sign3A_526 = arith.constant 0 : i32
      %sign3A_527 = arith.cmpi sgt, %jit3A_517, %sign3A_526 : i32
      %sign3A_528 = arith.extui %sign3A_527 : i1 to i32
      %sign3A_529 = arith.constant 0 : i32
      %sign3A_530 = arith.cmpi slt, %jit3A_517, %sign3A_529 : i32
      %sign3A_531 = arith.extui %sign3A_530 : i1 to i32
      %sign3A_532 = arith.subi %sign3A_528, %sign3A_531 : i32
      %ne3A_533 = arith.cmpi ne, %sign3A_525, %sign3A_532 : i32
      %rem3A_534 = arith.remsi %add3A_504, %jit3A_517 : i32
      %ne3A_535 = arith.constant 0 : i32
      %ne3A_536 = arith.cmpi ne, %rem3A_534, %ne3A_535 : i32
      %and3A_537 = arith.andi %ne3A_533, %ne3A_536 : i1
      %sub3A_538 = arith.constant 1 : i32
      %sub3A_539 = arith.subi %div3A_518, %sub3A_538 : i32
      %select_n3A_540 = arith.select %and3A_537, %sub3A_539, %div3A_518 : i32
      %jit3A_541 = arith.constant 4 : i32
      %eq3A_542 = arith.constant 0 : i32
      %eq3A_543 = arith.cmpi eq, %jit3A_541, %eq3A_542 : i32
      %jit3A_544 = arith.constant 1 : i32
      %select_n3A_545 = arith.select %eq3A_543, %jit3A_544, %jit3A_541 : i32
      %rem3A_546 = arith.remsi %add3A_504, %select_n3A_545 : i32
      %ne3A_547 = arith.constant 0 : i32
      %ne3A_548 = arith.cmpi ne, %rem3A_546, %ne3A_547 : i32
      %lt3A_549 = arith.constant 0 : i32
      %lt3A_550 = arith.cmpi slt, %rem3A_546, %lt3A_549 : i32
      %lt3A_551 = arith.constant 0 : i32
      %lt3A_552 = arith.cmpi slt, %select_n3A_545, %lt3A_551 : i32
      %ne3A_553 = arith.xori %lt3A_550, %lt3A_552 : i1
      %and3A_554 = arith.andi %ne3A_553, %ne3A_548 : i1
      %add3A_555 = arith.addi %rem3A_546, %select_n3A_545 : i32
      %select_n3A_556 = arith.select %and3A_554, %add3A_555, %rem3A_546 : i32
      %mul3A_557 = arith.constant 128 : i32
      %mul3A_558 = arith.muli %select_n3A_556, %mul3A_557 : i32
      %add3A_559 = arith.addi %mul3A_2, %mul3A_558 : i32
      %dma_start3A_560 = arith.constant 0 : i32
      %dma_start3A_561 = tpu.memref_slice %arg4[%select_n3A_540, %add3A_559, %dma_start3A_560] : memref<50x16384x128xf32, #tpu.memory_space<hbm>> -> memref<1x128x128xf32, #tpu.memory_space<hbm>>
      %dma_start3A_562 = tpu.memref_squeeze %dma_start3A_561 : memref<1x128x128xf32, #tpu.memory_space<hbm>> -> memref<128x128xf32, #tpu.memory_space<hbm>>
      %dma_start3A_563 = arith.constant 0 : i32
      %dma_start3A_564 = tpu.memref_slice %arg4[%select_n3A_540, %add3A_559, %dma_start3A_563] : memref<50x16384x128xf32, #tpu.memory_space<hbm>> -> memref<1x128x128xf32, #tpu.memory_space<hbm>>
      %dma_start3A_565 = tpu.memref_squeeze %dma_start3A_564 : memref<1x128x128xf32, #tpu.memory_space<hbm>> -> memref<128x128xf32, #tpu.memory_space<hbm>>
      tpu.enqueue_dma source(%arg7 : memref<128x128xf32, #tpu.memory_space<vmem>>) target(%dma_start3A_565 : memref<128x128xf32, #tpu.memory_space<hbm>>) target_semaphore(%arg17 : memref<!tpu.dma_semaphore, #tpu.memory_space<semaphore_mem>>)
      %sub3A_566 = arith.constant 1 : i32
      %sub3A_567 = arith.subi %add3A_504, %sub3A_566 : i32
      %jit3A_568 = arith.constant 4 : i32
      %div3A_569 = arith.divsi %sub3A_567, %jit3A_568 : i32
      %sign3A_570 = arith.constant 0 : i32
      %sign3A_571 = arith.cmpi sgt, %sub3A_567, %sign3A_570 : i32
      %sign3A_572 = arith.extui %sign3A_571 : i1 to i32
      %sign3A_573 = arith.constant 0 : i32
      %sign3A_574 = arith.cmpi slt, %sub3A_567, %sign3A_573 : i32
      %sign3A_575 = arith.extui %sign3A_574 : i1 to i32
      %sign3A_576 = arith.subi %sign3A_572, %sign3A_575 : i32
      %sign3A_577 = arith.constant 0 : i32
      %sign3A_578 = arith.cmpi sgt, %jit3A_568, %sign3A_577 : i32
      %sign3A_579 = arith.extui %sign3A_578 : i1 to i32
      %sign3A_580 = arith.constant 0 : i32
      %sign3A_581 = arith.cmpi slt, %jit3A_568, %sign3A_580 : i32
      %sign3A_582 = arith.extui %sign3A_581 : i1 to i32
      %sign3A_583 = arith.subi %sign3A_579, %sign3A_582 : i32
      %ne3A_584 = arith.cmpi ne, %sign3A_576, %sign3A_583 : i32
      %rem3A_585 = arith.remsi %sub3A_567, %jit3A_568 : i32
      %ne3A_586 = arith.constant 0 : i32
      %ne3A_587 = arith.cmpi ne, %rem3A_585, %ne3A_586 : i32
      %and3A_588 = arith.andi %ne3A_584, %ne3A_587 : i1
      %sub3A_589 = arith.constant 1 : i32
      %sub3A_590 = arith.subi %div3A_569, %sub3A_589 : i32
      %select_n3A_591 = arith.select %and3A_588, %sub3A_590, %div3A_569 : i32
      %jit3A_592 = arith.constant 4 : i32
      %eq3A_593 = arith.constant 0 : i32
      %eq3A_594 = arith.cmpi eq, %jit3A_592, %eq3A_593 : i32
      %jit3A_595 = arith.constant 1 : i32
      %select_n3A_596 = arith.select %eq3A_594, %jit3A_595, %jit3A_592 : i32
      %rem3A_597 = arith.remsi %sub3A_567, %select_n3A_596 : i32
      %ne3A_598 = arith.constant 0 : i32
      %ne3A_599 = arith.cmpi ne, %rem3A_597, %ne3A_598 : i32
      %lt3A_600 = arith.constant 0 : i32
      %lt3A_601 = arith.cmpi slt, %rem3A_597, %lt3A_600 : i32
      %lt3A_602 = arith.constant 0 : i32
      %lt3A_603 = arith.cmpi slt, %select_n3A_596, %lt3A_602 : i32
      %ne3A_604 = arith.xori %lt3A_601, %lt3A_603 : i1
      %and3A_605 = arith.andi %ne3A_604, %ne3A_599 : i1
      %add3A_606 = arith.addi %rem3A_597, %select_n3A_596 : i32
      %select_n3A_607 = arith.select %and3A_605, %add3A_606, %rem3A_597 : i32
      %mul3A_608 = arith.constant 128 : i32
      %mul3A_609 = arith.muli %select_n3A_607, %mul3A_608 : i32
      %add3A_610 = arith.addi %mul3A_2, %mul3A_609 : i32
      %dma_wait3A_611 = arith.constant 0 : i32
      %dma_wait3A_612 = tpu.memref_slice %arg4[%select_n3A_591, %add3A_610, %dma_wait3A_611] : memref<50x16384x128xf32, #tpu.memory_space<hbm>> -> memref<1x128x128xf32, #tpu.memory_space<hbm>>
      %dma_wait3A_613 = tpu.memref_squeeze %dma_wait3A_612 : memref<1x128x128xf32, #tpu.memory_space<hbm>> -> memref<128x128xf32, #tpu.memory_space<hbm>>
      %dma_wait3A_614 = arith.constant 0 : i32
      %dma_wait3A_615 = tpu.memref_slice %arg4[%select_n3A_591, %add3A_610, %dma_wait3A_614] : memref<50x16384x128xf32, #tpu.memory_space<hbm>> -> memref<1x128x128xf32, #tpu.memory_space<hbm>>
      %dma_wait3A_616 = tpu.memref_squeeze %dma_wait3A_615 : memref<1x128x128xf32, #tpu.memory_space<hbm>> -> memref<128x128xf32, #tpu.memory_space<hbm>>
      tpu.wait_dma2 semaphore(%arg16 : memref<!tpu.dma_semaphore, #tpu.memory_space<semaphore_mem>>) src(%arg6 : memref<128x128xf32, #tpu.memory_space<vmem>>) dst(%dma_wait3A_616 : memref<128x128xf32, #tpu.memory_space<hbm>>)
      %add3A_617 = arith.constant 5 : i32
      %add3A_618 = arith.addi %add3A_504, %add3A_617 : i32
      %sub3A_619 = arith.constant 1 : i32
      %sub3A_620 = arith.subi %add3A_618, %sub3A_619 : i32
      %dma_start3A_621 = arith.constant 0 : i32
      %dma_start3A_622 = tpu.memref_slice %arg5[%sub3A_620, %dma_start3A_621] : memref<200x128xi32, #tpu.memory_space<vmem>> -> memref<1x128xi32, #tpu.memory_space<vmem>>
      %dma_start3A_623 = tpu.memref_squeeze %dma_start3A_622 : memref<1x128xi32, #tpu.memory_space<vmem>> -> memref<128xi32, #tpu.memory_space<vmem>>
      %dma_start3A_624 = arith.constant 0 : i32
      %dma_start3A_625 = arith.constant 0 : i32
      %dma_start3A_626 = tpu.memref_slice %arg2[%dma_start3A_624, %dma_start3A_625] : memref<100000x128xf32, #tpu.memory_space<hbm>> -> memref<100000x128xf32, #tpu.memory_space<hbm>>
      tpu.enqueue_indirect_dma source(%dma_start3A_626 : memref<100000x128xf32, #tpu.memory_space<hbm>>) target(%arg6 : memref<128x128xf32, #tpu.memory_space<vmem>>) offsets(%dma_start3A_623 : memref<128xi32, #tpu.memory_space<vmem>>) semaphore(%arg11 : memref<!tpu.dma_semaphore, #tpu.memory_space<semaphore_mem>>)
      %add3A_627 = arith.constant 2 : i32
      %add3A_628 = arith.addi %mul3A_388, %add3A_627 : i32
      %dma_wait3A_629 = arith.constant 0 : i32
      %dma_wait3A_630 = tpu.memref_slice %arg5[%add3A_628, %dma_wait3A_629] : memref<200x128xi32, #tpu.memory_space<vmem>> -> memref<1x128xi32, #tpu.memory_space<vmem>>
      %dma_wait3A_631 = tpu.memref_squeeze %dma_wait3A_630 : memref<1x128xi32, #tpu.memory_space<vmem>> -> memref<128xi32, #tpu.memory_space<vmem>>
      %dma_wait3A_632 = arith.constant 0 : i32
      %dma_wait3A_633 = arith.constant 0 : i32
      %dma_wait3A_634 = tpu.memref_slice %arg2[%dma_wait3A_632, %dma_wait3A_633] : memref<100000x128xf32, #tpu.memory_space<hbm>> -> memref<100000x128xf32, #tpu.memory_space<hbm>>
      tpu.wait_indirect_dma semaphore(%arg13 : memref<!tpu.dma_semaphore, #tpu.memory_space<semaphore_mem>>) src(%dma_wait3A_634 : memref<100000x128xf32, #tpu.memory_space<hbm>>) dst(%arg8 : memref<128x128xf32, #tpu.memory_space<vmem>>)
      %scan3A_635 = arith.constant 0 : i32
      %scan3A_636 = arith.constant 0 : i32
      %scan3A_637 = arith.constant 128 : i32
      %scan3A_638 = arith.addi %scan3A_636, %scan3A_637 : i32
      %scan3A_639 = arith.constant 1 : i32
      scf.for %scan3A_999 = %scan3A_636 to %scan3A_638 step %scan3A_639  : i32 {
        %get3A = arith.index_cast %scan3A_999 : i32 to index
        %get3A_1000 = arith.constant 0 : index
        %get3A_1001 = tpu.vector_load %arg8[%get3A, %get3A_1000] {strides = array<i32>} : memref<128x128xf32, #tpu.memory_space<vmem>>, vector<1x16xf32>,
        %get3A_1002 = vector.shape_cast %get3A_1001 : vector<1x16xf32> to vector<16xf32>
        %mul3A_1003 = arith.constant 11.3137083 : f32
        %mul3A_1004 = vector.broadcast %mul3A_1003 : f32 to vector<16xf32>
        %mul3A_1005 = arith.mulf %get3A_1002, %mul3A_1004 : vector<16xf32>
        %swap3A = arith.index_cast %scan3A_999 : i32 to index
        %swap3A_1006 = arith.constant 0 : index
        %swap3A_1007 = tpu.vector_load %arg8[%swap3A, %swap3A_1006] {strides = array<i32>} : memref<128x128xf32, #tpu.memory_space<vmem>>, vector<1x16xf32>,
        %swap3A_1008 = vector.shape_cast %swap3A_1007 : vector<1x16xf32> to vector<16xf32>
        %swap3A_1009 = vector.shape_cast %mul3A_1005 : vector<16xf32> to vector<1x16xf32>
        tpu.vector_store %arg8[%swap3A, %swap3A_1006], %swap3A_1009 {strides = array<i32>} : memref<128x128xf32, #tpu.memory_space<vmem>>, vector<1x16xf32>,
        %get3A_1010 = arith.index_cast %scan3A_999 : i32 to index
        %get3A_1011 = arith.constant 16 : index
        %get3A_1012 = tpu.vector_load %arg8[%get3A_1010, %get3A_1011] {strides = array<i32>} : memref<128x128xf32, #tpu.memory_space<vmem>>, vector<1x16xf32>,
        %get3A_1013 = vector.shape_cast %get3A_1012 : vector<1x16xf32> to vector<16xf32>
        %mul3A_1014 = arith.constant 11.3137083 : f32
        %mul3A_1015 = vector.broadcast %mul3A_1014 : f32 to vector<16xf32>
        %mul3A_1016 = arith.mulf %get3A_1013, %mul3A_1015 : vector<16xf32>
        %swap3A_1017 = arith.index_cast %scan3A_999 : i32 to index
        %swap3A_1018 = arith.constant 16 : index
        %swap3A_1019 = tpu.vector_load %arg8[%swap3A_1017, %swap3A_1018] {strides = array<i32>} : memref<128x128xf32, #tpu.memory_space<vmem>>, vector<1x16xf32>,
        %swap3A_1020 = vector.shape_cast %swap3A_1019 : vector<1x16xf32> to vector<16xf32>
        %swap3A_1021 = vector.shape_cast %mul3A_1016 : vector<16xf32> to vector<1x16xf32>
        tpu.vector_store %arg8[%swap3A_1017, %swap3A_1018], %swap3A_1021 {strides = array<i32>} : memref<128x128xf32, #tpu.memory_space<vmem>>, vector<1x16xf32>,
        %get3A_1022 = arith.index_cast %scan3A_999 : i32 to index
        %get3A_1023 = arith.constant 32 : index
        %get3A_1024 = tpu.vector_load %arg8[%get3A_1022, %get3A_1023] {strides = array<i32>} : memref<128x128xf32, #tpu.memory_space<vmem>>, vector<1x16xf32>,
        %get3A_1025 = vector.shape_cast %get3A_1024 : vector<1x16xf32> to vector<16xf32>
        %mul3A_1026 = arith.constant 11.3137083 : f32
        %mul3A_1027 = vector.broadcast %mul3A_1026 : f32 to vector<16xf32>
        %mul3A_1028 = arith.mulf %get3A_1025, %mul3A_1027 : vector<16xf32>
        %swap3A_1029 = arith.index_cast %scan3A_999 : i32 to index
        %swap3A_1030 = arith.constant 32 : index
        %swap3A_1031 = tpu.vector_load %arg8[%swap3A_1029, %swap3A_1030] {strides = array<i32>} : memref<128x128xf32, #tpu.memory_space<vmem>>, vector<1x16xf32>,
        %swap3A_1032 = vector.shape_cast %swap3A_1031 : vector<1x16xf32> to vector<16xf32>
        %swap3A_1033 = vector.shape_cast %mul3A_1028 : vector<16xf32> to vector<1x16xf32>
        tpu.vector_store %arg8[%swap3A_1029, %swap3A_1030], %swap3A_1033 {strides = array<i32>} : memref<128x128xf32, #tpu.memory_space<vmem>>, vector<1x16xf32>,
        %get3A_1034 = arith.index_cast %scan3A_999 : i32 to index
        %get3A_1035 = arith.constant 48 : index
        %get3A_1036 = tpu.vector_load %arg8[%get3A_1034, %get3A_1035] {strides = array<i32>} : memref<128x128xf32, #tpu.memory_space<vmem>>, vector<1x16xf32>,
        %get3A_1037 = vector.shape_cast %get3A_1036 : vector<1x16xf32> to vector<16xf32>
        %mul3A_1038 = arith.constant 11.3137083 : f32
        %mul3A_1039 = vector.broadcast %mul3A_1038 : f32 to vector<16xf32>
        %mul3A_1040 = arith.mulf %get3A_1037, %mul3A_1039 : vector<16xf32>
        %swap3A_1041 = arith.index_cast %scan3A_999 : i32 to index
        %swap3A_1042 = arith.constant 48 : index
        %swap3A_1043 = tpu.vector_load %arg8[%swap3A_1041, %swap3A_1042] {strides = array<i32>} : memref<128x128xf32, #tpu.memory_space<vmem>>, vector<1x16xf32>,
        %swap3A_1044 = vector.shape_cast %swap3A_1043 : vector<1x16xf32> to vector<16xf32>
        %swap3A_1045 = vector.shape_cast %mul3A_1040 : vector<16xf32> to vector<1x16xf32>
        tpu.vector_store %arg8[%swap3A_1041, %swap3A_1042], %swap3A_1045 {strides = array<i32>} : memref<128x128xf32, #tpu.memory_space<vmem>>, vector<1x16xf32>,
        %get3A_1046 = arith.index_cast %scan3A_999 : i32 to index
        %get3A_1047 = arith.constant 64 : index
        %get3A_1048 = tpu.vector_load %arg8[%get3A_1046, %get3A_1047] {strides = array<i32>} : memref<128x128xf32, #tpu.memory_space<vmem>>, vector<1x16xf32>,
        %get3A_1049 = vector.shape_cast %get3A_1048 : vector<1x16xf32> to vector<16xf32>
        %mul3A_1050 = arith.constant 11.3137083 : f32
        %mul3A_1051 = vector.broadcast %mul3A_1050 : f32 to vector<16xf32>
        %mul3A_1052 = arith.mulf %get3A_1049, %mul3A_1051 : vector<16xf32>
        %swap3A_1053 = arith.index_cast %scan3A_999 : i32 to index
        %swap3A_1054 = arith.constant 64 : index
        %swap3A_1055 = tpu.vector_load %arg8[%swap3A_1053, %swap3A_1054] {strides = array<i32>} : memref<128x128xf32, #tpu.memory_space<vmem>>, vector<1x16xf32>,
        %swap3A_1056 = vector.shape_cast %swap3A_1055 : vector<1x16xf32> to vector<16xf32>
        %swap3A_1057 = vector.shape_cast %mul3A_1052 : vector<16xf32> to vector<1x16xf32>
        tpu.vector_store %arg8[%swap3A_1053, %swap3A_1054], %swap3A_1057 {strides = array<i32>} : memref<128x128xf32, #tpu.memory_space<vmem>>, vector<1x16xf32>,
        %get3A_1058 = arith.index_cast %scan3A_999 : i32 to index
        %get3A_1059 = arith.constant 80 : index
        %get3A_1060 = tpu.vector_load %arg8[%get3A_1058, %get3A_1059] {strides = array<i32>} : memref<128x128xf32, #tpu.memory_space<vmem>>, vector<1x16xf32>,
        %get3A_1061 = vector.shape_cast %get3A_1060 : vector<1x16xf32> to vector<16xf32>
        %mul3A_1062 = arith.constant 11.3137083 : f32
        %mul3A_1063 = vector.broadcast %mul3A_1062 : f32 to vector<16xf32>
        %mul3A_1064 = arith.mulf %get3A_1061, %mul3A_1063 : vector<16xf32>
        %swap3A_1065 = arith.index_cast %scan3A_999 : i32 to index
        %swap3A_1066 = arith.constant 80 : index
        %swap3A_1067 = tpu.vector_load %arg8[%swap3A_1065, %swap3A_1066] {strides = array<i32>} : memref<128x128xf32, #tpu.memory_space<vmem>>, vector<1x16xf32>,
        %swap3A_1068 = vector.shape_cast %swap3A_1067 : vector<1x16xf32> to vector<16xf32>
        %swap3A_1069 = vector.shape_cast %mul3A_1064 : vector<16xf32> to vector<1x16xf32>
        tpu.vector_store %arg8[%swap3A_1065, %swap3A_1066], %swap3A_1069 {strides = array<i32>} : memref<128x128xf32, #tpu.memory_space<vmem>>, vector<1x16xf32>,
        %get3A_1070 = arith.index_cast %scan3A_999 : i32 to index
        %get3A_1071 = arith.constant 96 : index
        %get3A_1072 = tpu.vector_load %arg8[%get3A_1070, %get3A_1071] {strides = array<i32>} : memref<128x128xf32, #tpu.memory_space<vmem>>, vector<1x16xf32>,
        %get3A_1073 = vector.shape_cast %get3A_1072 : vector<1x16xf32> to vector<16xf32>
        %mul3A_1074 = arith.constant 11.3137083 : f32
        %mul3A_1075 = vector.broadcast %mul3A_1074 : f32 to vector<16xf32>
        %mul3A_1076 = arith.mulf %get3A_1073, %mul3A_1075 : vector<16xf32>
        %swap3A_1077 = arith.index_cast %scan3A_999 : i32 to index
        %swap3A_1078 = arith.constant 96 : index
        %swap3A_1079 = tpu.vector_load %arg8[%swap3A_1077, %swap3A_1078] {strides = array<i32>} : memref<128x128xf32, #tpu.memory_space<vmem>>, vector<1x16xf32>,
        %swap3A_1080 = vector.shape_cast %swap3A_1079 : vector<1x16xf32> to vector<16xf32>
        %swap3A_1081 = vector.shape_cast %mul3A_1076 : vector<16xf32> to vector<1x16xf32>
        tpu.vector_store %arg8[%swap3A_1077, %swap3A_1078], %swap3A_1081 {strides = array<i32>} : memref<128x128xf32, #tpu.memory_space<vmem>>, vector<1x16xf32>,
        %get3A_1082 = arith.index_cast %scan3A_999 : i32 to index
        %get3A_1083 = arith.constant 112 : index
        %get3A_1084 = tpu.vector_load %arg8[%get3A_1082, %get3A_1083] {strides = array<i32>} : memref<128x128xf32, #tpu.memory_space<vmem>>, vector<1x16xf32>,
        %get3A_1085 = vector.shape_cast %get3A_1084 : vector<1x16xf32> to vector<16xf32>
        %mul3A_1086 = arith.constant 11.3137083 : f32
        %mul3A_1087 = vector.broadcast %mul3A_1086 : f32 to vector<16xf32>
        %mul3A_1088 = arith.mulf %get3A_1085, %mul3A_1087 : vector<16xf32>
        %swap3A_1089 = arith.index_cast %scan3A_999 : i32 to index
        %swap3A_1090 = arith.constant 112 : index
        %swap3A_1091 = tpu.vector_load %arg8[%swap3A_1089, %swap3A_1090] {strides = array<i32>} : memref<128x128xf32, #tpu.memory_space<vmem>>, vector<1x16xf32>,
        %swap3A_1092 = vector.shape_cast %swap3A_1091 : vector<1x16xf32> to vector<16xf32>
        %swap3A_1093 = vector.shape_cast %mul3A_1088 : vector<16xf32> to vector<1x16xf32>
        tpu.vector_store %arg8[%swap3A_1089, %swap3A_1090], %swap3A_1093 {strides = array<i32>} : memref<128x128xf32, #tpu.memory_space<vmem>>, vector<1x16xf32>,
      }
      %scan3A_640 = arith.constant 128 : i32
      %jit3A_641 = arith.constant 4 : i32
      %div3A_642 = arith.divsi %add3A_628, %jit3A_641 : i32
      %sign3A_643 = arith.constant 0 : i32
      %sign3A_644 = arith.cmpi sgt, %add3A_628, %sign3A_643 : i32
      %sign3A_645 = arith.extui %sign3A_644 : i1 to i32
      %sign3A_646 = arith.constant 0 : i32
      %sign3A_647 = arith.cmpi slt, %add3A_628, %sign3A_646 : i32
      %sign3A_648 = arith.extui %sign3A_647 : i1 to i32
      %sign3A_649 = arith.subi %sign3A_645, %sign3A_648 : i32
      %sign3A_650 = arith.constant 0 : i32
      %sign3A_651 = arith.cmpi sgt, %jit3A_641, %sign3A_650 : i32
      %sign3A_652 = arith.extui %sign3A_651 : i1 to i32
      %sign3A_653 = arith.constant 0 : i32
      %sign3A_654 = arith.cmpi slt, %jit3A_641, %sign3A_653 : i32
      %sign3A_655 = arith.extui %sign3A_654 : i1 to i32
      %sign3A_656 = arith.subi %sign3A_652, %sign3A_655 : i32
      %ne3A_657 = arith.cmpi ne, %sign3A_649, %sign3A_656 : i32
      %rem3A_658 = arith.remsi %add3A_628, %jit3A_641 : i32
      %ne3A_659 = arith.constant 0 : i32
      %ne3A_660 = arith.cmpi ne, %rem3A_658, %ne3A_659 : i32
      %and3A_661 = arith.andi %ne3A_657, %ne3A_660 : i1
      %sub3A_662 = arith.constant 1 : i32
      %sub3A_663 = arith.subi %div3A_642, %sub3A_662 : i32
      %select_n3A_664 = arith.select %and3A_661, %sub3A_663, %div3A_642 : i32
      %jit3A_665 = arith.constant 4 : i32
      %eq3A_666 = arith.constant 0 : i32
      %eq3A_667 = arith.cmpi eq, %jit3A_665, %eq3A_666 : i32
      %jit3A_668 = arith.constant 1 : i32
      %select_n3A_669 = arith.select %eq3A_667, %jit3A_668, %jit3A_665 : i32
      %rem3A_670 = arith.remsi %add3A_628, %select_n3A_669 : i32
      %ne3A_671 = arith.constant 0 : i32
      %ne3A_672 = arith.cmpi ne, %rem3A_670, %ne3A_671 : i32
      %lt3A_673 = arith.constant 0 : i32
      %lt3A_674 = arith.cmpi slt, %rem3A_670, %lt3A_673 : i32
      %lt3A_675 = arith.constant 0 : i32
      %lt3A_676 = arith.cmpi slt, %select_n3A_669, %lt3A_675 : i32
      %ne3A_677 = arith.xori %lt3A_674, %lt3A_676 : i1
      %and3A_678 = arith.andi %ne3A_677, %ne3A_672 : i1
      %add3A_679 = arith.addi %rem3A_670, %select_n3A_669 : i32
      %select_n3A_680 = arith.select %and3A_678, %add3A_679, %rem3A_670 : i32
      %mul3A_681 = arith.constant 128 : i32
      %mul3A_682 = arith.muli %select_n3A_680, %mul3A_681 : i32
      %add3A_683 = arith.addi %mul3A_2, %mul3A_682 : i32
      %dma_start3A_684 = arith.constant 0 : i32
      %dma_start3A_685 = tpu.memref_slice %arg4[%select_n3A_664, %add3A_683, %dma_start3A_684] : memref<50x16384x128xf32, #tpu.memory_space<hbm>> -> memref<1x128x128xf32, #tpu.memory_space<hbm>>
      %dma_start3A_686 = tpu.memref_squeeze %dma_start3A_685 : memref<1x128x128xf32, #tpu.memory_space<hbm>> -> memref<128x128xf32, #tpu.memory_space<hbm>>
      %dma_start3A_687 = arith.constant 0 : i32
      %dma_start3A_688 = tpu.memref_slice %arg4[%select_n3A_664, %add3A_683, %dma_start3A_687] : memref<50x16384x128xf32, #tpu.memory_space<hbm>> -> memref<1x128x128xf32, #tpu.memory_space<hbm>>
      %dma_start3A_689 = tpu.memref_squeeze %dma_start3A_688 : memref<1x128x128xf32, #tpu.memory_space<hbm>> -> memref<128x128xf32, #tpu.memory_space<hbm>>
      tpu.enqueue_dma source(%arg8 : memref<128x128xf32, #tpu.memory_space<vmem>>) target(%dma_start3A_689 : memref<128x128xf32, #tpu.memory_space<hbm>>) target_semaphore(%arg18 : memref<!tpu.dma_semaphore, #tpu.memory_space<semaphore_mem>>)
      %sub3A_690 = arith.constant 1 : i32
      %sub3A_691 = arith.subi %add3A_628, %sub3A_690 : i32
      %jit3A_692 = arith.constant 4 : i32
      %div3A_693 = arith.divsi %sub3A_691, %jit3A_692 : i32
      %sign3A_694 = arith.constant 0 : i32
      %sign3A_695 = arith.cmpi sgt, %sub3A_691, %sign3A_694 : i32
      %sign3A_696 = arith.extui %sign3A_695 : i1 to i32
      %sign3A_697 = arith.constant 0 : i32
      %sign3A_698 = arith.cmpi slt, %sub3A_691, %sign3A_697 : i32
      %sign3A_699 = arith.extui %sign3A_698 : i1 to i32
      %sign3A_700 = arith.subi %sign3A_696, %sign3A_699 : i32
      %sign3A_701 = arith.constant 0 : i32
      %sign3A_702 = arith.cmpi sgt, %jit3A_692, %sign3A_701 : i32
      %sign3A_703 = arith.extui %sign3A_702 : i1 to i32
      %sign3A_704 = arith.constant 0 : i32
      %sign3A_705 = arith.cmpi slt, %jit3A_692, %sign3A_704 : i32
      %sign3A_706 = arith.extui %sign3A_705 : i1 to i32
      %sign3A_707 = arith.subi %sign3A_703, %sign3A_706 : i32
      %ne3A_708 = arith.cmpi ne, %sign3A_700, %sign3A_707 : i32
      %rem3A_709 = arith.remsi %sub3A_691, %jit3A_692 : i32
      %ne3A_710 = arith.constant 0 : i32
      %ne3A_711 = arith.cmpi ne, %rem3A_709, %ne3A_710 : i32
      %and3A_712 = arith.andi %ne3A_708, %ne3A_711 : i1
      %sub3A_713 = arith.constant 1 : i32
      %sub3A_714 = arith.subi %div3A_693, %sub3A_713 : i32
      %select_n3A_715 = arith.select %and3A_712, %sub3A_714, %div3A_693 : i32
      %jit3A_716 = arith.constant 4 : i32
      %eq3A_717 = arith.constant 0 : i32
      %eq3A_718 = arith.cmpi eq, %jit3A_716, %eq3A_717 : i32
      %jit3A_719 = arith.constant 1 : i32
      %select_n3A_720 = arith.select %eq3A_718, %jit3A_719, %jit3A_716 : i32
      %rem3A_721 = arith.remsi %sub3A_691, %select_n3A_720 : i32
      %ne3A_722 = arith.constant 0 : i32
      %ne3A_723 = arith.cmpi ne, %rem3A_721, %ne3A_722 : i32
      %lt3A_724 = arith.constant 0 : i32
      %lt3A_725 = arith.cmpi slt, %rem3A_721, %lt3A_724 : i32
      %lt3A_726 = arith.constant 0 : i32
      %lt3A_727 = arith.cmpi slt, %select_n3A_720, %lt3A_726 : i32
      %ne3A_728 = arith.xori %lt3A_725, %lt3A_727 : i1
      %and3A_729 = arith.andi %ne3A_728, %ne3A_723 : i1
      %add3A_730 = arith.addi %rem3A_721, %select_n3A_720 : i32
      %select_n3A_731 = arith.select %and3A_729, %add3A_730, %rem3A_721 : i32
      %mul3A_732 = arith.constant 128 : i32
      %mul3A_733 = arith.muli %select_n3A_731, %mul3A_732 : i32
      %add3A_734 = arith.addi %mul3A_2, %mul3A_733 : i32
      %dma_wait3A_735 = arith.constant 0 : i32
      %dma_wait3A_736 = tpu.memref_slice %arg4[%select_n3A_715, %add3A_734, %dma_wait3A_735] : memref<50x16384x128xf32, #tpu.memory_space<hbm>> -> memref<1x128x128xf32, #tpu.memory_space<hbm>>
      %dma_wait3A_737 = tpu.memref_squeeze %dma_wait3A_736 : memref<1x128x128xf32, #tpu.memory_space<hbm>> -> memref<128x128xf32, #tpu.memory_space<hbm>>
      %dma_wait3A_738 = arith.constant 0 : i32
      %dma_wait3A_739 = tpu.memref_slice %arg4[%select_n3A_715, %add3A_734, %dma_wait3A_738] : memref<50x16384x128xf32, #tpu.memory_space<hbm>> -> memref<1x128x128xf32, #tpu.memory_space<hbm>>
      %dma_wait3A_740 = tpu.memref_squeeze %dma_wait3A_739 : memref<1x128x128xf32, #tpu.memory_space<hbm>> -> memref<128x128xf32, #tpu.memory_space<hbm>>
      tpu.wait_dma2 semaphore(%arg17 : memref<!tpu.dma_semaphore, #tpu.memory_space<semaphore_mem>>) src(%arg7 : memref<128x128xf32, #tpu.memory_space<vmem>>) dst(%dma_wait3A_740 : memref<128x128xf32, #tpu.memory_space<hbm>>)
      %add3A_741 = arith.constant 5 : i32
      %add3A_742 = arith.addi %add3A_628, %add3A_741 : i32
      %sub3A_743 = arith.constant 1 : i32
      %sub3A_744 = arith.subi %add3A_742, %sub3A_743 : i32
      %dma_start3A_745 = arith.constant 0 : i32
      %dma_start3A_746 = tpu.memref_slice %arg5[%sub3A_744, %dma_start3A_745] : memref<200x128xi32, #tpu.memory_space<vmem>> -> memref<1x128xi32, #tpu.memory_space<vmem>>
      %dma_start3A_747 = tpu.memref_squeeze %dma_start3A_746 : memref<1x128xi32, #tpu.memory_space<vmem>> -> memref<128xi32, #tpu.memory_space<vmem>>
      %dma_start3A_748 = arith.constant 0 : i32
      %dma_start3A_749 = arith.constant 0 : i32
      %dma_start3A_750 = tpu.memref_slice %arg2[%dma_start3A_748, %dma_start3A_749] : memref<100000x128xf32, #tpu.memory_space<hbm>> -> memref<100000x128xf32, #tpu.memory_space<hbm>>
      tpu.enqueue_indirect_dma source(%dma_start3A_750 : memref<100000x128xf32, #tpu.memory_space<hbm>>) target(%arg7 : memref<128x128xf32, #tpu.memory_space<vmem>>) offsets(%dma_start3A_747 : memref<128xi32, #tpu.memory_space<vmem>>) semaphore(%arg12 : memref<!tpu.dma_semaphore, #tpu.memory_space<semaphore_mem>>)
      %add3A_751 = arith.constant 3 : i32
      %add3A_752 = arith.addi %mul3A_388, %add3A_751 : i32
      %dma_wait3A_753 = arith.constant 0 : i32
      %dma_wait3A_754 = tpu.memref_slice %arg5[%add3A_752, %dma_wait3A_753] : memref<200x128xi32, #tpu.memory_space<vmem>> -> memref<1x128xi32, #tpu.memory_space<vmem>>
      %dma_wait3A_755 = tpu.memref_squeeze %dma_wait3A_754 : memref<1x128xi32, #tpu.memory_space<vmem>> -> memref<128xi32, #tpu.memory_space<vmem>>
      %dma_wait3A_756 = arith.constant 0 : i32
      %dma_wait3A_757 = arith.constant 0 : i32
      %dma_wait3A_758 = tpu.memref_slice %arg2[%dma_wait3A_756, %dma_wait3A_757] : memref<100000x128xf32, #tpu.memory_space<hbm>> -> memref<100000x128xf32, #tpu.memory_space<hbm>>
      tpu.wait_indirect_dma semaphore(%arg14 : memref<!tpu.dma_semaphore, #tpu.memory_space<semaphore_mem>>) src(%dma_wait3A_758 : memref<100000x128xf32, #tpu.memory_space<hbm>>) dst(%arg9 : memref<128x128xf32, #tpu.memory_space<vmem>>)
      %scan3A_759 = arith.constant 0 : i32
      %scan3A_760 = arith.constant 0 : i32
      %scan3A_761 = arith.constant 128 : i32
      %scan3A_762 = arith.addi %scan3A_760, %scan3A_761 : i32
      %scan3A_763 = arith.constant 1 : i32
      scf.for %scan3A_999 = %scan3A_760 to %scan3A_762 step %scan3A_763  : i32 {
        %get3A = arith.index_cast %scan3A_999 : i32 to index
        %get3A_1000 = arith.constant 0 : index
        %get3A_1001 = tpu.vector_load %arg9[%get3A, %get3A_1000] {strides = array<i32>} : memref<128x128xf32, #tpu.memory_space<vmem>>, vector<1x16xf32>,
        %get3A_1002 = vector.shape_cast %get3A_1001 : vector<1x16xf32> to vector<16xf32>
        %mul3A_1003 = arith.constant 11.3137083 : f32
        %mul3A_1004 = vector.broadcast %mul3A_1003 : f32 to vector<16xf32>
        %mul3A_1005 = arith.mulf %get3A_1002, %mul3A_1004 : vector<16xf32>
        %swap3A = arith.index_cast %scan3A_999 : i32 to index
        %swap3A_1006 = arith.constant 0 : index
        %swap3A_1007 = tpu.vector_load %arg9[%swap3A, %swap3A_1006] {strides = array<i32>} : memref<128x128xf32, #tpu.memory_space<vmem>>, vector<1x16xf32>,
        %swap3A_1008 = vector.shape_cast %swap3A_1007 : vector<1x16xf32> to vector<16xf32>
        %swap3A_1009 = vector.shape_cast %mul3A_1005 : vector<16xf32> to vector<1x16xf32>
        tpu.vector_store %arg9[%swap3A, %swap3A_1006], %swap3A_1009 {strides = array<i32>} : memref<128x128xf32, #tpu.memory_space<vmem>>, vector<1x16xf32>,
        %get3A_1010 = arith.index_cast %scan3A_999 : i32 to index
        %get3A_1011 = arith.constant 16 : index
        %get3A_1012 = tpu.vector_load %arg9[%get3A_1010, %get3A_1011] {strides = array<i32>} : memref<128x128xf32, #tpu.memory_space<vmem>>, vector<1x16xf32>,
        %get3A_1013 = vector.shape_cast %get3A_1012 : vector<1x16xf32> to vector<16xf32>
        %mul3A_1014 = arith.constant 11.3137083 : f32
        %mul3A_1015 = vector.broadcast %mul3A_1014 : f32 to vector<16xf32>
        %mul3A_1016 = arith.mulf %get3A_1013, %mul3A_1015 : vector<16xf32>
        %swap3A_1017 = arith.index_cast %scan3A_999 : i32 to index
        %swap3A_1018 = arith.constant 16 : index
        %swap3A_1019 = tpu.vector_load %arg9[%swap3A_1017, %swap3A_1018] {strides = array<i32>} : memref<128x128xf32, #tpu.memory_space<vmem>>, vector<1x16xf32>,
        %swap3A_1020 = vector.shape_cast %swap3A_1019 : vector<1x16xf32> to vector<16xf32>
        %swap3A_1021 = vector.shape_cast %mul3A_1016 : vector<16xf32> to vector<1x16xf32>
        tpu.vector_store %arg9[%swap3A_1017, %swap3A_1018], %swap3A_1021 {strides = array<i32>} : memref<128x128xf32, #tpu.memory_space<vmem>>, vector<1x16xf32>,
        %get3A_1022 = arith.index_cast %scan3A_999 : i32 to index
        %get3A_1023 = arith.constant 32 : index
        %get3A_1024 = tpu.vector_load %arg9[%get3A_1022, %get3A_1023] {strides = array<i32>} : memref<128x128xf32, #tpu.memory_space<vmem>>, vector<1x16xf32>,
        %get3A_1025 = vector.shape_cast %get3A_1024 : vector<1x16xf32> to vector<16xf32>
        %mul3A_1026 = arith.constant 11.3137083 : f32
        %mul3A_1027 = vector.broadcast %mul3A_1026 : f32 to vector<16xf32>
        %mul3A_1028 = arith.mulf %get3A_1025, %mul3A_1027 : vector<16xf32>
        %swap3A_1029 = arith.index_cast %scan3A_999 : i32 to index
        %swap3A_1030 = arith.constant 32 : index
        %swap3A_1031 = tpu.vector_load %arg9[%swap3A_1029, %swap3A_1030] {strides = array<i32>} : memref<128x128xf32, #tpu.memory_space<vmem>>, vector<1x16xf32>,
        %swap3A_1032 = vector.shape_cast %swap3A_1031 : vector<1x16xf32> to vector<16xf32>
        %swap3A_1033 = vector.shape_cast %mul3A_1028 : vector<16xf32> to vector<1x16xf32>
        tpu.vector_store %arg9[%swap3A_1029, %swap3A_1030], %swap3A_1033 {strides = array<i32>} : memref<128x128xf32, #tpu.memory_space<vmem>>, vector<1x16xf32>,
        %get3A_1034 = arith.index_cast %scan3A_999 : i32 to index
        %get3A_1035 = arith.constant 48 : index
        %get3A_1036 = tpu.vector_load %arg9[%get3A_1034, %get3A_1035] {strides = array<i32>} : memref<128x128xf32, #tpu.memory_space<vmem>>, vector<1x16xf32>,
        %get3A_1037 = vector.shape_cast %get3A_1036 : vector<1x16xf32> to vector<16xf32>
        %mul3A_1038 = arith.constant 11.3137083 : f32
        %mul3A_1039 = vector.broadcast %mul3A_1038 : f32 to vector<16xf32>
        %mul3A_1040 = arith.mulf %get3A_1037, %mul3A_1039 : vector<16xf32>
        %swap3A_1041 = arith.index_cast %scan3A_999 : i32 to index
        %swap3A_1042 = arith.constant 48 : index
        %swap3A_1043 = tpu.vector_load %arg9[%swap3A_1041, %swap3A_1042] {strides = array<i32>} : memref<128x128xf32, #tpu.memory_space<vmem>>, vector<1x16xf32>,
        %swap3A_1044 = vector.shape_cast %swap3A_1043 : vector<1x16xf32> to vector<16xf32>
        %swap3A_1045 = vector.shape_cast %mul3A_1040 : vector<16xf32> to vector<1x16xf32>
        tpu.vector_store %arg9[%swap3A_1041, %swap3A_1042], %swap3A_1045 {strides = array<i32>} : memref<128x128xf32, #tpu.memory_space<vmem>>, vector<1x16xf32>,
        %get3A_1046 = arith.index_cast %scan3A_999 : i32 to index
        %get3A_1047 = arith.constant 64 : index
        %get3A_1048 = tpu.vector_load %arg9[%get3A_1046, %get3A_1047] {strides = array<i32>} : memref<128x128xf32, #tpu.memory_space<vmem>>, vector<1x16xf32>,
        %get3A_1049 = vector.shape_cast %get3A_1048 : vector<1x16xf32> to vector<16xf32>
        %mul3A_1050 = arith.constant 11.3137083 : f32
        %mul3A_1051 = vector.broadcast %mul3A_1050 : f32 to vector<16xf32>
        %mul3A_1052 = arith.mulf %get3A_1049, %mul3A_1051 : vector<16xf32>
        %swap3A_1053 = arith.index_cast %scan3A_999 : i32 to index
        %swap3A_1054 = arith.constant 64 : index
        %swap3A_1055 = tpu.vector_load %arg9[%swap3A_1053, %swap3A_1054] {strides = array<i32>} : memref<128x128xf32, #tpu.memory_space<vmem>>, vector<1x16xf32>,
        %swap3A_1056 = vector.shape_cast %swap3A_1055 : vector<1x16xf32> to vector<16xf32>
        %swap3A_1057 = vector.shape_cast %mul3A_1052 : vector<16xf32> to vector<1x16xf32>
        tpu.vector_store %arg9[%swap3A_1053, %swap3A_1054], %swap3A_1057 {strides = array<i32>} : memref<128x128xf32, #tpu.memory_space<vmem>>, vector<1x16xf32>,
        %get3A_1058 = arith.index_cast %scan3A_999 : i32 to index
        %get3A_1059 = arith.constant 80 : index
        %get3A_1060 = tpu.vector_load %arg9[%get3A_1058, %get3A_1059] {strides = array<i32>} : memref<128x128xf32, #tpu.memory_space<vmem>>, vector<1x16xf32>,
        %get3A_1061 = vector.shape_cast %get3A_1060 : vector<1x16xf32> to vector<16xf32>
        %mul3A_1062 = arith.constant 11.3137083 : f32
        %mul3A_1063 = vector.broadcast %mul3A_1062 : f32 to vector<16xf32>
        %mul3A_1064 = arith.mulf %get3A_1061, %mul3A_1063 : vector<16xf32>
        %swap3A_1065 = arith.index_cast %scan3A_999 : i32 to index
        %swap3A_1066 = arith.constant 80 : index
        %swap3A_1067 = tpu.vector_load %arg9[%swap3A_1065, %swap3A_1066] {strides = array<i32>} : memref<128x128xf32, #tpu.memory_space<vmem>>, vector<1x16xf32>,
        %swap3A_1068 = vector.shape_cast %swap3A_1067 : vector<1x16xf32> to vector<16xf32>
        %swap3A_1069 = vector.shape_cast %mul3A_1064 : vector<16xf32> to vector<1x16xf32>
        tpu.vector_store %arg9[%swap3A_1065, %swap3A_1066], %swap3A_1069 {strides = array<i32>} : memref<128x128xf32, #tpu.memory_space<vmem>>, vector<1x16xf32>,
        %get3A_1070 = arith.index_cast %scan3A_999 : i32 to index
        %get3A_1071 = arith.constant 96 : index
        %get3A_1072 = tpu.vector_load %arg9[%get3A_1070, %get3A_1071] {strides = array<i32>} : memref<128x128xf32, #tpu.memory_space<vmem>>, vector<1x16xf32>,
        %get3A_1073 = vector.shape_cast %get3A_1072 : vector<1x16xf32> to vector<16xf32>
        %mul3A_1074 = arith.constant 11.3137083 : f32
        %mul3A_1075 = vector.broadcast %mul3A_1074 : f32 to vector<16xf32>
        %mul3A_1076 = arith.mulf %get3A_1073, %mul3A_1075 : vector<16xf32>
        %swap3A_1077 = arith.index_cast %scan3A_999 : i32 to index
        %swap3A_1078 = arith.constant 96 : index
        %swap3A_1079 = tpu.vector_load %arg9[%swap3A_1077, %swap3A_1078] {strides = array<i32>} : memref<128x128xf32, #tpu.memory_space<vmem>>, vector<1x16xf32>,
        %swap3A_1080 = vector.shape_cast %swap3A_1079 : vector<1x16xf32> to vector<16xf32>
        %swap3A_1081 = vector.shape_cast %mul3A_1076 : vector<16xf32> to vector<1x16xf32>
        tpu.vector_store %arg9[%swap3A_1077, %swap3A_1078], %swap3A_1081 {strides = array<i32>} : memref<128x128xf32, #tpu.memory_space<vmem>>, vector<1x16xf32>,
        %get3A_1082 = arith.index_cast %scan3A_999 : i32 to index
        %get3A_1083 = arith.constant 112 : index
        %get3A_1084 = tpu.vector_load %arg9[%get3A_1082, %get3A_1083] {strides = array<i32>} : memref<128x128xf32, #tpu.memory_space<vmem>>, vector<1x16xf32>,
        %get3A_1085 = vector.shape_cast %get3A_1084 : vector<1x16xf32> to vector<16xf32>
        %mul3A_1086 = arith.constant 11.3137083 : f32
        %mul3A_1087 = vector.broadcast %mul3A_1086 : f32 to vector<16xf32>
        %mul3A_1088 = arith.mulf %get3A_1085, %mul3A_1087 : vector<16xf32>
        %swap3A_1089 = arith.index_cast %scan3A_999 : i32 to index
        %swap3A_1090 = arith.constant 112 : index
        %swap3A_1091 = tpu.vector_load %arg9[%swap3A_1089, %swap3A_1090] {strides = array<i32>} : memref<128x128xf32, #tpu.memory_space<vmem>>, vector<1x16xf32>,
        %swap3A_1092 = vector.shape_cast %swap3A_1091 : vector<1x16xf32> to vector<16xf32>
        %swap3A_1093 = vector.shape_cast %mul3A_1088 : vector<16xf32> to vector<1x16xf32>
        tpu.vector_store %arg9[%swap3A_1089, %swap3A_1090], %swap3A_1093 {strides = array<i32>} : memref<128x128xf32, #tpu.memory_space<vmem>>, vector<1x16xf32>,
      }
      %scan3A_764 = arith.constant 128 : i32
      %jit3A_765 = arith.constant 4 : i32
      %div3A_766 = arith.divsi %add3A_752, %jit3A_765 : i32
      %sign3A_767 = arith.constant 0 : i32
      %sign3A_768 = arith.cmpi sgt, %add3A_752, %sign3A_767 : i32
      %sign3A_769 = arith.extui %sign3A_768 : i1 to i32
      %sign3A_770 = arith.constant 0 : i32
      %sign3A_771 = arith.cmpi slt, %add3A_752, %sign3A_770 : i32
      %sign3A_772 = arith.extui %sign3A_771 : i1 to i32
      %sign3A_773 = arith.subi %sign3A_769, %sign3A_772 : i32
      %sign3A_774 = arith.constant 0 : i32
      %sign3A_775 = arith.cmpi sgt, %jit3A_765, %sign3A_774 : i32
      %sign3A_776 = arith.extui %sign3A_775 : i1 to i32
      %sign3A_777 = arith.constant 0 : i32
      %sign3A_778 = arith.cmpi slt, %jit3A_765, %sign3A_777 : i32
      %sign3A_779 = arith.extui %sign3A_778 : i1 to i32
      %sign3A_780 = arith.subi %sign3A_776, %sign3A_779 : i32
      %ne3A_781 = arith.cmpi ne, %sign3A_773, %sign3A_780 : i32
      %rem3A_782 = arith.remsi %add3A_752, %jit3A_765 : i32
      %ne3A_783 = arith.constant 0 : i32
      %ne3A_784 = arith.cmpi ne, %rem3A_782, %ne3A_783 : i32
      %and3A_785 = arith.andi %ne3A_781, %ne3A_784 : i1
      %sub3A_786 = arith.constant 1 : i32
      %sub3A_787 = arith.subi %div3A_766, %sub3A_786 : i32
      %select_n3A_788 = arith.select %and3A_785, %sub3A_787, %div3A_766 : i32
      %jit3A_789 = arith.constant 4 : i32
      %eq3A_790 = arith.constant 0 : i32
      %eq3A_791 = arith.cmpi eq, %jit3A_789, %eq3A_790 : i32
      %jit3A_792 = arith.constant 1 : i32
      %select_n3A_793 = arith.select %eq3A_791, %jit3A_792, %jit3A_789 : i32
      %rem3A_794 = arith.remsi %add3A_752, %select_n3A_793 : i32
      %ne3A_795 = arith.constant 0 : i32
      %ne3A_796 = arith.cmpi ne, %rem3A_794, %ne3A_795 : i32
      %lt3A_797 = arith.constant 0 : i32
      %lt3A_798 = arith.cmpi slt, %rem3A_794, %lt3A_797 : i32
      %lt3A_799 = arith.constant 0 : i32
      %lt3A_800 = arith.cmpi slt, %select_n3A_793, %lt3A_799 : i32
      %ne3A_801 = arith.xori %lt3A_798, %lt3A_800 : i1
      %and3A_802 = arith.andi %ne3A_801, %ne3A_796 : i1
      %add3A_803 = arith.addi %rem3A_794, %select_n3A_793 : i32
      %select_n3A_804 = arith.select %and3A_802, %add3A_803, %rem3A_794 : i32
      %mul3A_805 = arith.constant 128 : i32
      %mul3A_806 = arith.muli %select_n3A_804, %mul3A_805 : i32
      %add3A_807 = arith.addi %mul3A_2, %mul3A_806 : i32
      %dma_start3A_808 = arith.constant 0 : i32
      %dma_start3A_809 = tpu.memref_slice %arg4[%select_n3A_788, %add3A_807, %dma_start3A_808] : memref<50x16384x128xf32, #tpu.memory_space<hbm>> -> memref<1x128x128xf32, #tpu.memory_space<hbm>>
      %dma_start3A_810 = tpu.memref_squeeze %dma_start3A_809 : memref<1x128x128xf32, #tpu.memory_space<hbm>> -> memref<128x128xf32, #tpu.memory_space<hbm>>
      %dma_start3A_811 = arith.constant 0 : i32
      %dma_start3A_812 = tpu.memref_slice %arg4[%select_n3A_788, %add3A_807, %dma_start3A_811] : memref<50x16384x128xf32, #tpu.memory_space<hbm>> -> memref<1x128x128xf32, #tpu.memory_space<hbm>>
      %dma_start3A_813 = tpu.memref_squeeze %dma_start3A_812 : memref<1x128x128xf32, #tpu.memory_space<hbm>> -> memref<128x128xf32, #tpu.memory_space<hbm>>
      tpu.enqueue_dma source(%arg9 : memref<128x128xf32, #tpu.memory_space<vmem>>) target(%dma_start3A_813 : memref<128x128xf32, #tpu.memory_space<hbm>>) target_semaphore(%arg19 : memref<!tpu.dma_semaphore, #tpu.memory_space<semaphore_mem>>)
      %sub3A_814 = arith.constant 1 : i32
      %sub3A_815 = arith.subi %add3A_752, %sub3A_814 : i32
      %jit3A_816 = arith.constant 4 : i32
      %div3A_817 = arith.divsi %sub3A_815, %jit3A_816 : i32
      %sign3A_818 = arith.constant 0 : i32
      %sign3A_819 = arith.cmpi sgt, %sub3A_815, %sign3A_818 : i32
      %sign3A_820 = arith.extui %sign3A_819 : i1 to i32
      %sign3A_821 = arith.constant 0 : i32
      %sign3A_822 = arith.cmpi slt, %sub3A_815, %sign3A_821 : i32
      %sign3A_823 = arith.extui %sign3A_822 : i1 to i32
      %sign3A_824 = arith.subi %sign3A_820, %sign3A_823 : i32
      %sign3A_825 = arith.constant 0 : i32
      %sign3A_826 = arith.cmpi sgt, %jit3A_816, %sign3A_825 : i32
      %sign3A_827 = arith.extui %sign3A_826 : i1 to i32
      %sign3A_828 = arith.constant 0 : i32
      %sign3A_829 = arith.cmpi slt, %jit3A_816, %sign3A_828 : i32
      %sign3A_830 = arith.extui %sign3A_829 : i1 to i32
      %sign3A_831 = arith.subi %sign3A_827, %sign3A_830 : i32
      %ne3A_832 = arith.cmpi ne, %sign3A_824, %sign3A_831 : i32
      %rem3A_833 = arith.remsi %sub3A_815, %jit3A_816 : i32
      %ne3A_834 = arith.constant 0 : i32
      %ne3A_835 = arith.cmpi ne, %rem3A_833, %ne3A_834 : i32
      %and3A_836 = arith.andi %ne3A_832, %ne3A_835 : i1
      %sub3A_837 = arith.constant 1 : i32
      %sub3A_838 = arith.subi %div3A_817, %sub3A_837 : i32
      %select_n3A_839 = arith.select %and3A_836, %sub3A_838, %div3A_817 : i32
      %jit3A_840 = arith.constant 4 : i32
      %eq3A_841 = arith.constant 0 : i32
      %eq3A_842 = arith.cmpi eq, %jit3A_840, %eq3A_841 : i32
      %jit3A_843 = arith.constant 1 : i32
      %select_n3A_844 = arith.select %eq3A_842, %jit3A_843, %jit3A_840 : i32
      %rem3A_845 = arith.remsi %sub3A_815, %select_n3A_844 : i32
      %ne3A_846 = arith.constant 0 : i32
      %ne3A_847 = arith.cmpi ne, %rem3A_845, %ne3A_846 : i32
      %lt3A_848 = arith.constant 0 : i32
      %lt3A_849 = arith.cmpi slt, %rem3A_845, %lt3A_848 : i32
      %lt3A_850 = arith.constant 0 : i32
      %lt3A_851 = arith.cmpi slt, %select_n3A_844, %lt3A_850 : i32
      %ne3A_852 = arith.xori %lt3A_849, %lt3A_851 : i1
      %and3A_853 = arith.andi %ne3A_852, %ne3A_847 : i1
      %add3A_854 = arith.addi %rem3A_845, %select_n3A_844 : i32
      %select_n3A_855 = arith.select %and3A_853, %add3A_854, %rem3A_845 : i32
      %mul3A_856 = arith.constant 128 : i32
      %mul3A_857 = arith.muli %select_n3A_855, %mul3A_856 : i32
      %add3A_858 = arith.addi %mul3A_2, %mul3A_857 : i32
      %dma_wait3A_859 = arith.constant 0 : i32
      %dma_wait3A_860 = tpu.memref_slice %arg4[%select_n3A_839, %add3A_858, %dma_wait3A_859] : memref<50x16384x128xf32, #tpu.memory_space<hbm>> -> memref<1x128x128xf32, #tpu.memory_space<hbm>>
      %dma_wait3A_861 = tpu.memref_squeeze %dma_wait3A_860 : memref<1x128x128xf32, #tpu.memory_space<hbm>> -> memref<128x128xf32, #tpu.memory_space<hbm>>
      %dma_wait3A_862 = arith.constant 0 : i32
      %dma_wait3A_863 = tpu.memref_slice %arg4[%select_n3A_839, %add3A_858, %dma_wait3A_862] : memref<50x16384x128xf32, #tpu.memory_space<hbm>> -> memref<1x128x128xf32, #tpu.memory_space<hbm>>
      %dma_wait3A_864 = tpu.memref_squeeze %dma_wait3A_863 : memref<1x128x128xf32, #tpu.memory_space<hbm>> -> memref<128x128xf32, #tpu.memory_space<hbm>>
      tpu.wait_dma2 semaphore(%arg18 : memref<!tpu.dma_semaphore, #tpu.memory_space<semaphore_mem>>) src(%arg8 : memref<128x128xf32, #tpu.memory_space<vmem>>) dst(%dma_wait3A_864 : memref<128x128xf32, #tpu.memory_space<hbm>>)
      %add3A_865 = arith.constant 5 : i32
      %add3A_866 = arith.addi %add3A_752, %add3A_865 : i32
      %sub3A_867 = arith.constant 1 : i32
      %sub3A_868 = arith.subi %add3A_866, %sub3A_867 : i32
      %dma_start3A_869 = arith.constant 0 : i32
      %dma_start3A_870 = tpu.memref_slice %arg5[%sub3A_868, %dma_start3A_869] : memref<200x128xi32, #tpu.memory_space<vmem>> -> memref<1x128xi32, #tpu.memory_space<vmem>>
      %dma_start3A_871 = tpu.memref_squeeze %dma_start3A_870 : memref<1x128xi32, #tpu.memory_space<vmem>> -> memref<128xi32, #tpu.memory_space<vmem>>
      %dma_start3A_872 = arith.constant 0 : i32
      %dma_start3A_873 = arith.constant 0 : i32
      %dma_start3A_874 = tpu.memref_slice %arg2[%dma_start3A_872, %dma_start3A_873] : memref<100000x128xf32, #tpu.memory_space<hbm>> -> memref<100000x128xf32, #tpu.memory_space<hbm>>
      tpu.enqueue_indirect_dma source(%dma_start3A_874 : memref<100000x128xf32, #tpu.memory_space<hbm>>) target(%arg8 : memref<128x128xf32, #tpu.memory_space<vmem>>) offsets(%dma_start3A_871 : memref<128xi32, #tpu.memory_space<vmem>>) semaphore(%arg13 : memref<!tpu.dma_semaphore, #tpu.memory_space<semaphore_mem>>)
      %add3A_875 = arith.constant 4 : i32
      %add3A_876 = arith.addi %mul3A_388, %add3A_875 : i32
      %dma_wait3A_877 = arith.constant 0 : i32
      %dma_wait3A_878 = tpu.memref_slice %arg5[%add3A_876, %dma_wait3A_877] : memref<200x128xi32, #tpu.memory_space<vmem>> -> memref<1x128xi32, #tpu.memory_space<vmem>>
      %dma_wait3A_879 = tpu.memref_squeeze %dma_wait3A_878 : memref<1x128xi32, #tpu.memory_space<vmem>> -> memref<128xi32, #tpu.memory_space<vmem>>
      %dma_wait3A_880 = arith.constant 0 : i32
      %dma_wait3A_881 = arith.constant 0 : i32
      %dma_wait3A_882 = tpu.memref_slice %arg2[%dma_wait3A_880, %dma_wait3A_881] : memref<100000x128xf32, #tpu.memory_space<hbm>> -> memref<100000x128xf32, #tpu.memory_space<hbm>>
      tpu.wait_indirect_dma semaphore(%arg15 : memref<!tpu.dma_semaphore, #tpu.memory_space<semaphore_mem>>) src(%dma_wait3A_882 : memref<100000x128xf32, #tpu.memory_space<hbm>>) dst(%arg10 : memref<128x128xf32, #tpu.memory_space<vmem>>)
      %scan3A_883 = arith.constant 0 : i32
      %scan3A_884 = arith.constant 0 : i32
      %scan3A_885 = arith.constant 128 : i32
      %scan3A_886 = arith.addi %scan3A_884, %scan3A_885 : i32
      %scan3A_887 = arith.constant 1 : i32
      scf.for %scan3A_999 = %scan3A_884 to %scan3A_886 step %scan3A_887  : i32 {
        %get3A = arith.index_cast %scan3A_999 : i32 to index
        %get3A_1000 = arith.constant 0 : index
        %get3A_1001 = tpu.vector_load %arg10[%get3A, %get3A_1000] {strides = array<i32>} : memref<128x128xf32, #tpu.memory_space<vmem>>, vector<1x16xf32>,
        %get3A_1002 = vector.shape_cast %get3A_1001 : vector<1x16xf32> to vector<16xf32>
        %mul3A_1003 = arith.constant 11.3137083 : f32
        %mul3A_1004 = vector.broadcast %mul3A_1003 : f32 to vector<16xf32>
        %mul3A_1005 = arith.mulf %get3A_1002, %mul3A_1004 : vector<16xf32>
        %swap3A = arith.index_cast %scan3A_999 : i32 to index
        %swap3A_1006 = arith.constant 0 : index
        %swap3A_1007 = tpu.vector_load %arg10[%swap3A, %swap3A_1006] {strides = array<i32>} : memref<128x128xf32, #tpu.memory_space<vmem>>, vector<1x16xf32>,
        %swap3A_1008 = vector.shape_cast %swap3A_1007 : vector<1x16xf32> to vector<16xf32>
        %swap3A_1009 = vector.shape_cast %mul3A_1005 : vector<16xf32> to vector<1x16xf32>
        tpu.vector_store %arg10[%swap3A, %swap3A_1006], %swap3A_1009 {strides = array<i32>} : memref<128x128xf32, #tpu.memory_space<vmem>>, vector<1x16xf32>,
        %get3A_1010 = arith.index_cast %scan3A_999 : i32 to index
        %get3A_1011 = arith.constant 16 : index
        %get3A_1012 = tpu.vector_load %arg10[%get3A_1010, %get3A_1011] {strides = array<i32>} : memref<128x128xf32, #tpu.memory_space<vmem>>, vector<1x16xf32>,
        %get3A_1013 = vector.shape_cast %get3A_1012 : vector<1x16xf32> to vector<16xf32>
        %mul3A_1014 = arith.constant 11.3137083 : f32
        %mul3A_1015 = vector.broadcast %mul3A_1014 : f32 to vector<16xf32>
        %mul3A_1016 = arith.mulf %get3A_1013, %mul3A_1015 : vector<16xf32>
        %swap3A_1017 = arith.index_cast %scan3A_999 : i32 to index
        %swap3A_1018 = arith.constant 16 : index
        %swap3A_1019 = tpu.vector_load %arg10[%swap3A_1017, %swap3A_1018] {strides = array<i32>} : memref<128x128xf32, #tpu.memory_space<vmem>>, vector<1x16xf32>,
        %swap3A_1020 = vector.shape_cast %swap3A_1019 : vector<1x16xf32> to vector<16xf32>
        %swap3A_1021 = vector.shape_cast %mul3A_1016 : vector<16xf32> to vector<1x16xf32>
        tpu.vector_store %arg10[%swap3A_1017, %swap3A_1018], %swap3A_1021 {strides = array<i32>} : memref<128x128xf32, #tpu.memory_space<vmem>>, vector<1x16xf32>,
        %get3A_1022 = arith.index_cast %scan3A_999 : i32 to index
        %get3A_1023 = arith.constant 32 : index
        %get3A_1024 = tpu.vector_load %arg10[%get3A_1022, %get3A_1023] {strides = array<i32>} : memref<128x128xf32, #tpu.memory_space<vmem>>, vector<1x16xf32>,
        %get3A_1025 = vector.shape_cast %get3A_1024 : vector<1x16xf32> to vector<16xf32>
        %mul3A_1026 = arith.constant 11.3137083 : f32
        %mul3A_1027 = vector.broadcast %mul3A_1026 : f32 to vector<16xf32>
        %mul3A_1028 = arith.mulf %get3A_1025, %mul3A_1027 : vector<16xf32>
        %swap3A_1029 = arith.index_cast %scan3A_999 : i32 to index
        %swap3A_1030 = arith.constant 32 : index
        %swap3A_1031 = tpu.vector_load %arg10[%swap3A_1029, %swap3A_1030] {strides = array<i32>} : memref<128x128xf32, #tpu.memory_space<vmem>>, vector<1x16xf32>,
        %swap3A_1032 = vector.shape_cast %swap3A_1031 : vector<1x16xf32> to vector<16xf32>
        %swap3A_1033 = vector.shape_cast %mul3A_1028 : vector<16xf32> to vector<1x16xf32>
        tpu.vector_store %arg10[%swap3A_1029, %swap3A_1030], %swap3A_1033 {strides = array<i32>} : memref<128x128xf32, #tpu.memory_space<vmem>>, vector<1x16xf32>,
        %get3A_1034 = arith.index_cast %scan3A_999 : i32 to index
        %get3A_1035 = arith.constant 48 : index
        %get3A_1036 = tpu.vector_load %arg10[%get3A_1034, %get3A_1035] {strides = array<i32>} : memref<128x128xf32, #tpu.memory_space<vmem>>, vector<1x16xf32>,
        %get3A_1037 = vector.shape_cast %get3A_1036 : vector<1x16xf32> to vector<16xf32>
        %mul3A_1038 = arith.constant 11.3137083 : f32
        %mul3A_1039 = vector.broadcast %mul3A_1038 : f32 to vector<16xf32>
        %mul3A_1040 = arith.mulf %get3A_1037, %mul3A_1039 : vector<16xf32>
        %swap3A_1041 = arith.index_cast %scan3A_999 : i32 to index
        %swap3A_1042 = arith.constant 48 : index
        %swap3A_1043 = tpu.vector_load %arg10[%swap3A_1041, %swap3A_1042] {strides = array<i32>} : memref<128x128xf32, #tpu.memory_space<vmem>>, vector<1x16xf32>,
        %swap3A_1044 = vector.shape_cast %swap3A_1043 : vector<1x16xf32> to vector<16xf32>
        %swap3A_1045 = vector.shape_cast %mul3A_1040 : vector<16xf32> to vector<1x16xf32>
        tpu.vector_store %arg10[%swap3A_1041, %swap3A_1042], %swap3A_1045 {strides = array<i32>} : memref<128x128xf32, #tpu.memory_space<vmem>>, vector<1x16xf32>,
        %get3A_1046 = arith.index_cast %scan3A_999 : i32 to index
        %get3A_1047 = arith.constant 64 : index
        %get3A_1048 = tpu.vector_load %arg10[%get3A_1046, %get3A_1047] {strides = array<i32>} : memref<128x128xf32, #tpu.memory_space<vmem>>, vector<1x16xf32>,
        %get3A_1049 = vector.shape_cast %get3A_1048 : vector<1x16xf32> to vector<16xf32>
        %mul3A_1050 = arith.constant 11.3137083 : f32
        %mul3A_1051 = vector.broadcast %mul3A_1050 : f32 to vector<16xf32>
        %mul3A_1052 = arith.mulf %get3A_1049, %mul3A_1051 : vector<16xf32>
        %swap3A_1053 = arith.index_cast %scan3A_999 : i32 to index
        %swap3A_1054 = arith.constant 64 : index
        %swap3A_1055 = tpu.vector_load %arg10[%swap3A_1053, %swap3A_1054] {strides = array<i32>} : memref<128x128xf32, #tpu.memory_space<vmem>>, vector<1x16xf32>,
        %swap3A_1056 = vector.shape_cast %swap3A_1055 : vector<1x16xf32> to vector<16xf32>
        %swap3A_1057 = vector.shape_cast %mul3A_1052 : vector<16xf32> to vector<1x16xf32>
        tpu.vector_store %arg10[%swap3A_1053, %swap3A_1054], %swap3A_1057 {strides = array<i32>} : memref<128x128xf32, #tpu.memory_space<vmem>>, vector<1x16xf32>,
        %get3A_1058 = arith.index_cast %scan3A_999 : i32 to index
        %get3A_1059 = arith.constant 80 : index
        %get3A_1060 = tpu.vector_load %arg10[%get3A_1058, %get3A_1059] {strides = array<i32>} : memref<128x128xf32, #tpu.memory_space<vmem>>, vector<1x16xf32>,
        %get3A_1061 = vector.shape_cast %get3A_1060 : vector<1x16xf32> to vector<16xf32>
        %mul3A_1062 = arith.constant 11.3137083 : f32
        %mul3A_1063 = vector.broadcast %mul3A_1062 : f32 to vector<16xf32>
        %mul3A_1064 = arith.mulf %get3A_1061, %mul3A_1063 : vector<16xf32>
        %swap3A_1065 = arith.index_cast %scan3A_999 : i32 to index
        %swap3A_1066 = arith.constant 80 : index
        %swap3A_1067 = tpu.vector_load %arg10[%swap3A_1065, %swap3A_1066] {strides = array<i32>} : memref<128x128xf32, #tpu.memory_space<vmem>>, vector<1x16xf32>,
        %swap3A_1068 = vector.shape_cast %swap3A_1067 : vector<1x16xf32> to vector<16xf32>
        %swap3A_1069 = vector.shape_cast %mul3A_1064 : vector<16xf32> to vector<1x16xf32>
        tpu.vector_store %arg10[%swap3A_1065, %swap3A_1066], %swap3A_1069 {strides = array<i32>} : memref<128x128xf32, #tpu.memory_space<vmem>>, vector<1x16xf32>,
        %get3A_1070 = arith.index_cast %scan3A_999 : i32 to index
        %get3A_1071 = arith.constant 96 : index
        %get3A_1072 = tpu.vector_load %arg10[%get3A_1070, %get3A_1071] {strides = array<i32>} : memref<128x128xf32, #tpu.memory_space<vmem>>, vector<1x16xf32>,
        %get3A_1073 = vector.shape_cast %get3A_1072 : vector<1x16xf32> to vector<16xf32>
        %mul3A_1074 = arith.constant 11.3137083 : f32
        %mul3A_1075 = vector.broadcast %mul3A_1074 : f32 to vector<16xf32>
        %mul3A_1076 = arith.mulf %get3A_1073, %mul3A_1075 : vector<16xf32>
        %swap3A_1077 = arith.index_cast %scan3A_999 : i32 to index
        %swap3A_1078 = arith.constant 96 : index
        %swap3A_1079 = tpu.vector_load %arg10[%swap3A_1077, %swap3A_1078] {strides = array<i32>} : memref<128x128xf32, #tpu.memory_space<vmem>>, vector<1x16xf32>,
        %swap3A_1080 = vector.shape_cast %swap3A_1079 : vector<1x16xf32> to vector<16xf32>
        %swap3A_1081 = vector.shape_cast %mul3A_1076 : vector<16xf32> to vector<1x16xf32>
        tpu.vector_store %arg10[%swap3A_1077, %swap3A_1078], %swap3A_1081 {strides = array<i32>} : memref<128x128xf32, #tpu.memory_space<vmem>>, vector<1x16xf32>,
        %get3A_1082 = arith.index_cast %scan3A_999 : i32 to index
        %get3A_1083 = arith.constant 112 : index
        %get3A_1084 = tpu.vector_load %arg10[%get3A_1082, %get3A_1083] {strides = array<i32>} : memref<128x128xf32, #tpu.memory_space<vmem>>, vector<1x16xf32>,
        %get3A_1085 = vector.shape_cast %get3A_1084 : vector<1x16xf32> to vector<16xf32>
        %mul3A_1086 = arith.constant 11.3137083 : f32
        %mul3A_1087 = vector.broadcast %mul3A_1086 : f32 to vector<16xf32>
        %mul3A_1088 = arith.mulf %get3A_1085, %mul3A_1087 : vector<16xf32>
        %swap3A_1089 = arith.index_cast %scan3A_999 : i32 to index
        %swap3A_1090 = arith.constant 112 : index
        %swap3A_1091 = tpu.vector_load %arg10[%swap3A_1089, %swap3A_1090] {strides = array<i32>} : memref<128x128xf32, #tpu.memory_space<vmem>>, vector<1x16xf32>,
        %swap3A_1092 = vector.shape_cast %swap3A_1091 : vector<1x16xf32> to vector<16xf32>
        %swap3A_1093 = vector.shape_cast %mul3A_1088 : vector<16xf32> to vector<1x16xf32>
        tpu.vector_store %arg10[%swap3A_1089, %swap3A_1090], %swap3A_1093 {strides = array<i32>} : memref<128x128xf32, #tpu.memory_space<vmem>>, vector<1x16xf32>,
      }
      %scan3A_888 = arith.constant 128 : i32
      %jit3A_889 = arith.constant 4 : i32
      %div3A_890 = arith.divsi %add3A_876, %jit3A_889 : i32
      %sign3A_891 = arith.constant 0 : i32
      %sign3A_892 = arith.cmpi sgt, %add3A_876, %sign3A_891 : i32
      %sign3A_893 = arith.extui %sign3A_892 : i1 to i32
      %sign3A_894 = arith.constant 0 : i32
      %sign3A_895 = arith.cmpi slt, %add3A_876, %sign3A_894 : i32
      %sign3A_896 = arith.extui %sign3A_895 : i1 to i32
      %sign3A_897 = arith.subi %sign3A_893, %sign3A_896 : i32
      %sign3A_898 = arith.constant 0 : i32
      %sign3A_899 = arith.cmpi sgt, %jit3A_889, %sign3A_898 : i32
      %sign3A_900 = arith.extui %sign3A_899 : i1 to i32
      %sign3A_901 = arith.constant 0 : i32
      %sign3A_902 = arith.cmpi slt, %jit3A_889, %sign3A_901 : i32
      %sign3A_903 = arith.extui %sign3A_902 : i1 to i32
      %sign3A_904 = arith.subi %sign3A_900, %sign3A_903 : i32
      %ne3A_905 = arith.cmpi ne, %sign3A_897, %sign3A_904 : i32
      %rem3A_906 = arith.remsi %add3A_876, %jit3A_889 : i32
      %ne3A_907 = arith.constant 0 : i32
      %ne3A_908 = arith.cmpi ne, %rem3A_906, %ne3A_907 : i32
      %and3A_909 = arith.andi %ne3A_905, %ne3A_908 : i1
      %sub3A_910 = arith.constant 1 : i32
      %sub3A_911 = arith.subi %div3A_890, %sub3A_910 : i32
      %select_n3A_912 = arith.select %and3A_909, %sub3A_911, %div3A_890 : i32
      %jit3A_913 = arith.constant 4 : i32
      %eq3A_914 = arith.constant 0 : i32
      %eq3A_915 = arith.cmpi eq, %jit3A_913, %eq3A_914 : i32
      %jit3A_916 = arith.constant 1 : i32
      %select_n3A_917 = arith.select %eq3A_915, %jit3A_916, %jit3A_913 : i32
      %rem3A_918 = arith.remsi %add3A_876, %select_n3A_917 : i32
      %ne3A_919 = arith.constant 0 : i32
      %ne3A_920 = arith.cmpi ne, %rem3A_918, %ne3A_919 : i32
      %lt3A_921 = arith.constant 0 : i32
      %lt3A_922 = arith.cmpi slt, %rem3A_918, %lt3A_921 : i32
      %lt3A_923 = arith.constant 0 : i32
      %lt3A_924 = arith.cmpi slt, %select_n3A_917, %lt3A_923 : i32
      %ne3A_925 = arith.xori %lt3A_922, %lt3A_924 : i1
      %and3A_926 = arith.andi %ne3A_925, %ne3A_920 : i1
      %add3A_927 = arith.addi %rem3A_918, %select_n3A_917 : i32
      %select_n3A_928 = arith.select %and3A_926, %add3A_927, %rem3A_918 : i32
      %mul3A_929 = arith.constant 128 : i32
      %mul3A_930 = arith.muli %select_n3A_928, %mul3A_929 : i32
      %add3A_931 = arith.addi %mul3A_2, %mul3A_930 : i32
      %dma_start3A_932 = arith.constant 0 : i32
      %dma_start3A_933 = tpu.memref_slice %arg4[%select_n3A_912, %add3A_931, %dma_start3A_932] : memref<50x16384x128xf32, #tpu.memory_space<hbm>> -> memref<1x128x128xf32, #tpu.memory_space<hbm>>
      %dma_start3A_934 = tpu.memref_squeeze %dma_start3A_933 : memref<1x128x128xf32, #tpu.memory_space<hbm>> -> memref<128x128xf32, #tpu.memory_space<hbm>>
      %dma_start3A_935 = arith.constant 0 : i32
      %dma_start3A_936 = tpu.memref_slice %arg4[%select_n3A_912, %add3A_931, %dma_start3A_935] : memref<50x16384x128xf32, #tpu.memory_space<hbm>> -> memref<1x128x128xf32, #tpu.memory_space<hbm>>
      %dma_start3A_937 = tpu.memref_squeeze %dma_start3A_936 : memref<1x128x128xf32, #tpu.memory_space<hbm>> -> memref<128x128xf32, #tpu.memory_space<hbm>>
      tpu.enqueue_dma source(%arg10 : memref<128x128xf32, #tpu.memory_space<vmem>>) target(%dma_start3A_937 : memref<128x128xf32, #tpu.memory_space<hbm>>) target_semaphore(%arg20 : memref<!tpu.dma_semaphore, #tpu.memory_space<semaphore_mem>>)
      %sub3A_938 = arith.constant 1 : i32
      %sub3A_939 = arith.subi %add3A_876, %sub3A_938 : i32
      %jit3A_940 = arith.constant 4 : i32
      %div3A_941 = arith.divsi %sub3A_939, %jit3A_940 : i32
      %sign3A_942 = arith.constant 0 : i32
      %sign3A_943 = arith.cmpi sgt, %sub3A_939, %sign3A_942 : i32
      %sign3A_944 = arith.extui %sign3A_943 : i1 to i32
      %sign3A_945 = arith.constant 0 : i32
      %sign3A_946 = arith.cmpi slt, %sub3A_939, %sign3A_945 : i32
      %sign3A_947 = arith.extui %sign3A_946 : i1 to i32
      %sign3A_948 = arith.subi %sign3A_944, %sign3A_947 : i32
      %sign3A_949 = arith.constant 0 : i32
      %sign3A_950 = arith.cmpi sgt, %jit3A_940, %sign3A_949 : i32
      %sign3A_951 = arith.extui %sign3A_950 : i1 to i32
      %sign3A_952 = arith.constant 0 : i32
      %sign3A_953 = arith.cmpi slt, %jit3A_940, %sign3A_952 : i32
      %sign3A_954 = arith.extui %sign3A_953 : i1 to i32
      %sign3A_955 = arith.subi %sign3A_951, %sign3A_954 : i32
      %ne3A_956 = arith.cmpi ne, %sign3A_948, %sign3A_955 : i32
      %rem3A_957 = arith.remsi %sub3A_939, %jit3A_940 : i32
      %ne3A_958 = arith.constant 0 : i32
      %ne3A_959 = arith.cmpi ne, %rem3A_957, %ne3A_958 : i32
      %and3A_960 = arith.andi %ne3A_956, %ne3A_959 : i1
      %sub3A_961 = arith.constant 1 : i32
      %sub3A_962 = arith.subi %div3A_941, %sub3A_961 : i32
      %select_n3A_963 = arith.select %and3A_960, %sub3A_962, %div3A_941 : i32
      %jit3A_964 = arith.constant 4 : i32
      %eq3A_965 = arith.constant 0 : i32
      %eq3A_966 = arith.cmpi eq, %jit3A_964, %eq3A_965 : i32
      %jit3A_967 = arith.constant 1 : i32
      %select_n3A_968 = arith.select %eq3A_966, %jit3A_967, %jit3A_964 : i32
      %rem3A_969 = arith.remsi %sub3A_939, %select_n3A_968 : i32
      %ne3A_970 = arith.constant 0 : i32
      %ne3A_971 = arith.cmpi ne, %rem3A_969, %ne3A_970 : i32
      %lt3A_972 = arith.constant 0 : i32
      %lt3A_973 = arith.cmpi slt, %rem3A_969, %lt3A_972 : i32
      %lt3A_974 = arith.constant 0 : i32
      %lt3A_975 = arith.cmpi slt, %select_n3A_968, %lt3A_974 : i32
      %ne3A_976 = arith.xori %lt3A_973, %lt3A_975 : i1
      %and3A_977 = arith.andi %ne3A_976, %ne3A_971 : i1
      %add3A_978 = arith.addi %rem3A_969, %select_n3A_968 : i32
      %select_n3A_979 = arith.select %and3A_977, %add3A_978, %rem3A_969 : i32
      %mul3A_980 = arith.constant 128 : i32
      %mul3A_981 = arith.muli %select_n3A_979, %mul3A_980 : i32
      %add3A_982 = arith.addi %mul3A_2, %mul3A_981 : i32
      %dma_wait3A_983 = arith.constant 0 : i32
      %dma_wait3A_984 = tpu.memref_slice %arg4[%select_n3A_963, %add3A_982, %dma_wait3A_983] : memref<50x16384x128xf32, #tpu.memory_space<hbm>> -> memref<1x128x128xf32, #tpu.memory_space<hbm>>
      %dma_wait3A_985 = tpu.memref_squeeze %dma_wait3A_984 : memref<1x128x128xf32, #tpu.memory_space<hbm>> -> memref<128x128xf32, #tpu.memory_space<hbm>>
      %dma_wait3A_986 = arith.constant 0 : i32
      %dma_wait3A_987 = tpu.memref_slice %arg4[%select_n3A_963, %add3A_982, %dma_wait3A_986] : memref<50x16384x128xf32, #tpu.memory_space<hbm>> -> memref<1x128x128xf32, #tpu.memory_space<hbm>>
      %dma_wait3A_988 = tpu.memref_squeeze %dma_wait3A_987 : memref<1x128x128xf32, #tpu.memory_space<hbm>> -> memref<128x128xf32, #tpu.memory_space<hbm>>
      tpu.wait_dma2 semaphore(%arg19 : memref<!tpu.dma_semaphore, #tpu.memory_space<semaphore_mem>>) src(%arg9 : memref<128x128xf32, #tpu.memory_space<vmem>>) dst(%dma_wait3A_988 : memref<128x128xf32, #tpu.memory_space<hbm>>)
      %add3A_989 = arith.constant 5 : i32
      %add3A_990 = arith.addi %add3A_876, %add3A_989 : i32
      %sub3A_991 = arith.constant 1 : i32
      %sub3A_992 = arith.subi %add3A_990, %sub3A_991 : i32
      %dma_start3A_993 = arith.constant 0 : i32
      %dma_start3A_994 = tpu.memref_slice %arg5[%sub3A_992, %dma_start3A_993] : memref<200x128xi32, #tpu.memory_space<vmem>> -> memref<1x128xi32, #tpu.memory_space<vmem>>
      %dma_start3A_995 = tpu.memref_squeeze %dma_start3A_994 : memref<1x128xi32, #tpu.memory_space<vmem>> -> memref<128xi32, #tpu.memory_space<vmem>>
      %dma_start3A_996 = arith.constant 0 : i32
      %dma_start3A_997 = arith.constant 0 : i32
      %dma_start3A_998 = tpu.memref_slice %arg2[%dma_start3A_996, %dma_start3A_997] : memref<100000x128xf32, #tpu.memory_space<hbm>> -> memref<100000x128xf32, #tpu.memory_space<hbm>>
      tpu.enqueue_indirect_dma source(%dma_start3A_998 : memref<100000x128xf32, #tpu.memory_space<hbm>>) target(%arg9 : memref<128x128xf32, #tpu.memory_space<vmem>>) offsets(%dma_start3A_995 : memref<128xi32, #tpu.memory_space<vmem>>) semaphore(%arg14 : memref<!tpu.dma_semaphore, #tpu.memory_space<semaphore_mem>>)
    }
    %scan3A_214 = arith.constant 38 : i32
    %dma_wait3A_215 = arith.constant 195 : i32
    %dma_wait3A_216 = arith.constant 0 : i32
    %dma_wait3A_217 = tpu.memref_slice %arg5[%dma_wait3A_215, %dma_wait3A_216] : memref<200x128xi32, #tpu.memory_space<vmem>> -> memref<1x128xi32, #tpu.memory_space<vmem>>
    %dma_wait3A_218 = tpu.memref_squeeze %dma_wait3A_217 : memref<1x128xi32, #tpu.memory_space<vmem>> -> memref<128xi32, #tpu.memory_space<vmem>>
    %dma_wait3A_219 = arith.constant 0 : i32
    %dma_wait3A_220 = arith.constant 0 : i32
    %dma_wait3A_221 = tpu.memref_slice %arg2[%dma_wait3A_219, %dma_wait3A_220] : memref<100000x128xf32, #tpu.memory_space<hbm>> -> memref<100000x128xf32, #tpu.memory_space<hbm>>
    tpu.wait_indirect_dma semaphore(%arg11 : memref<!tpu.dma_semaphore, #tpu.memory_space<semaphore_mem>>) src(%dma_wait3A_221 : memref<100000x128xf32, #tpu.memory_space<hbm>>) dst(%arg6 : memref<128x128xf32, #tpu.memory_space<vmem>>)
    %scan3A_222 = arith.constant 0 : i32
    %scan3A_223 = arith.constant 0 : i32
    %scan3A_224 = arith.constant 128 : i32
    %scan3A_225 = arith.addi %scan3A_223, %scan3A_224 : i32
    %scan3A_226 = arith.constant 1 : i32
    scf.for %scan3A_386 = %scan3A_223 to %scan3A_225 step %scan3A_226  : i32 {
      %get3A = arith.index_cast %scan3A_386 : i32 to index
      %get3A_387 = arith.constant 0 : index
      %get3A_388 = tpu.vector_load %arg6[%get3A, %get3A_387] {strides = array<i32>} : memref<128x128xf32, #tpu.memory_space<vmem>>, vector<1x16xf32>,
      %get3A_389 = vector.shape_cast %get3A_388 : vector<1x16xf32> to vector<16xf32>
      %mul3A_390 = arith.constant 11.3137083 : f32
      %mul3A_391 = vector.broadcast %mul3A_390 : f32 to vector<16xf32>
      %mul3A_392 = arith.mulf %get3A_389, %mul3A_391 : vector<16xf32>
      %swap3A = arith.index_cast %scan3A_386 : i32 to index
      %swap3A_393 = arith.constant 0 : index
      %swap3A_394 = tpu.vector_load %arg6[%swap3A, %swap3A_393] {strides = array<i32>} : memref<128x128xf32, #tpu.memory_space<vmem>>, vector<1x16xf32>,
      %swap3A_395 = vector.shape_cast %swap3A_394 : vector<1x16xf32> to vector<16xf32>
      %swap3A_396 = vector.shape_cast %mul3A_392 : vector<16xf32> to vector<1x16xf32>
      tpu.vector_store %arg6[%swap3A, %swap3A_393], %swap3A_396 {strides = array<i32>} : memref<128x128xf32, #tpu.memory_space<vmem>>, vector<1x16xf32>,
      %get3A_397 = arith.index_cast %scan3A_386 : i32 to index
      %get3A_398 = arith.constant 16 : index
      %get3A_399 = tpu.vector_load %arg6[%get3A_397, %get3A_398] {strides = array<i32>} : memref<128x128xf32, #tpu.memory_space<vmem>>, vector<1x16xf32>,
      %get3A_400 = vector.shape_cast %get3A_399 : vector<1x16xf32> to vector<16xf32>
      %mul3A_401 = arith.constant 11.3137083 : f32
      %mul3A_402 = vector.broadcast %mul3A_401 : f32 to vector<16xf32>
      %mul3A_403 = arith.mulf %get3A_400, %mul3A_402 : vector<16xf32>
      %swap3A_404 = arith.index_cast %scan3A_386 : i32 to index
      %swap3A_405 = arith.constant 16 : index
      %swap3A_406 = tpu.vector_load %arg6[%swap3A_404, %swap3A_405] {strides = array<i32>} : memref<128x128xf32, #tpu.memory_space<vmem>>, vector<1x16xf32>,
      %swap3A_407 = vector.shape_cast %swap3A_406 : vector<1x16xf32> to vector<16xf32>
      %swap3A_408 = vector.shape_cast %mul3A_403 : vector<16xf32> to vector<1x16xf32>
      tpu.vector_store %arg6[%swap3A_404, %swap3A_405], %swap3A_408 {strides = array<i32>} : memref<128x128xf32, #tpu.memory_space<vmem>>, vector<1x16xf32>,
      %get3A_409 = arith.index_cast %scan3A_386 : i32 to index
      %get3A_410 = arith.constant 32 : index
      %get3A_411 = tpu.vector_load %arg6[%get3A_409, %get3A_410] {strides = array<i32>} : memref<128x128xf32, #tpu.memory_space<vmem>>, vector<1x16xf32>,
      %get3A_412 = vector.shape_cast %get3A_411 : vector<1x16xf32> to vector<16xf32>
      %mul3A_413 = arith.constant 11.3137083 : f32
      %mul3A_414 = vector.broadcast %mul3A_413 : f32 to vector<16xf32>
      %mul3A_415 = arith.mulf %get3A_412, %mul3A_414 : vector<16xf32>
      %swap3A_416 = arith.index_cast %scan3A_386 : i32 to index
      %swap3A_417 = arith.constant 32 : index
      %swap3A_418 = tpu.vector_load %arg6[%swap3A_416, %swap3A_417] {strides = array<i32>} : memref<128x128xf32, #tpu.memory_space<vmem>>, vector<1x16xf32>,
      %swap3A_419 = vector.shape_cast %swap3A_418 : vector<1x16xf32> to vector<16xf32>
      %swap3A_420 = vector.shape_cast %mul3A_415 : vector<16xf32> to vector<1x16xf32>
      tpu.vector_store %arg6[%swap3A_416, %swap3A_417], %swap3A_420 {strides = array<i32>} : memref<128x128xf32, #tpu.memory_space<vmem>>, vector<1x16xf32>,
      %get3A_421 = arith.index_cast %scan3A_386 : i32 to index
      %get3A_422 = arith.constant 48 : index
      %get3A_423 = tpu.vector_load %arg6[%get3A_421, %get3A_422] {strides = array<i32>} : memref<128x128xf32, #tpu.memory_space<vmem>>, vector<1x16xf32>,
      %get3A_424 = vector.shape_cast %get3A_423 : vector<1x16xf32> to vector<16xf32>
      %mul3A_425 = arith.constant 11.3137083 : f32
      %mul3A_426 = vector.broadcast %mul3A_425 : f32 to vector<16xf32>
      %mul3A_427 = arith.mulf %get3A_424, %mul3A_426 : vector<16xf32>
      %swap3A_428 = arith.index_cast %scan3A_386 : i32 to index
      %swap3A_429 = arith.constant 48 : index
      %swap3A_430 = tpu.vector_load %arg6[%swap3A_428, %swap3A_429] {strides = array<i32>} : memref<128x128xf32, #tpu.memory_space<vmem>>, vector<1x16xf32>,
      %swap3A_431 = vector.shape_cast %swap3A_430 : vector<1x16xf32> to vector<16xf32>
      %swap3A_432 = vector.shape_cast %mul3A_427 : vector<16xf32> to vector<1x16xf32>
      tpu.vector_store %arg6[%swap3A_428, %swap3A_429], %swap3A_432 {strides = array<i32>} : memref<128x128xf32, #tpu.memory_space<vmem>>, vector<1x16xf32>,
      %get3A_433 = arith.index_cast %scan3A_386 : i32 to index
      %get3A_434 = arith.constant 64 : index
      %get3A_435 = tpu.vector_load %arg6[%get3A_433, %get3A_434] {strides = array<i32>} : memref<128x128xf32, #tpu.memory_space<vmem>>, vector<1x16xf32>,
      %get3A_436 = vector.shape_cast %get3A_435 : vector<1x16xf32> to vector<16xf32>
      %mul3A_437 = arith.constant 11.3137083 : f32
      %mul3A_438 = vector.broadcast %mul3A_437 : f32 to vector<16xf32>
      %mul3A_439 = arith.mulf %get3A_436, %mul3A_438 : vector<16xf32>
      %swap3A_440 = arith.index_cast %scan3A_386 : i32 to index
      %swap3A_441 = arith.constant 64 : index
      %swap3A_442 = tpu.vector_load %arg6[%swap3A_440, %swap3A_441] {strides = array<i32>} : memref<128x128xf32, #tpu.memory_space<vmem>>, vector<1x16xf32>,
      %swap3A_443 = vector.shape_cast %swap3A_442 : vector<1x16xf32> to vector<16xf32>
      %swap3A_444 = vector.shape_cast %mul3A_439 : vector<16xf32> to vector<1x16xf32>
      tpu.vector_store %arg6[%swap3A_440, %swap3A_441], %swap3A_444 {strides = array<i32>} : memref<128x128xf32, #tpu.memory_space<vmem>>, vector<1x16xf32>,
      %get3A_445 = arith.index_cast %scan3A_386 : i32 to index
      %get3A_446 = arith.constant 80 : index
      %get3A_447 = tpu.vector_load %arg6[%get3A_445, %get3A_446] {strides = array<i32>} : memref<128x128xf32, #tpu.memory_space<vmem>>, vector<1x16xf32>,
      %get3A_448 = vector.shape_cast %get3A_447 : vector<1x16xf32> to vector<16xf32>
      %mul3A_449 = arith.constant 11.3137083 : f32
      %mul3A_450 = vector.broadcast %mul3A_449 : f32 to vector<16xf32>
      %mul3A_451 = arith.mulf %get3A_448, %mul3A_450 : vector<16xf32>
      %swap3A_452 = arith.index_cast %scan3A_386 : i32 to index
      %swap3A_453 = arith.constant 80 : index
      %swap3A_454 = tpu.vector_load %arg6[%swap3A_452, %swap3A_453] {strides = array<i32>} : memref<128x128xf32, #tpu.memory_space<vmem>>, vector<1x16xf32>,
      %swap3A_455 = vector.shape_cast %swap3A_454 : vector<1x16xf32> to vector<16xf32>
      %swap3A_456 = vector.shape_cast %mul3A_451 : vector<16xf32> to vector<1x16xf32>
      tpu.vector_store %arg6[%swap3A_452, %swap3A_453], %swap3A_456 {strides = array<i32>} : memref<128x128xf32, #tpu.memory_space<vmem>>, vector<1x16xf32>,
      %get3A_457 = arith.index_cast %scan3A_386 : i32 to index
      %get3A_458 = arith.constant 96 : index
      %get3A_459 = tpu.vector_load %arg6[%get3A_457, %get3A_458] {strides = array<i32>} : memref<128x128xf32, #tpu.memory_space<vmem>>, vector<1x16xf32>,
      %get3A_460 = vector.shape_cast %get3A_459 : vector<1x16xf32> to vector<16xf32>
      %mul3A_461 = arith.constant 11.3137083 : f32
      %mul3A_462 = vector.broadcast %mul3A_461 : f32 to vector<16xf32>
      %mul3A_463 = arith.mulf %get3A_460, %mul3A_462 : vector<16xf32>
      %swap3A_464 = arith.index_cast %scan3A_386 : i32 to index
      %swap3A_465 = arith.constant 96 : index
      %swap3A_466 = tpu.vector_load %arg6[%swap3A_464, %swap3A_465] {strides = array<i32>} : memref<128x128xf32, #tpu.memory_space<vmem>>, vector<1x16xf32>,
      %swap3A_467 = vector.shape_cast %swap3A_466 : vector<1x16xf32> to vector<16xf32>
      %swap3A_468 = vector.shape_cast %mul3A_463 : vector<16xf32> to vector<1x16xf32>
      tpu.vector_store %arg6[%swap3A_464, %swap3A_465], %swap3A_468 {strides = array<i32>} : memref<128x128xf32, #tpu.memory_space<vmem>>, vector<1x16xf32>,
      %get3A_469 = arith.index_cast %scan3A_386 : i32 to index
      %get3A_470 = arith.constant 112 : index
      %get3A_471 = tpu.vector_load %arg6[%get3A_469, %get3A_470] {strides = array<i32>} : memref<128x128xf32, #tpu.memory_space<vmem>>, vector<1x16xf32>,
      %get3A_472 = vector.shape_cast %get3A_471 : vector<1x16xf32> to vector<16xf32>
      %mul3A_473 = arith.constant 11.3137083 : f32
      %mul3A_474 = vector.broadcast %mul3A_473 : f32 to vector<16xf32>
      %mul3A_475 = arith.mulf %get3A_472, %mul3A_474 : vector<16xf32>
      %swap3A_476 = arith.index_cast %scan3A_386 : i32 to index
      %swap3A_477 = arith.constant 112 : index
      %swap3A_478 = tpu.vector_load %arg6[%swap3A_476, %swap3A_477] {strides = array<i32>} : memref<128x128xf32, #tpu.memory_space<vmem>>, vector<1x16xf32>,
      %swap3A_479 = vector.shape_cast %swap3A_478 : vector<1x16xf32> to vector<16xf32>
      %swap3A_480 = vector.shape_cast %mul3A_475 : vector<16xf32> to vector<1x16xf32>
      tpu.vector_store %arg6[%swap3A_476, %swap3A_477], %swap3A_480 {strides = array<i32>} : memref<128x128xf32, #tpu.memory_space<vmem>>, vector<1x16xf32>,
    }
    %scan3A_227 = arith.constant 128 : i32
    %add3A_228 = arith.constant 384 : i32
    %add3A_229 = arith.addi %mul3A_2, %add3A_228 : i32
    %dma_start3A_230 = arith.constant 48 : i32
    %dma_start3A_231 = arith.constant 0 : i32
    %dma_start3A_232 = tpu.memref_slice %arg4[%dma_start3A_230, %add3A_229, %dma_start3A_231] : memref<50x16384x128xf32, #tpu.memory_space<hbm>> -> memref<1x128x128xf32, #tpu.memory_space<hbm>>
    %dma_start3A_233 = tpu.memref_squeeze %dma_start3A_232 : memref<1x128x128xf32, #tpu.memory_space<hbm>> -> memref<128x128xf32, #tpu.memory_space<hbm>>
    %dma_start3A_234 = arith.constant 0 : i32
    %dma_start3A_235 = tpu.memref_slice %arg4[%dma_start3A_230, %add3A_229, %dma_start3A_234] : memref<50x16384x128xf32, #tpu.memory_space<hbm>> -> memref<1x128x128xf32, #tpu.memory_space<hbm>>
    %dma_start3A_236 = tpu.memref_squeeze %dma_start3A_235 : memref<1x128x128xf32, #tpu.memory_space<hbm>> -> memref<128x128xf32, #tpu.memory_space<hbm>>
    tpu.enqueue_dma source(%arg6 : memref<128x128xf32, #tpu.memory_space<vmem>>) target(%dma_start3A_236 : memref<128x128xf32, #tpu.memory_space<hbm>>) target_semaphore(%arg16 : memref<!tpu.dma_semaphore, #tpu.memory_space<semaphore_mem>>)
    %add3A_237 = arith.constant 256 : i32
    %add3A_238 = arith.addi %mul3A_2, %add3A_237 : i32
    %dma_wait3A_239 = arith.constant 48 : i32
    %dma_wait3A_240 = arith.constant 0 : i32
    %dma_wait3A_241 = tpu.memref_slice %arg4[%dma_wait3A_239, %add3A_238, %dma_wait3A_240] : memref<50x16384x128xf32, #tpu.memory_space<hbm>> -> memref<1x128x128xf32, #tpu.memory_space<hbm>>
    %dma_wait3A_242 = tpu.memref_squeeze %dma_wait3A_241 : memref<1x128x128xf32, #tpu.memory_space<hbm>> -> memref<128x128xf32, #tpu.memory_space<hbm>>
    %dma_wait3A_243 = arith.constant 0 : i32
    %dma_wait3A_244 = tpu.memref_slice %arg4[%dma_wait3A_239, %add3A_238, %dma_wait3A_243] : memref<50x16384x128xf32, #tpu.memory_space<hbm>> -> memref<1x128x128xf32, #tpu.memory_space<hbm>>
    %dma_wait3A_245 = tpu.memref_squeeze %dma_wait3A_244 : memref<1x128x128xf32, #tpu.memory_space<hbm>> -> memref<128x128xf32, #tpu.memory_space<hbm>>
    tpu.wait_dma2 semaphore(%arg20 : memref<!tpu.dma_semaphore, #tpu.memory_space<semaphore_mem>>) src(%arg10 : memref<128x128xf32, #tpu.memory_space<vmem>>) dst(%dma_wait3A_245 : memref<128x128xf32, #tpu.memory_space<hbm>>)
    %dma_start3A_246 = arith.constant 199 : i32
    %dma_start3A_247 = arith.constant 0 : i32
    %dma_start3A_248 = tpu.memref_slice %arg5[%dma_start3A_246, %dma_start3A_247] : memref<200x128xi32, #tpu.memory_space<vmem>> -> memref<1x128xi32, #tpu.memory_space<vmem>>
    %dma_start3A_249 = tpu.memref_squeeze %dma_start3A_248 : memref<1x128xi32, #tpu.memory_space<vmem>> -> memref<128xi32, #tpu.memory_space<vmem>>
    %dma_start3A_250 = arith.constant 0 : i32
    %dma_start3A_251 = arith.constant 0 : i32
    %dma_start3A_252 = tpu.memref_slice %arg2[%dma_start3A_250, %dma_start3A_251] : memref<100000x128xf32, #tpu.memory_space<hbm>> -> memref<100000x128xf32, #tpu.memory_space<hbm>>
    tpu.enqueue_indirect_dma source(%dma_start3A_252 : memref<100000x128xf32, #tpu.memory_space<hbm>>) target(%arg10 : memref<128x128xf32, #tpu.memory_space<vmem>>) offsets(%dma_start3A_249 : memref<128xi32, #tpu.memory_space<vmem>>) semaphore(%arg15 : memref<!tpu.dma_semaphore, #tpu.memory_space<semaphore_mem>>)
    %dma_wait3A_253 = arith.constant 196 : i32
    %dma_wait3A_254 = arith.constant 0 : i32
    %dma_wait3A_255 = tpu.memref_slice %arg5[%dma_wait3A_253, %dma_wait3A_254] : memref<200x128xi32, #tpu.memory_space<vmem>> -> memref<1x128xi32, #tpu.memory_space<vmem>>
    %dma_wait3A_256 = tpu.memref_squeeze %dma_wait3A_255 : memref<1x128xi32, #tpu.memory_space<vmem>> -> memref<128xi32, #tpu.memory_space<vmem>>
    %dma_wait3A_257 = arith.constant 0 : i32
    %dma_wait3A_258 = arith.constant 0 : i32
    %dma_wait3A_259 = tpu.memref_slice %arg2[%dma_wait3A_257, %dma_wait3A_258] : memref<100000x128xf32, #tpu.memory_space<hbm>> -> memref<100000x128xf32, #tpu.memory_space<hbm>>
    tpu.wait_indirect_dma semaphore(%arg12 : memref<!tpu.dma_semaphore, #tpu.memory_space<semaphore_mem>>) src(%dma_wait3A_259 : memref<100000x128xf32, #tpu.memory_space<hbm>>) dst(%arg7 : memref<128x128xf32, #tpu.memory_space<vmem>>)
    %scan3A_260 = arith.constant 0 : i32
    %scan3A_261 = arith.constant 0 : i32
    %scan3A_262 = arith.constant 128 : i32
    %scan3A_263 = arith.addi %scan3A_261, %scan3A_262 : i32
    %scan3A_264 = arith.constant 1 : i32
    scf.for %scan3A_386 = %scan3A_261 to %scan3A_263 step %scan3A_264  : i32 {
      %get3A = arith.index_cast %scan3A_386 : i32 to index
      %get3A_387 = arith.constant 0 : index
      %get3A_388 = tpu.vector_load %arg7[%get3A, %get3A_387] {strides = array<i32>} : memref<128x128xf32, #tpu.memory_space<vmem>>, vector<1x16xf32>,
      %get3A_389 = vector.shape_cast %get3A_388 : vector<1x16xf32> to vector<16xf32>
      %mul3A_390 = arith.constant 11.3137083 : f32
      %mul3A_391 = vector.broadcast %mul3A_390 : f32 to vector<16xf32>
      %mul3A_392 = arith.mulf %get3A_389, %mul3A_391 : vector<16xf32>
      %swap3A = arith.index_cast %scan3A_386 : i32 to index
      %swap3A_393 = arith.constant 0 : index
      %swap3A_394 = tpu.vector_load %arg7[%swap3A, %swap3A_393] {strides = array<i32>} : memref<128x128xf32, #tpu.memory_space<vmem>>, vector<1x16xf32>,
      %swap3A_395 = vector.shape_cast %swap3A_394 : vector<1x16xf32> to vector<16xf32>
      %swap3A_396 = vector.shape_cast %mul3A_392 : vector<16xf32> to vector<1x16xf32>
      tpu.vector_store %arg7[%swap3A, %swap3A_393], %swap3A_396 {strides = array<i32>} : memref<128x128xf32, #tpu.memory_space<vmem>>, vector<1x16xf32>,
      %get3A_397 = arith.index_cast %scan3A_386 : i32 to index
      %get3A_398 = arith.constant 16 : index
      %get3A_399 = tpu.vector_load %arg7[%get3A_397, %get3A_398] {strides = array<i32>} : memref<128x128xf32, #tpu.memory_space<vmem>>, vector<1x16xf32>,
      %get3A_400 = vector.shape_cast %get3A_399 : vector<1x16xf32> to vector<16xf32>
      %mul3A_401 = arith.constant 11.3137083 : f32
      %mul3A_402 = vector.broadcast %mul3A_401 : f32 to vector<16xf32>
      %mul3A_403 = arith.mulf %get3A_400, %mul3A_402 : vector<16xf32>
      %swap3A_404 = arith.index_cast %scan3A_386 : i32 to index
      %swap3A_405 = arith.constant 16 : index
      %swap3A_406 = tpu.vector_load %arg7[%swap3A_404, %swap3A_405] {strides = array<i32>} : memref<128x128xf32, #tpu.memory_space<vmem>>, vector<1x16xf32>,
      %swap3A_407 = vector.shape_cast %swap3A_406 : vector<1x16xf32> to vector<16xf32>
      %swap3A_408 = vector.shape_cast %mul3A_403 : vector<16xf32> to vector<1x16xf32>
      tpu.vector_store %arg7[%swap3A_404, %swap3A_405], %swap3A_408 {strides = array<i32>} : memref<128x128xf32, #tpu.memory_space<vmem>>, vector<1x16xf32>,
      %get3A_409 = arith.index_cast %scan3A_386 : i32 to index
      %get3A_410 = arith.constant 32 : index
      %get3A_411 = tpu.vector_load %arg7[%get3A_409, %get3A_410] {strides = array<i32>} : memref<128x128xf32, #tpu.memory_space<vmem>>, vector<1x16xf32>,
      %get3A_412 = vector.shape_cast %get3A_411 : vector<1x16xf32> to vector<16xf32>
      %mul3A_413 = arith.constant 11.3137083 : f32
      %mul3A_414 = vector.broadcast %mul3A_413 : f32 to vector<16xf32>
      %mul3A_415 = arith.mulf %get3A_412, %mul3A_414 : vector<16xf32>
      %swap3A_416 = arith.index_cast %scan3A_386 : i32 to index
      %swap3A_417 = arith.constant 32 : index
      %swap3A_418 = tpu.vector_load %arg7[%swap3A_416, %swap3A_417] {strides = array<i32>} : memref<128x128xf32, #tpu.memory_space<vmem>>, vector<1x16xf32>,
      %swap3A_419 = vector.shape_cast %swap3A_418 : vector<1x16xf32> to vector<16xf32>
      %swap3A_420 = vector.shape_cast %mul3A_415 : vector<16xf32> to vector<1x16xf32>
      tpu.vector_store %arg7[%swap3A_416, %swap3A_417], %swap3A_420 {strides = array<i32>} : memref<128x128xf32, #tpu.memory_space<vmem>>, vector<1x16xf32>,
      %get3A_421 = arith.index_cast %scan3A_386 : i32 to index
      %get3A_422 = arith.constant 48 : index
      %get3A_423 = tpu.vector_load %arg7[%get3A_421, %get3A_422] {strides = array<i32>} : memref<128x128xf32, #tpu.memory_space<vmem>>, vector<1x16xf32>,
      %get3A_424 = vector.shape_cast %get3A_423 : vector<1x16xf32> to vector<16xf32>
      %mul3A_425 = arith.constant 11.3137083 : f32
      %mul3A_426 = vector.broadcast %mul3A_425 : f32 to vector<16xf32>
      %mul3A_427 = arith.mulf %get3A_424, %mul3A_426 : vector<16xf32>
      %swap3A_428 = arith.index_cast %scan3A_386 : i32 to index
      %swap3A_429 = arith.constant 48 : index
      %swap3A_430 = tpu.vector_load %arg7[%swap3A_428, %swap3A_429] {strides = array<i32>} : memref<128x128xf32, #tpu.memory_space<vmem>>, vector<1x16xf32>,
      %swap3A_431 = vector.shape_cast %swap3A_430 : vector<1x16xf32> to vector<16xf32>
      %swap3A_432 = vector.shape_cast %mul3A_427 : vector<16xf32> to vector<1x16xf32>
      tpu.vector_store %arg7[%swap3A_428, %swap3A_429], %swap3A_432 {strides = array<i32>} : memref<128x128xf32, #tpu.memory_space<vmem>>, vector<1x16xf32>,
      %get3A_433 = arith.index_cast %scan3A_386 : i32 to index
      %get3A_434 = arith.constant 64 : index
      %get3A_435 = tpu.vector_load %arg7[%get3A_433, %get3A_434] {strides = array<i32>} : memref<128x128xf32, #tpu.memory_space<vmem>>, vector<1x16xf32>,
      %get3A_436 = vector.shape_cast %get3A_435 : vector<1x16xf32> to vector<16xf32>
      %mul3A_437 = arith.constant 11.3137083 : f32
      %mul3A_438 = vector.broadcast %mul3A_437 : f32 to vector<16xf32>
      %mul3A_439 = arith.mulf %get3A_436, %mul3A_438 : vector<16xf32>
      %swap3A_440 = arith.index_cast %scan3A_386 : i32 to index
      %swap3A_441 = arith.constant 64 : index
      %swap3A_442 = tpu.vector_load %arg7[%swap3A_440, %swap3A_441] {strides = array<i32>} : memref<128x128xf32, #tpu.memory_space<vmem>>, vector<1x16xf32>,
      %swap3A_443 = vector.shape_cast %swap3A_442 : vector<1x16xf32> to vector<16xf32>
      %swap3A_444 = vector.shape_cast %mul3A_439 : vector<16xf32> to vector<1x16xf32>
      tpu.vector_store %arg7[%swap3A_440, %swap3A_441], %swap3A_444 {strides = array<i32>} : memref<128x128xf32, #tpu.memory_space<vmem>>, vector<1x16xf32>,
      %get3A_445 = arith.index_cast %scan3A_386 : i32 to index
      %get3A_446 = arith.constant 80 : index
      %get3A_447 = tpu.vector_load %arg7[%get3A_445, %get3A_446] {strides = array<i32>} : memref<128x128xf32, #tpu.memory_space<vmem>>, vector<1x16xf32>,
      %get3A_448 = vector.shape_cast %get3A_447 : vector<1x16xf32> to vector<16xf32>
      %mul3A_449 = arith.constant 11.3137083 : f32
      %mul3A_450 = vector.broadcast %mul3A_449 : f32 to vector<16xf32>
      %mul3A_451 = arith.mulf %get3A_448, %mul3A_450 : vector<16xf32>
      %swap3A_452 = arith.index_cast %scan3A_386 : i32 to index
      %swap3A_453 = arith.constant 80 : index
      %swap3A_454 = tpu.vector_load %arg7[%swap3A_452, %swap3A_453] {strides = array<i32>} : memref<128x128xf32, #tpu.memory_space<vmem>>, vector<1x16xf32>,
      %swap3A_455 = vector.shape_cast %swap3A_454 : vector<1x16xf32> to vector<16xf32>
      %swap3A_456 = vector.shape_cast %mul3A_451 : vector<16xf32> to vector<1x16xf32>
      tpu.vector_store %arg7[%swap3A_452, %swap3A_453], %swap3A_456 {strides = array<i32>} : memref<128x128xf32, #tpu.memory_space<vmem>>, vector<1x16xf32>,
      %get3A_457 = arith.index_cast %scan3A_386 : i32 to index
      %get3A_458 = arith.constant 96 : index
      %get3A_459 = tpu.vector_load %arg7[%get3A_457, %get3A_458] {strides = array<i32>} : memref<128x128xf32, #tpu.memory_space<vmem>>, vector<1x16xf32>,
      %get3A_460 = vector.shape_cast %get3A_459 : vector<1x16xf32> to vector<16xf32>
      %mul3A_461 = arith.constant 11.3137083 : f32
      %mul3A_462 = vector.broadcast %mul3A_461 : f32 to vector<16xf32>
      %mul3A_463 = arith.mulf %get3A_460, %mul3A_462 : vector<16xf32>
      %swap3A_464 = arith.index_cast %scan3A_386 : i32 to index
      %swap3A_465 = arith.constant 96 : index
      %swap3A_466 = tpu.vector_load %arg7[%swap3A_464, %swap3A_465] {strides = array<i32>} : memref<128x128xf32, #tpu.memory_space<vmem>>, vector<1x16xf32>,
      %swap3A_467 = vector.shape_cast %swap3A_466 : vector<1x16xf32> to vector<16xf32>
      %swap3A_468 = vector.shape_cast %mul3A_463 : vector<16xf32> to vector<1x16xf32>
      tpu.vector_store %arg7[%swap3A_464, %swap3A_465], %swap3A_468 {strides = array<i32>} : memref<128x128xf32, #tpu.memory_space<vmem>>, vector<1x16xf32>,
      %get3A_469 = arith.index_cast %scan3A_386 : i32 to index
      %get3A_470 = arith.constant 112 : index
      %get3A_471 = tpu.vector_load %arg7[%get3A_469, %get3A_470] {strides = array<i32>} : memref<128x128xf32, #tpu.memory_space<vmem>>, vector<1x16xf32>,
      %get3A_472 = vector.shape_cast %get3A_471 : vector<1x16xf32> to vector<16xf32>
      %mul3A_473 = arith.constant 11.3137083 : f32
      %mul3A_474 = vector.broadcast %mul3A_473 : f32 to vector<16xf32>
      %mul3A_475 = arith.mulf %get3A_472, %mul3A_474 : vector<16xf32>
      %swap3A_476 = arith.index_cast %scan3A_386 : i32 to index
      %swap3A_477 = arith.constant 112 : index
      %swap3A_478 = tpu.vector_load %arg7[%swap3A_476, %swap3A_477] {strides = array<i32>} : memref<128x128xf32, #tpu.memory_space<vmem>>, vector<1x16xf32>,
      %swap3A_479 = vector.shape_cast %swap3A_478 : vector<1x16xf32> to vector<16xf32>
      %swap3A_480 = vector.shape_cast %mul3A_475 : vector<16xf32> to vector<1x16xf32>
      tpu.vector_store %arg7[%swap3A_476, %swap3A_477], %swap3A_480 {strides = array<i32>} : memref<128x128xf32, #tpu.memory_space<vmem>>, vector<1x16xf32>,
    }
    %scan3A_265 = arith.constant 128 : i32
    %add3A_266 = arith.constant 0 : i32
    %add3A_267 = arith.addi %mul3A_2, %add3A_266 : i32
    %dma_start3A_268 = arith.constant 49 : i32
    %dma_start3A_269 = arith.constant 0 : i32
    %dma_start3A_270 = tpu.memref_slice %arg4[%dma_start3A_268, %add3A_267, %dma_start3A_269] : memref<50x16384x128xf32, #tpu.memory_space<hbm>> -> memref<1x128x128xf32, #tpu.memory_space<hbm>>
    %dma_start3A_271 = tpu.memref_squeeze %dma_start3A_270 : memref<1x128x128xf32, #tpu.memory_space<hbm>> -> memref<128x128xf32, #tpu.memory_space<hbm>>
    %dma_start3A_272 = arith.constant 0 : i32
    %dma_start3A_273 = tpu.memref_slice %arg4[%dma_start3A_268, %add3A_267, %dma_start3A_272] : memref<50x16384x128xf32, #tpu.memory_space<hbm>> -> memref<1x128x128xf32, #tpu.memory_space<hbm>>
    %dma_start3A_274 = tpu.memref_squeeze %dma_start3A_273 : memref<1x128x128xf32, #tpu.memory_space<hbm>> -> memref<128x128xf32, #tpu.memory_space<hbm>>
    tpu.enqueue_dma source(%arg7 : memref<128x128xf32, #tpu.memory_space<vmem>>) target(%dma_start3A_274 : memref<128x128xf32, #tpu.memory_space<hbm>>) target_semaphore(%arg17 : memref<!tpu.dma_semaphore, #tpu.memory_space<semaphore_mem>>)
    %dma_wait3A_275 = arith.constant 197 : i32
    %dma_wait3A_276 = arith.constant 0 : i32
    %dma_wait3A_277 = tpu.memref_slice %arg5[%dma_wait3A_275, %dma_wait3A_276] : memref<200x128xi32, #tpu.memory_space<vmem>> -> memref<1x128xi32, #tpu.memory_space<vmem>>
    %dma_wait3A_278 = tpu.memref_squeeze %dma_wait3A_277 : memref<1x128xi32, #tpu.memory_space<vmem>> -> memref<128xi32, #tpu.memory_space<vmem>>
    %dma_wait3A_279 = arith.constant 0 : i32
    %dma_wait3A_280 = arith.constant 0 : i32
    %dma_wait3A_281 = tpu.memref_slice %arg2[%dma_wait3A_279, %dma_wait3A_280] : memref<100000x128xf32, #tpu.memory_space<hbm>> -> memref<100000x128xf32, #tpu.memory_space<hbm>>
    tpu.wait_indirect_dma semaphore(%arg13 : memref<!tpu.dma_semaphore, #tpu.memory_space<semaphore_mem>>) src(%dma_wait3A_281 : memref<100000x128xf32, #tpu.memory_space<hbm>>) dst(%arg8 : memref<128x128xf32, #tpu.memory_space<vmem>>)
    %scan3A_282 = arith.constant 0 : i32
    %scan3A_283 = arith.constant 0 : i32
    %scan3A_284 = arith.constant 128 : i32
    %scan3A_285 = arith.addi %scan3A_283, %scan3A_284 : i32
    %scan3A_286 = arith.constant 1 : i32
    scf.for %scan3A_386 = %scan3A_283 to %scan3A_285 step %scan3A_286  : i32 {
      %get3A = arith.index_cast %scan3A_386 : i32 to index
      %get3A_387 = arith.constant 0 : index
      %get3A_388 = tpu.vector_load %arg8[%get3A, %get3A_387] {strides = array<i32>} : memref<128x128xf32, #tpu.memory_space<vmem>>, vector<1x16xf32>,
      %get3A_389 = vector.shape_cast %get3A_388 : vector<1x16xf32> to vector<16xf32>
      %mul3A_390 = arith.constant 11.3137083 : f32
      %mul3A_391 = vector.broadcast %mul3A_390 : f32 to vector<16xf32>
      %mul3A_392 = arith.mulf %get3A_389, %mul3A_391 : vector<16xf32>
      %swap3A = arith.index_cast %scan3A_386 : i32 to index
      %swap3A_393 = arith.constant 0 : index
      %swap3A_394 = tpu.vector_load %arg8[%swap3A, %swap3A_393] {strides = array<i32>} : memref<128x128xf32, #tpu.memory_space<vmem>>, vector<1x16xf32>,
      %swap3A_395 = vector.shape_cast %swap3A_394 : vector<1x16xf32> to vector<16xf32>
      %swap3A_396 = vector.shape_cast %mul3A_392 : vector<16xf32> to vector<1x16xf32>
      tpu.vector_store %arg8[%swap3A, %swap3A_393], %swap3A_396 {strides = array<i32>} : memref<128x128xf32, #tpu.memory_space<vmem>>, vector<1x16xf32>,
      %get3A_397 = arith.index_cast %scan3A_386 : i32 to index
      %get3A_398 = arith.constant 16 : index
      %get3A_399 = tpu.vector_load %arg8[%get3A_397, %get3A_398] {strides = array<i32>} : memref<128x128xf32, #tpu.memory_space<vmem>>, vector<1x16xf32>,
      %get3A_400 = vector.shape_cast %get3A_399 : vector<1x16xf32> to vector<16xf32>
      %mul3A_401 = arith.constant 11.3137083 : f32
      %mul3A_402 = vector.broadcast %mul3A_401 : f32 to vector<16xf32>
      %mul3A_403 = arith.mulf %get3A_400, %mul3A_402 : vector<16xf32>
      %swap3A_404 = arith.index_cast %scan3A_386 : i32 to index
      %swap3A_405 = arith.constant 16 : index
      %swap3A_406 = tpu.vector_load %arg8[%swap3A_404, %swap3A_405] {strides = array<i32>} : memref<128x128xf32, #tpu.memory_space<vmem>>, vector<1x16xf32>,
      %swap3A_407 = vector.shape_cast %swap3A_406 : vector<1x16xf32> to vector<16xf32>
      %swap3A_408 = vector.shape_cast %mul3A_403 : vector<16xf32> to vector<1x16xf32>
      tpu.vector_store %arg8[%swap3A_404, %swap3A_405], %swap3A_408 {strides = array<i32>} : memref<128x128xf32, #tpu.memory_space<vmem>>, vector<1x16xf32>,
      %get3A_409 = arith.index_cast %scan3A_386 : i32 to index
      %get3A_410 = arith.constant 32 : index
      %get3A_411 = tpu.vector_load %arg8[%get3A_409, %get3A_410] {strides = array<i32>} : memref<128x128xf32, #tpu.memory_space<vmem>>, vector<1x16xf32>,
      %get3A_412 = vector.shape_cast %get3A_411 : vector<1x16xf32> to vector<16xf32>
      %mul3A_413 = arith.constant 11.3137083 : f32
      %mul3A_414 = vector.broadcast %mul3A_413 : f32 to vector<16xf32>
      %mul3A_415 = arith.mulf %get3A_412, %mul3A_414 : vector<16xf32>
      %swap3A_416 = arith.index_cast %scan3A_386 : i32 to index
      %swap3A_417 = arith.constant 32 : index
      %swap3A_418 = tpu.vector_load %arg8[%swap3A_416, %swap3A_417] {strides = array<i32>} : memref<128x128xf32, #tpu.memory_space<vmem>>, vector<1x16xf32>,
      %swap3A_419 = vector.shape_cast %swap3A_418 : vector<1x16xf32> to vector<16xf32>
      %swap3A_420 = vector.shape_cast %mul3A_415 : vector<16xf32> to vector<1x16xf32>
      tpu.vector_store %arg8[%swap3A_416, %swap3A_417], %swap3A_420 {strides = array<i32>} : memref<128x128xf32, #tpu.memory_space<vmem>>, vector<1x16xf32>,
      %get3A_421 = arith.index_cast %scan3A_386 : i32 to index
      %get3A_422 = arith.constant 48 : index
      %get3A_423 = tpu.vector_load %arg8[%get3A_421, %get3A_422] {strides = array<i32>} : memref<128x128xf32, #tpu.memory_space<vmem>>, vector<1x16xf32>,
      %get3A_424 = vector.shape_cast %get3A_423 : vector<1x16xf32> to vector<16xf32>
      %mul3A_425 = arith.constant 11.3137083 : f32
      %mul3A_426 = vector.broadcast %mul3A_425 : f32 to vector<16xf32>
      %mul3A_427 = arith.mulf %get3A_424, %mul3A_426 : vector<16xf32>
      %swap3A_428 = arith.index_cast %scan3A_386 : i32 to index
      %swap3A_429 = arith.constant 48 : index
      %swap3A_430 = tpu.vector_load %arg8[%swap3A_428, %swap3A_429] {strides = array<i32>} : memref<128x128xf32, #tpu.memory_space<vmem>>, vector<1x16xf32>,
      %swap3A_431 = vector.shape_cast %swap3A_430 : vector<1x16xf32> to vector<16xf32>
      %swap3A_432 = vector.shape_cast %mul3A_427 : vector<16xf32> to vector<1x16xf32>
      tpu.vector_store %arg8[%swap3A_428, %swap3A_429], %swap3A_432 {strides = array<i32>} : memref<128x128xf32, #tpu.memory_space<vmem>>, vector<1x16xf32>,
      %get3A_433 = arith.index_cast %scan3A_386 : i32 to index
      %get3A_434 = arith.constant 64 : index
      %get3A_435 = tpu.vector_load %arg8[%get3A_433, %get3A_434] {strides = array<i32>} : memref<128x128xf32, #tpu.memory_space<vmem>>, vector<1x16xf32>,
      %get3A_436 = vector.shape_cast %get3A_435 : vector<1x16xf32> to vector<16xf32>
      %mul3A_437 = arith.constant 11.3137083 : f32
      %mul3A_438 = vector.broadcast %mul3A_437 : f32 to vector<16xf32>
      %mul3A_439 = arith.mulf %get3A_436, %mul3A_438 : vector<16xf32>
      %swap3A_440 = arith.index_cast %scan3A_386 : i32 to index
      %swap3A_441 = arith.constant 64 : index
      %swap3A_442 = tpu.vector_load %arg8[%swap3A_440, %swap3A_441] {strides = array<i32>} : memref<128x128xf32, #tpu.memory_space<vmem>>, vector<1x16xf32>,
      %swap3A_443 = vector.shape_cast %swap3A_442 : vector<1x16xf32> to vector<16xf32>
      %swap3A_444 = vector.shape_cast %mul3A_439 : vector<16xf32> to vector<1x16xf32>
      tpu.vector_store %arg8[%swap3A_440, %swap3A_441], %swap3A_444 {strides = array<i32>} : memref<128x128xf32, #tpu.memory_space<vmem>>, vector<1x16xf32>,
      %get3A_445 = arith.index_cast %scan3A_386 : i32 to index
      %get3A_446 = arith.constant 80 : index
      %get3A_447 = tpu.vector_load %arg8[%get3A_445, %get3A_446] {strides = array<i32>} : memref<128x128xf32, #tpu.memory_space<vmem>>, vector<1x16xf32>,
      %get3A_448 = vector.shape_cast %get3A_447 : vector<1x16xf32> to vector<16xf32>
      %mul3A_449 = arith.constant 11.3137083 : f32
      %mul3A_450 = vector.broadcast %mul3A_449 : f32 to vector<16xf32>
      %mul3A_451 = arith.mulf %get3A_448, %mul3A_450 : vector<16xf32>
      %swap3A_452 = arith.index_cast %scan3A_386 : i32 to index
      %swap3A_453 = arith.constant 80 : index
      %swap3A_454 = tpu.vector_load %arg8[%swap3A_452, %swap3A_453] {strides = array<i32>} : memref<128x128xf32, #tpu.memory_space<vmem>>, vector<1x16xf32>,
      %swap3A_455 = vector.shape_cast %swap3A_454 : vector<1x16xf32> to vector<16xf32>
      %swap3A_456 = vector.shape_cast %mul3A_451 : vector<16xf32> to vector<1x16xf32>
      tpu.vector_store %arg8[%swap3A_452, %swap3A_453], %swap3A_456 {strides = array<i32>} : memref<128x128xf32, #tpu.memory_space<vmem>>, vector<1x16xf32>,
      %get3A_457 = arith.index_cast %scan3A_386 : i32 to index
      %get3A_458 = arith.constant 96 : index
      %get3A_459 = tpu.vector_load %arg8[%get3A_457, %get3A_458] {strides = array<i32>} : memref<128x128xf32, #tpu.memory_space<vmem>>, vector<1x16xf32>,
      %get3A_460 = vector.shape_cast %get3A_459 : vector<1x16xf32> to vector<16xf32>
      %mul3A_461 = arith.constant 11.3137083 : f32
      %mul3A_462 = vector.broadcast %mul3A_461 : f32 to vector<16xf32>
      %mul3A_463 = arith.mulf %get3A_460, %mul3A_462 : vector<16xf32>
      %swap3A_464 = arith.index_cast %scan3A_386 : i32 to index
      %swap3A_465 = arith.constant 96 : index
      %swap3A_466 = tpu.vector_load %arg8[%swap3A_464, %swap3A_465] {strides = array<i32>} : memref<128x128xf32, #tpu.memory_space<vmem>>, vector<1x16xf32>,
      %swap3A_467 = vector.shape_cast %swap3A_466 : vector<1x16xf32> to vector<16xf32>
      %swap3A_468 = vector.shape_cast %mul3A_463 : vector<16xf32> to vector<1x16xf32>
      tpu.vector_store %arg8[%swap3A_464, %swap3A_465], %swap3A_468 {strides = array<i32>} : memref<128x128xf32, #tpu.memory_space<vmem>>, vector<1x16xf32>,
      %get3A_469 = arith.index_cast %scan3A_386 : i32 to index
      %get3A_470 = arith.constant 112 : index
      %get3A_471 = tpu.vector_load %arg8[%get3A_469, %get3A_470] {strides = array<i32>} : memref<128x128xf32, #tpu.memory_space<vmem>>, vector<1x16xf32>,
      %get3A_472 = vector.shape_cast %get3A_471 : vector<1x16xf32> to vector<16xf32>
      %mul3A_473 = arith.constant 11.3137083 : f32
      %mul3A_474 = vector.broadcast %mul3A_473 : f32 to vector<16xf32>
      %mul3A_475 = arith.mulf %get3A_472, %mul3A_474 : vector<16xf32>
      %swap3A_476 = arith.index_cast %scan3A_386 : i32 to index
      %swap3A_477 = arith.constant 112 : index
      %swap3A_478 = tpu.vector_load %arg8[%swap3A_476, %swap3A_477] {strides = array<i32>} : memref<128x128xf32, #tpu.memory_space<vmem>>, vector<1x16xf32>,
      %swap3A_479 = vector.shape_cast %swap3A_478 : vector<1x16xf32> to vector<16xf32>
      %swap3A_480 = vector.shape_cast %mul3A_475 : vector<16xf32> to vector<1x16xf32>
      tpu.vector_store %arg8[%swap3A_476, %swap3A_477], %swap3A_480 {strides = array<i32>} : memref<128x128xf32, #tpu.memory_space<vmem>>, vector<1x16xf32>,
    }
    %scan3A_287 = arith.constant 128 : i32
    %add3A_288 = arith.constant 128 : i32
    %add3A_289 = arith.addi %mul3A_2, %add3A_288 : i32
    %dma_start3A_290 = arith.constant 49 : i32
    %dma_start3A_291 = arith.constant 0 : i32
    %dma_start3A_292 = tpu.memref_slice %arg4[%dma_start3A_290, %add3A_289, %dma_start3A_291] : memref<50x16384x128xf32, #tpu.memory_space<hbm>> -> memref<1x128x128xf32, #tpu.memory_space<hbm>>
    %dma_start3A_293 = tpu.memref_squeeze %dma_start3A_292 : memref<1x128x128xf32, #tpu.memory_space<hbm>> -> memref<128x128xf32, #tpu.memory_space<hbm>>
    %dma_start3A_294 = arith.constant 0 : i32
    %dma_start3A_295 = tpu.memref_slice %arg4[%dma_start3A_290, %add3A_289, %dma_start3A_294] : memref<50x16384x128xf32, #tpu.memory_space<hbm>> -> memref<1x128x128xf32, #tpu.memory_space<hbm>>
    %dma_start3A_296 = tpu.memref_squeeze %dma_start3A_295 : memref<1x128x128xf32, #tpu.memory_space<hbm>> -> memref<128x128xf32, #tpu.memory_space<hbm>>
    tpu.enqueue_dma source(%arg8 : memref<128x128xf32, #tpu.memory_space<vmem>>) target(%dma_start3A_296 : memref<128x128xf32, #tpu.memory_space<hbm>>) target_semaphore(%arg18 : memref<!tpu.dma_semaphore, #tpu.memory_space<semaphore_mem>>)
    %dma_wait3A_297 = arith.constant 198 : i32
    %dma_wait3A_298 = arith.constant 0 : i32
    %dma_wait3A_299 = tpu.memref_slice %arg5[%dma_wait3A_297, %dma_wait3A_298] : memref<200x128xi32, #tpu.memory_space<vmem>> -> memref<1x128xi32, #tpu.memory_space<vmem>>
    %dma_wait3A_300 = tpu.memref_squeeze %dma_wait3A_299 : memref<1x128xi32, #tpu.memory_space<vmem>> -> memref<128xi32, #tpu.memory_space<vmem>>
    %dma_wait3A_301 = arith.constant 0 : i32
    %dma_wait3A_302 = arith.constant 0 : i32
    %dma_wait3A_303 = tpu.memref_slice %arg2[%dma_wait3A_301, %dma_wait3A_302] : memref<100000x128xf32, #tpu.memory_space<hbm>> -> memref<100000x128xf32, #tpu.memory_space<hbm>>
    tpu.wait_indirect_dma semaphore(%arg14 : memref<!tpu.dma_semaphore, #tpu.memory_space<semaphore_mem>>) src(%dma_wait3A_303 : memref<100000x128xf32, #tpu.memory_space<hbm>>) dst(%arg9 : memref<128x128xf32, #tpu.memory_space<vmem>>)
    %scan3A_304 = arith.constant 0 : i32
    %scan3A_305 = arith.constant 0 : i32
    %scan3A_306 = arith.constant 128 : i32
    %scan3A_307 = arith.addi %scan3A_305, %scan3A_306 : i32
    %scan3A_308 = arith.constant 1 : i32
    scf.for %scan3A_386 = %scan3A_305 to %scan3A_307 step %scan3A_308  : i32 {
      %get3A = arith.index_cast %scan3A_386 : i32 to index
      %get3A_387 = arith.constant 0 : index
      %get3A_388 = tpu.vector_load %arg9[%get3A, %get3A_387] {strides = array<i32>} : memref<128x128xf32, #tpu.memory_space<vmem>>, vector<1x16xf32>,
      %get3A_389 = vector.shape_cast %get3A_388 : vector<1x16xf32> to vector<16xf32>
      %mul3A_390 = arith.constant 11.3137083 : f32
      %mul3A_391 = vector.broadcast %mul3A_390 : f32 to vector<16xf32>
      %mul3A_392 = arith.mulf %get3A_389, %mul3A_391 : vector<16xf32>
      %swap3A = arith.index_cast %scan3A_386 : i32 to index
      %swap3A_393 = arith.constant 0 : index
      %swap3A_394 = tpu.vector_load %arg9[%swap3A, %swap3A_393] {strides = array<i32>} : memref<128x128xf32, #tpu.memory_space<vmem>>, vector<1x16xf32>,
      %swap3A_395 = vector.shape_cast %swap3A_394 : vector<1x16xf32> to vector<16xf32>
      %swap3A_396 = vector.shape_cast %mul3A_392 : vector<16xf32> to vector<1x16xf32>
      tpu.vector_store %arg9[%swap3A, %swap3A_393], %swap3A_396 {strides = array<i32>} : memref<128x128xf32, #tpu.memory_space<vmem>>, vector<1x16xf32>,
      %get3A_397 = arith.index_cast %scan3A_386 : i32 to index
      %get3A_398 = arith.constant 16 : index
      %get3A_399 = tpu.vector_load %arg9[%get3A_397, %get3A_398] {strides = array<i32>} : memref<128x128xf32, #tpu.memory_space<vmem>>, vector<1x16xf32>,
      %get3A_400 = vector.shape_cast %get3A_399 : vector<1x16xf32> to vector<16xf32>
      %mul3A_401 = arith.constant 11.3137083 : f32
      %mul3A_402 = vector.broadcast %mul3A_401 : f32 to vector<16xf32>
      %mul3A_403 = arith.mulf %get3A_400, %mul3A_402 : vector<16xf32>
      %swap3A_404 = arith.index_cast %scan3A_386 : i32 to index
      %swap3A_405 = arith.constant 16 : index
      %swap3A_406 = tpu.vector_load %arg9[%swap3A_404, %swap3A_405] {strides = array<i32>} : memref<128x128xf32, #tpu.memory_space<vmem>>, vector<1x16xf32>,
      %swap3A_407 = vector.shape_cast %swap3A_406 : vector<1x16xf32> to vector<16xf32>
      %swap3A_408 = vector.shape_cast %mul3A_403 : vector<16xf32> to vector<1x16xf32>
      tpu.vector_store %arg9[%swap3A_404, %swap3A_405], %swap3A_408 {strides = array<i32>} : memref<128x128xf32, #tpu.memory_space<vmem>>, vector<1x16xf32>,
      %get3A_409 = arith.index_cast %scan3A_386 : i32 to index
      %get3A_410 = arith.constant 32 : index
      %get3A_411 = tpu.vector_load %arg9[%get3A_409, %get3A_410] {strides = array<i32>} : memref<128x128xf32, #tpu.memory_space<vmem>>, vector<1x16xf32>,
      %get3A_412 = vector.shape_cast %get3A_411 : vector<1x16xf32> to vector<16xf32>
      %mul3A_413 = arith.constant 11.3137083 : f32
      %mul3A_414 = vector.broadcast %mul3A_413 : f32 to vector<16xf32>
      %mul3A_415 = arith.mulf %get3A_412, %mul3A_414 : vector<16xf32>
      %swap3A_416 = arith.index_cast %scan3A_386 : i32 to index
      %swap3A_417 = arith.constant 32 : index
      %swap3A_418 = tpu.vector_load %arg9[%swap3A_416, %swap3A_417] {strides = array<i32>} : memref<128x128xf32, #tpu.memory_space<vmem>>, vector<1x16xf32>,
      %swap3A_419 = vector.shape_cast %swap3A_418 : vector<1x16xf32> to vector<16xf32>
      %swap3A_420 = vector.shape_cast %mul3A_415 : vector<16xf32> to vector<1x16xf32>
      tpu.vector_store %arg9[%swap3A_416, %swap3A_417], %swap3A_420 {strides = array<i32>} : memref<128x128xf32, #tpu.memory_space<vmem>>, vector<1x16xf32>,
      %get3A_421 = arith.index_cast %scan3A_386 : i32 to index
      %get3A_422 = arith.constant 48 : index
      %get3A_423 = tpu.vector_load %arg9[%get3A_421, %get3A_422] {strides = array<i32>} : memref<128x128xf32, #tpu.memory_space<vmem>>, vector<1x16xf32>,
      %get3A_424 = vector.shape_cast %get3A_423 : vector<1x16xf32> to vector<16xf32>
      %mul3A_425 = arith.constant 11.3137083 : f32
      %mul3A_426 = vector.broadcast %mul3A_425 : f32 to vector<16xf32>
      %mul3A_427 = arith.mulf %get3A_424, %mul3A_426 : vector<16xf32>
      %swap3A_428 = arith.index_cast %scan3A_386 : i32 to index
      %swap3A_429 = arith.constant 48 : index
      %swap3A_430 = tpu.vector_load %arg9[%swap3A_428, %swap3A_429] {strides = array<i32>} : memref<128x128xf32, #tpu.memory_space<vmem>>, vector<1x16xf32>,
      %swap3A_431 = vector.shape_cast %swap3A_430 : vector<1x16xf32> to vector<16xf32>
      %swap3A_432 = vector.shape_cast %mul3A_427 : vector<16xf32> to vector<1x16xf32>
      tpu.vector_store %arg9[%swap3A_428, %swap3A_429], %swap3A_432 {strides = array<i32>} : memref<128x128xf32, #tpu.memory_space<vmem>>, vector<1x16xf32>,
      %get3A_433 = arith.index_cast %scan3A_386 : i32 to index
      %get3A_434 = arith.constant 64 : index
      %get3A_435 = tpu.vector_load %arg9[%get3A_433, %get3A_434] {strides = array<i32>} : memref<128x128xf32, #tpu.memory_space<vmem>>, vector<1x16xf32>,
      %get3A_436 = vector.shape_cast %get3A_435 : vector<1x16xf32> to vector<16xf32>
      %mul3A_437 = arith.constant 11.3137083 : f32
      %mul3A_438 = vector.broadcast %mul3A_437 : f32 to vector<16xf32>
      %mul3A_439 = arith.mulf %get3A_436, %mul3A_438 : vector<16xf32>
      %swap3A_440 = arith.index_cast %scan3A_386 : i32 to index
      %swap3A_441 = arith.constant 64 : index
      %swap3A_442 = tpu.vector_load %arg9[%swap3A_440, %swap3A_441] {strides = array<i32>} : memref<128x128xf32, #tpu.memory_space<vmem>>, vector<1x16xf32>,
      %swap3A_443 = vector.shape_cast %swap3A_442 : vector<1x16xf32> to vector<16xf32>
      %swap3A_444 = vector.shape_cast %mul3A_439 : vector<16xf32> to vector<1x16xf32>
      tpu.vector_store %arg9[%swap3A_440, %swap3A_441], %swap3A_444 {strides = array<i32>} : memref<128x128xf32, #tpu.memory_space<vmem>>, vector<1x16xf32>,
      %get3A_445 = arith.index_cast %scan3A_386 : i32 to index
      %get3A_446 = arith.constant 80 : index
      %get3A_447 = tpu.vector_load %arg9[%get3A_445, %get3A_446] {strides = array<i32>} : memref<128x128xf32, #tpu.memory_space<vmem>>, vector<1x16xf32>,
      %get3A_448 = vector.shape_cast %get3A_447 : vector<1x16xf32> to vector<16xf32>
      %mul3A_449 = arith.constant 11.3137083 : f32
      %mul3A_450 = vector.broadcast %mul3A_449 : f32 to vector<16xf32>
      %mul3A_451 = arith.mulf %get3A_448, %mul3A_450 : vector<16xf32>
      %swap3A_452 = arith.index_cast %scan3A_386 : i32 to index
      %swap3A_453 = arith.constant 80 : index
      %swap3A_454 = tpu.vector_load %arg9[%swap3A_452, %swap3A_453] {strides = array<i32>} : memref<128x128xf32, #tpu.memory_space<vmem>>, vector<1x16xf32>,
      %swap3A_455 = vector.shape_cast %swap3A_454 : vector<1x16xf32> to vector<16xf32>
      %swap3A_456 = vector.shape_cast %mul3A_451 : vector<16xf32> to vector<1x16xf32>
      tpu.vector_store %arg9[%swap3A_452, %swap3A_453], %swap3A_456 {strides = array<i32>} : memref<128x128xf32, #tpu.memory_space<vmem>>, vector<1x16xf32>,
      %get3A_457 = arith.index_cast %scan3A_386 : i32 to index
      %get3A_458 = arith.constant 96 : index
      %get3A_459 = tpu.vector_load %arg9[%get3A_457, %get3A_458] {strides = array<i32>} : memref<128x128xf32, #tpu.memory_space<vmem>>, vector<1x16xf32>,
      %get3A_460 = vector.shape_cast %get3A_459 : vector<1x16xf32> to vector<16xf32>
      %mul3A_461 = arith.constant 11.3137083 : f32
      %mul3A_462 = vector.broadcast %mul3A_461 : f32 to vector<16xf32>
      %mul3A_463 = arith.mulf %get3A_460, %mul3A_462 : vector<16xf32>
      %swap3A_464 = arith.index_cast %scan3A_386 : i32 to index
      %swap3A_465 = arith.constant 96 : index
      %swap3A_466 = tpu.vector_load %arg9[%swap3A_464, %swap3A_465] {strides = array<i32>} : memref<128x128xf32, #tpu.memory_space<vmem>>, vector<1x16xf32>,
      %swap3A_467 = vector.shape_cast %swap3A_466 : vector<1x16xf32> to vector<16xf32>
      %swap3A_468 = vector.shape_cast %mul3A_463 : vector<16xf32> to vector<1x16xf32>
      tpu.vector_store %arg9[%swap3A_464, %swap3A_465], %swap3A_468 {strides = array<i32>} : memref<128x128xf32, #tpu.memory_space<vmem>>, vector<1x16xf32>,
      %get3A_469 = arith.index_cast %scan3A_386 : i32 to index
      %get3A_470 = arith.constant 112 : index
      %get3A_471 = tpu.vector_load %arg9[%get3A_469, %get3A_470] {strides = array<i32>} : memref<128x128xf32, #tpu.memory_space<vmem>>, vector<1x16xf32>,
      %get3A_472 = vector.shape_cast %get3A_471 : vector<1x16xf32> to vector<16xf32>
      %mul3A_473 = arith.constant 11.3137083 : f32
      %mul3A_474 = vector.broadcast %mul3A_473 : f32 to vector<16xf32>
      %mul3A_475 = arith.mulf %get3A_472, %mul3A_474 : vector<16xf32>
      %swap3A_476 = arith.index_cast %scan3A_386 : i32 to index
      %swap3A_477 = arith.constant 112 : index
      %swap3A_478 = tpu.vector_load %arg9[%swap3A_476, %swap3A_477] {strides = array<i32>} : memref<128x128xf32, #tpu.memory_space<vmem>>, vector<1x16xf32>,
      %swap3A_479 = vector.shape_cast %swap3A_478 : vector<1x16xf32> to vector<16xf32>
      %swap3A_480 = vector.shape_cast %mul3A_475 : vector<16xf32> to vector<1x16xf32>
      tpu.vector_store %arg9[%swap3A_476, %swap3A_477], %swap3A_480 {strides = array<i32>} : memref<128x128xf32, #tpu.memory_space<vmem>>, vector<1x16xf32>,
    }
    %scan3A_309 = arith.constant 128 : i32
    %add3A_310 = arith.constant 256 : i32
    %add3A_311 = arith.addi %mul3A_2, %add3A_310 : i32
    %dma_start3A_312 = arith.constant 49 : i32
    %dma_start3A_313 = arith.constant 0 : i32
    %dma_start3A_314 = tpu.memref_slice %arg4[%dma_start3A_312, %add3A_311, %dma_start3A_313] : memref<50x16384x128xf32, #tpu.memory_space<hbm>> -> memref<1x128x128xf32, #tpu.memory_space<hbm>>
    %dma_start3A_315 = tpu.memref_squeeze %dma_start3A_314 : memref<1x128x128xf32, #tpu.memory_space<hbm>> -> memref<128x128xf32, #tpu.memory_space<hbm>>
    %dma_start3A_316 = arith.constant 0 : i32
    %dma_start3A_317 = tpu.memref_slice %arg4[%dma_start3A_312, %add3A_311, %dma_start3A_316] : memref<50x16384x128xf32, #tpu.memory_space<hbm>> -> memref<1x128x128xf32, #tpu.memory_space<hbm>>
    %dma_start3A_318 = tpu.memref_squeeze %dma_start3A_317 : memref<1x128x128xf32, #tpu.memory_space<hbm>> -> memref<128x128xf32, #tpu.memory_space<hbm>>
    tpu.enqueue_dma source(%arg9 : memref<128x128xf32, #tpu.memory_space<vmem>>) target(%dma_start3A_318 : memref<128x128xf32, #tpu.memory_space<hbm>>) target_semaphore(%arg19 : memref<!tpu.dma_semaphore, #tpu.memory_space<semaphore_mem>>)
    %dma_wait3A_319 = arith.constant 199 : i32
    %dma_wait3A_320 = arith.constant 0 : i32
    %dma_wait3A_321 = tpu.memref_slice %arg5[%dma_wait3A_319, %dma_wait3A_320] : memref<200x128xi32, #tpu.memory_space<vmem>> -> memref<1x128xi32, #tpu.memory_space<vmem>>
    %dma_wait3A_322 = tpu.memref_squeeze %dma_wait3A_321 : memref<1x128xi32, #tpu.memory_space<vmem>> -> memref<128xi32, #tpu.memory_space<vmem>>
    %dma_wait3A_323 = arith.constant 0 : i32
    %dma_wait3A_324 = arith.constant 0 : i32
    %dma_wait3A_325 = tpu.memref_slice %arg2[%dma_wait3A_323, %dma_wait3A_324] : memref<100000x128xf32, #tpu.memory_space<hbm>> -> memref<100000x128xf32, #tpu.memory_space<hbm>>
    tpu.wait_indirect_dma semaphore(%arg15 : memref<!tpu.dma_semaphore, #tpu.memory_space<semaphore_mem>>) src(%dma_wait3A_325 : memref<100000x128xf32, #tpu.memory_space<hbm>>) dst(%arg10 : memref<128x128xf32, #tpu.memory_space<vmem>>)
    %scan3A_326 = arith.constant 0 : i32
    %scan3A_327 = arith.constant 0 : i32
    %scan3A_328 = arith.constant 128 : i32
    %scan3A_329 = arith.addi %scan3A_327, %scan3A_328 : i32
    %scan3A_330 = arith.constant 1 : i32
    scf.for %scan3A_386 = %scan3A_327 to %scan3A_329 step %scan3A_330  : i32 {
      %get3A = arith.index_cast %scan3A_386 : i32 to index
      %get3A_387 = arith.constant 0 : index
      %get3A_388 = tpu.vector_load %arg10[%get3A, %get3A_387] {strides = array<i32>} : memref<128x128xf32, #tpu.memory_space<vmem>>, vector<1x16xf32>,
      %get3A_389 = vector.shape_cast %get3A_388 : vector<1x16xf32> to vector<16xf32>
      %mul3A_390 = arith.constant 11.3137083 : f32
      %mul3A_391 = vector.broadcast %mul3A_390 : f32 to vector<16xf32>
      %mul3A_392 = arith.mulf %get3A_389, %mul3A_391 : vector<16xf32>
      %swap3A = arith.index_cast %scan3A_386 : i32 to index
      %swap3A_393 = arith.constant 0 : index
      %swap3A_394 = tpu.vector_load %arg10[%swap3A, %swap3A_393] {strides = array<i32>} : memref<128x128xf32, #tpu.memory_space<vmem>>, vector<1x16xf32>,
      %swap3A_395 = vector.shape_cast %swap3A_394 : vector<1x16xf32> to vector<16xf32>
      %swap3A_396 = vector.shape_cast %mul3A_392 : vector<16xf32> to vector<1x16xf32>
      tpu.vector_store %arg10[%swap3A, %swap3A_393], %swap3A_396 {strides = array<i32>} : memref<128x128xf32, #tpu.memory_space<vmem>>, vector<1x16xf32>,
      %get3A_397 = arith.index_cast %scan3A_386 : i32 to index
      %get3A_398 = arith.constant 16 : index
      %get3A_399 = tpu.vector_load %arg10[%get3A_397, %get3A_398] {strides = array<i32>} : memref<128x128xf32, #tpu.memory_space<vmem>>, vector<1x16xf32>,
      %get3A_400 = vector.shape_cast %get3A_399 : vector<1x16xf32> to vector<16xf32>
      %mul3A_401 = arith.constant 11.3137083 : f32
      %mul3A_402 = vector.broadcast %mul3A_401 : f32 to vector<16xf32>
      %mul3A_403 = arith.mulf %get3A_400, %mul3A_402 : vector<16xf32>
      %swap3A_404 = arith.index_cast %scan3A_386 : i32 to index
      %swap3A_405 = arith.constant 16 : index
      %swap3A_406 = tpu.vector_load %arg10[%swap3A_404, %swap3A_405] {strides = array<i32>} : memref<128x128xf32, #tpu.memory_space<vmem>>, vector<1x16xf32>,
      %swap3A_407 = vector.shape_cast %swap3A_406 : vector<1x16xf32> to vector<16xf32>
      %swap3A_408 = vector.shape_cast %mul3A_403 : vector<16xf32> to vector<1x16xf32>
      tpu.vector_store %arg10[%swap3A_404, %swap3A_405], %swap3A_408 {strides = array<i32>} : memref<128x128xf32, #tpu.memory_space<vmem>>, vector<1x16xf32>,
      %get3A_409 = arith.index_cast %scan3A_386 : i32 to index
      %get3A_410 = arith.constant 32 : index
      %get3A_411 = tpu.vector_load %arg10[%get3A_409, %get3A_410] {strides = array<i32>} : memref<128x128xf32, #tpu.memory_space<vmem>>, vector<1x16xf32>,
      %get3A_412 = vector.shape_cast %get3A_411 : vector<1x16xf32> to vector<16xf32>
      %mul3A_413 = arith.constant 11.3137083 : f32
      %mul3A_414 = vector.broadcast %mul3A_413 : f32 to vector<16xf32>
      %mul3A_415 = arith.mulf %get3A_412, %mul3A_414 : vector<16xf32>
      %swap3A_416 = arith.index_cast %scan3A_386 : i32 to index
      %swap3A_417 = arith.constant 32 : index
      %swap3A_418 = tpu.vector_load %arg10[%swap3A_416, %swap3A_417] {strides = array<i32>} : memref<128x128xf32, #tpu.memory_space<vmem>>, vector<1x16xf32>,
      %swap3A_419 = vector.shape_cast %swap3A_418 : vector<1x16xf32> to vector<16xf32>
      %swap3A_420 = vector.shape_cast %mul3A_415 : vector<16xf32> to vector<1x16xf32>
      tpu.vector_store %arg10[%swap3A_416, %swap3A_417], %swap3A_420 {strides = array<i32>} : memref<128x128xf32, #tpu.memory_space<vmem>>, vector<1x16xf32>,
      %get3A_421 = arith.index_cast %scan3A_386 : i32 to index
      %get3A_422 = arith.constant 48 : index
      %get3A_423 = tpu.vector_load %arg10[%get3A_421, %get3A_422] {strides = array<i32>} : memref<128x128xf32, #tpu.memory_space<vmem>>, vector<1x16xf32>,
      %get3A_424 = vector.shape_cast %get3A_423 : vector<1x16xf32> to vector<16xf32>
      %mul3A_425 = arith.constant 11.3137083 : f32
      %mul3A_426 = vector.broadcast %mul3A_425 : f32 to vector<16xf32>
      %mul3A_427 = arith.mulf %get3A_424, %mul3A_426 : vector<16xf32>
      %swap3A_428 = arith.index_cast %scan3A_386 : i32 to index
      %swap3A_429 = arith.constant 48 : index
      %swap3A_430 = tpu.vector_load %arg10[%swap3A_428, %swap3A_429] {strides = array<i32>} : memref<128x128xf32, #tpu.memory_space<vmem>>, vector<1x16xf32>,
      %swap3A_431 = vector.shape_cast %swap3A_430 : vector<1x16xf32> to vector<16xf32>
      %swap3A_432 = vector.shape_cast %mul3A_427 : vector<16xf32> to vector<1x16xf32>
      tpu.vector_store %arg10[%swap3A_428, %swap3A_429], %swap3A_432 {strides = array<i32>} : memref<128x128xf32, #tpu.memory_space<vmem>>, vector<1x16xf32>,
      %get3A_433 = arith.index_cast %scan3A_386 : i32 to index
      %get3A_434 = arith.constant 64 : index
      %get3A_435 = tpu.vector_load %arg10[%get3A_433, %get3A_434] {strides = array<i32>} : memref<128x128xf32, #tpu.memory_space<vmem>>, vector<1x16xf32>,
      %get3A_436 = vector.shape_cast %get3A_435 : vector<1x16xf32> to vector<16xf32>
      %mul3A_437 = arith.constant 11.3137083 : f32
      %mul3A_438 = vector.broadcast %mul3A_437 : f32 to vector<16xf32>
      %mul3A_439 = arith.mulf %get3A_436, %mul3A_438 : vector<16xf32>
      %swap3A_440 = arith.index_cast %scan3A_386 : i32 to index
      %swap3A_441 = arith.constant 64 : index
      %swap3A_442 = tpu.vector_load %arg10[%swap3A_440, %swap3A_441] {strides = array<i32>} : memref<128x128xf32, #tpu.memory_space<vmem>>, vector<1x16xf32>,
      %swap3A_443 = vector.shape_cast %swap3A_442 : vector<1x16xf32> to vector<16xf32>
      %swap3A_444 = vector.shape_cast %mul3A_439 : vector<16xf32> to vector<1x16xf32>
      tpu.vector_store %arg10[%swap3A_440, %swap3A_441], %swap3A_444 {strides = array<i32>} : memref<128x128xf32, #tpu.memory_space<vmem>>, vector<1x16xf32>,
      %get3A_445 = arith.index_cast %scan3A_386 : i32 to index
      %get3A_446 = arith.constant 80 : index
      %get3A_447 = tpu.vector_load %arg10[%get3A_445, %get3A_446] {strides = array<i32>} : memref<128x128xf32, #tpu.memory_space<vmem>>, vector<1x16xf32>,
      %get3A_448 = vector.shape_cast %get3A_447 : vector<1x16xf32> to vector<16xf32>
      %mul3A_449 = arith.constant 11.3137083 : f32
      %mul3A_450 = vector.broadcast %mul3A_449 : f32 to vector<16xf32>
      %mul3A_451 = arith.mulf %get3A_448, %mul3A_450 : vector<16xf32>
      %swap3A_452 = arith.index_cast %scan3A_386 : i32 to index
      %swap3A_453 = arith.constant 80 : index
      %swap3A_454 = tpu.vector_load %arg10[%swap3A_452, %swap3A_453] {strides = array<i32>} : memref<128x128xf32, #tpu.memory_space<vmem>>, vector<1x16xf32>,
      %swap3A_455 = vector.shape_cast %swap3A_454 : vector<1x16xf32> to vector<16xf32>
      %swap3A_456 = vector.shape_cast %mul3A_451 : vector<16xf32> to vector<1x16xf32>
      tpu.vector_store %arg10[%swap3A_452, %swap3A_453], %swap3A_456 {strides = array<i32>} : memref<128x128xf32, #tpu.memory_space<vmem>>, vector<1x16xf32>,
      %get3A_457 = arith.index_cast %scan3A_386 : i32 to index
      %get3A_458 = arith.constant 96 : index
      %get3A_459 = tpu.vector_load %arg10[%get3A_457, %get3A_458] {strides = array<i32>} : memref<128x128xf32, #tpu.memory_space<vmem>>, vector<1x16xf32>,
      %get3A_460 = vector.shape_cast %get3A_459 : vector<1x16xf32> to vector<16xf32>
      %mul3A_461 = arith.constant 11.3137083 : f32
      %mul3A_462 = vector.broadcast %mul3A_461 : f32 to vector<16xf32>
      %mul3A_463 = arith.mulf %get3A_460, %mul3A_462 : vector<16xf32>
      %swap3A_464 = arith.index_cast %scan3A_386 : i32 to index
      %swap3A_465 = arith.constant 96 : index
      %swap3A_466 = tpu.vector_load %arg10[%swap3A_464, %swap3A_465] {strides = array<i32>} : memref<128x128xf32, #tpu.memory_space<vmem>>, vector<1x16xf32>,
      %swap3A_467 = vector.shape_cast %swap3A_466 : vector<1x16xf32> to vector<16xf32>
      %swap3A_468 = vector.shape_cast %mul3A_463 : vector<16xf32> to vector<1x16xf32>
      tpu.vector_store %arg10[%swap3A_464, %swap3A_465], %swap3A_468 {strides = array<i32>} : memref<128x128xf32, #tpu.memory_space<vmem>>, vector<1x16xf32>,
      %get3A_469 = arith.index_cast %scan3A_386 : i32 to index
      %get3A_470 = arith.constant 112 : index
      %get3A_471 = tpu.vector_load %arg10[%get3A_469, %get3A_470] {strides = array<i32>} : memref<128x128xf32, #tpu.memory_space<vmem>>, vector<1x16xf32>,
      %get3A_472 = vector.shape_cast %get3A_471 : vector<1x16xf32> to vector<16xf32>
      %mul3A_473 = arith.constant 11.3137083 : f32
      %mul3A_474 = vector.broadcast %mul3A_473 : f32 to vector<16xf32>
      %mul3A_475 = arith.mulf %get3A_472, %mul3A_474 : vector<16xf32>
      %swap3A_476 = arith.index_cast %scan3A_386 : i32 to index
      %swap3A_477 = arith.constant 112 : index
      %swap3A_478 = tpu.vector_load %arg10[%swap3A_476, %swap3A_477] {strides = array<i32>} : memref<128x128xf32, #tpu.memory_space<vmem>>, vector<1x16xf32>,
      %swap3A_479 = vector.shape_cast %swap3A_478 : vector<1x16xf32> to vector<16xf32>
      %swap3A_480 = vector.shape_cast %mul3A_475 : vector<16xf32> to vector<1x16xf32>
      tpu.vector_store %arg10[%swap3A_476, %swap3A_477], %swap3A_480 {strides = array<i32>} : memref<128x128xf32, #tpu.memory_space<vmem>>, vector<1x16xf32>,
    }
    %scan3A_331 = arith.constant 128 : i32
    %add3A_332 = arith.constant 384 : i32
    %add3A_333 = arith.addi %mul3A_2, %add3A_332 : i32
    %dma_start3A_334 = arith.constant 49 : i32
    %dma_start3A_335 = arith.constant 0 : i32
    %dma_start3A_336 = tpu.memref_slice %arg4[%dma_start3A_334, %add3A_333, %dma_start3A_335] : memref<50x16384x128xf32, #tpu.memory_space<hbm>> -> memref<1x128x128xf32, #tpu.memory_space<hbm>>
    %dma_start3A_337 = tpu.memref_squeeze %dma_start3A_336 : memref<1x128x128xf32, #tpu.memory_space<hbm>> -> memref<128x128xf32, #tpu.memory_space<hbm>>
    %dma_start3A_338 = arith.constant 0 : i32
    %dma_start3A_339 = tpu.memref_slice %arg4[%dma_start3A_334, %add3A_333, %dma_start3A_338] : memref<50x16384x128xf32, #tpu.memory_space<hbm>> -> memref<1x128x128xf32, #tpu.memory_space<hbm>>
    %dma_start3A_340 = tpu.memref_squeeze %dma_start3A_339 : memref<1x128x128xf32, #tpu.memory_space<hbm>> -> memref<128x128xf32, #tpu.memory_space<hbm>>
    tpu.enqueue_dma source(%arg10 : memref<128x128xf32, #tpu.memory_space<vmem>>) target(%dma_start3A_340 : memref<128x128xf32, #tpu.memory_space<hbm>>) target_semaphore(%arg20 : memref<!tpu.dma_semaphore, #tpu.memory_space<semaphore_mem>>)
    %add3A_341 = arith.constant 384 : i32
    %add3A_342 = arith.addi %mul3A_2, %add3A_341 : i32
    %dma_wait3A_343 = arith.constant 48 : i32
    %dma_wait3A_344 = arith.constant 0 : i32
    %dma_wait3A_345 = tpu.memref_slice %arg4[%dma_wait3A_343, %add3A_342, %dma_wait3A_344] : memref<50x16384x128xf32, #tpu.memory_space<hbm>> -> memref<1x128x128xf32, #tpu.memory_space<hbm>>
    %dma_wait3A_346 = tpu.memref_squeeze %dma_wait3A_345 : memref<1x128x128xf32, #tpu.memory_space<hbm>> -> memref<128x128xf32, #tpu.memory_space<hbm>>
    %dma_wait3A_347 = arith.constant 0 : i32
    %dma_wait3A_348 = tpu.memref_slice %arg4[%dma_wait3A_343, %add3A_342, %dma_wait3A_347] : memref<50x16384x128xf32, #tpu.memory_space<hbm>> -> memref<1x128x128xf32, #tpu.memory_space<hbm>>
    %dma_wait3A_349 = tpu.memref_squeeze %dma_wait3A_348 : memref<1x128x128xf32, #tpu.memory_space<hbm>> -> memref<128x128xf32, #tpu.memory_space<hbm>>
    tpu.wait_dma2 semaphore(%arg16 : memref<!tpu.dma_semaphore, #tpu.memory_space<semaphore_mem>>) src(%arg6 : memref<128x128xf32, #tpu.memory_space<vmem>>) dst(%dma_wait3A_349 : memref<128x128xf32, #tpu.memory_space<hbm>>)
    %add3A_350 = arith.constant 0 : i32
    %add3A_351 = arith.addi %mul3A_2, %add3A_350 : i32
    %dma_wait3A_352 = arith.constant 49 : i32
    %dma_wait3A_353 = arith.constant 0 : i32
    %dma_wait3A_354 = tpu.memref_slice %arg4[%dma_wait3A_352, %add3A_351, %dma_wait3A_353] : memref<50x16384x128xf32, #tpu.memory_space<hbm>> -> memref<1x128x128xf32, #tpu.memory_space<hbm>>
    %dma_wait3A_355 = tpu.memref_squeeze %dma_wait3A_354 : memref<1x128x128xf32, #tpu.memory_space<hbm>> -> memref<128x128xf32, #tpu.memory_space<hbm>>
    %dma_wait3A_356 = arith.constant 0 : i32
    %dma_wait3A_357 = tpu.memref_slice %arg4[%dma_wait3A_352, %add3A_351, %dma_wait3A_356] : memref<50x16384x128xf32, #tpu.memory_space<hbm>> -> memref<1x128x128xf32, #tpu.memory_space<hbm>>
    %dma_wait3A_358 = tpu.memref_squeeze %dma_wait3A_357 : memref<1x128x128xf32, #tpu.memory_space<hbm>> -> memref<128x128xf32, #tpu.memory_space<hbm>>
    tpu.wait_dma2 semaphore(%arg17 : memref<!tpu.dma_semaphore, #tpu.memory_space<semaphore_mem>>) src(%arg7 : memref<128x128xf32, #tpu.memory_space<vmem>>) dst(%dma_wait3A_358 : memref<128x128xf32, #tpu.memory_space<hbm>>)
    %add3A_359 = arith.constant 128 : i32
    %add3A_360 = arith.addi %mul3A_2, %add3A_359 : i32
    %dma_wait3A_361 = arith.constant 49 : i32
    %dma_wait3A_362 = arith.constant 0 : i32
    %dma_wait3A_363 = tpu.memref_slice %arg4[%dma_wait3A_361, %add3A_360, %dma_wait3A_362] : memref<50x16384x128xf32, #tpu.memory_space<hbm>> -> memref<1x128x128xf32, #tpu.memory_space<hbm>>
    %dma_wait3A_364 = tpu.memref_squeeze %dma_wait3A_363 : memref<1x128x128xf32, #tpu.memory_space<hbm>> -> memref<128x128xf32, #tpu.memory_space<hbm>>
    %dma_wait3A_365 = arith.constant 0 : i32
    %dma_wait3A_366 = tpu.memref_slice %arg4[%dma_wait3A_361, %add3A_360, %dma_wait3A_365] : memref<50x16384x128xf32, #tpu.memory_space<hbm>> -> memref<1x128x128xf32, #tpu.memory_space<hbm>>
    %dma_wait3A_367 = tpu.memref_squeeze %dma_wait3A_366 : memref<1x128x128xf32, #tpu.memory_space<hbm>> -> memref<128x128xf32, #tpu.memory_space<hbm>>
    tpu.wait_dma2 semaphore(%arg18 : memref<!tpu.dma_semaphore, #tpu.memory_space<semaphore_mem>>) src(%arg8 : memref<128x128xf32, #tpu.memory_space<vmem>>) dst(%dma_wait3A_367 : memref<128x128xf32, #tpu.memory_space<hbm>>)
    %add3A_368 = arith.constant 256 : i32
    %add3A_369 = arith.addi %mul3A_2, %add3A_368 : i32
    %dma_wait3A_370 = arith.constant 49 : i32
    %dma_wait3A_371 = arith.constant 0 : i32
    %dma_wait3A_372 = tpu.memref_slice %arg4[%dma_wait3A_370, %add3A_369, %dma_wait3A_371] : memref<50x16384x128xf32, #tpu.memory_space<hbm>> -> memref<1x128x128xf32, #tpu.memory_space<hbm>>
    %dma_wait3A_373 = tpu.memref_squeeze %dma_wait3A_372 : memref<1x128x128xf32, #tpu.memory_space<hbm>> -> memref<128x128xf32, #tpu.memory_space<hbm>>
    %dma_wait3A_374 = arith.constant 0 : i32
    %dma_wait3A_375 = tpu.memref_slice %arg4[%dma_wait3A_370, %add3A_369, %dma_wait3A_374] : memref<50x16384x128xf32, #tpu.memory_space<hbm>> -> memref<1x128x128xf32, #tpu.memory_space<hbm>>
    %dma_wait3A_376 = tpu.memref_squeeze %dma_wait3A_375 : memref<1x128x128xf32, #tpu.memory_space<hbm>> -> memref<128x128xf32, #tpu.memory_space<hbm>>
    tpu.wait_dma2 semaphore(%arg19 : memref<!tpu.dma_semaphore, #tpu.memory_space<semaphore_mem>>) src(%arg9 : memref<128x128xf32, #tpu.memory_space<vmem>>) dst(%dma_wait3A_376 : memref<128x128xf32, #tpu.memory_space<hbm>>)
    %add3A_377 = arith.constant 384 : i32
    %add3A_378 = arith.addi %mul3A_2, %add3A_377 : i32
    %dma_wait3A_379 = arith.constant 49 : i32
    %dma_wait3A_380 = arith.constant 0 : i32
    %dma_wait3A_381 = tpu.memref_slice %arg4[%dma_wait3A_379, %add3A_378, %dma_wait3A_380] : memref<50x16384x128xf32, #tpu.memory_space<hbm>> -> memref<1x128x128xf32, #tpu.memory_space<hbm>>
    %dma_wait3A_382 = tpu.memref_squeeze %dma_wait3A_381 : memref<1x128x128xf32, #tpu.memory_space<hbm>> -> memref<128x128xf32, #tpu.memory_space<hbm>>
    %dma_wait3A_383 = arith.constant 0 : i32
    %dma_wait3A_384 = tpu.memref_slice %arg4[%dma_wait3A_379, %add3A_378, %dma_wait3A_383] : memref<50x16384x128xf32, #tpu.memory_space<hbm>> -> memref<1x128x128xf32, #tpu.memory_space<hbm>>
    %dma_wait3A_385 = tpu.memref_squeeze %dma_wait3A_384 : memref<1x128x128xf32, #tpu.memory_space<hbm>> -> memref<128x128xf32, #tpu.memory_space<hbm>>
    tpu.wait_dma2 semaphore(%arg20 : memref<!tpu.dma_semaphore, #tpu.memory_space<semaphore_mem>>) src(%arg10 : memref<128x128xf32, #tpu.memory_space<vmem>>) dst(%dma_wait3A_385 : memref<128x128xf32, #tpu.memory_space<hbm>>)
    return
  }
}

</mosaic_0001>

<sc_bundles>
// kernel: kernel.3.cloned.1.call-start
scs
__scs_entry_jumppad:
0x0: {  	(pc) =	sbr.rel $0x88, $3  }
0x1: {  	(tag) =	ssettag $0x0;
	lr =	simm.s32 $0x1  }
0x2: {  	[smem:$0x3F9F] =	sst lr;
	_ =	strace $0xD0000000  }
0x3: {  	_ = 	snop  }
0x4: {  	_ = 	snop  }
0x5: {  	_ = 	snop  }
0x6: {  	_ = 	snop  }
0x7: {  	_ = 	snop  }
__scs_overlays_trampoline_lowered:
0x8: {  	[smem:$0x3FAE] =	sst s0  }
0x9: {  	[smem:$0x3FAF] =	sst s1  }
0xa: {  	[smem:$0x3FB0] =	sst s2  }
0xb: {  	[smem:$0x3FB1] =	sst s3  }
0xc: {  	[smem:$0x3FB2] =	sst s4  }
0xd: {  	[smem:$0x3FB3] =	sst s5  }
0xe: {  	[smem:$0x3FB4] =	sst s6  }
0xf: {  	[smem:$0x3FB5] =	sst s7  }
0x10: {  	[smem:$0x3FB6] =	sst s8  }
0x11: {  	[smem:$0x3FB7] =	sst s9;
	s0 =	simm.s32 @!p0 $0x0  }
0x12: {  	s1 =	sld [smem:$0x3F9D];
	s0 =	simm.s32 @p0 $0x1  }
0x13: {  	[smem:$0x3FB8] =	sst s0;
	s0 =	simm.s32 @!p1 $0x0  }
0x14: {  	s2 =	sld [smem:$0x3F9C];
	s0 =	simm.s32 @p1 $0x1  }
0x15: {  	[smem:$0x3FB9] =	sst s0;
	s0 =	simm.s32 @!p2 $0x0  }
0x16: {  	s3 =	sld [smem:$0x3FDB];
	s0 =	simm.s32 @p2 $0x1  }
0x17: {  	s4 =	simm.s32 $0x1BF5;
	[smem:$0x3FBB] =	sst s0  }
0x18: {  	s0 =	sld [smem:$0x3F9E];
	_ =	swait.ge [sflag:s4], $0x0  }
0x19: {  	s7 =	sld [smem:$0x3F9F]  }
0x1a: {  	s8 =	sadd.s32 $0xFFFFE003, lr  }
0x1b: {  	s9 =	sadd.s32 $0xFFFFFEF7, lr;
	s5 =	simm.s32 $0xFFFFFFFF;
	p2 =	slt.u32 s8, $0xFFFFF086  }
0x1c: {  	p1 =	slt.u32 s9, $0xF7A;
	s5 =	simm.s32 @!p2 $0x0  }
0x1d: {  	s5 =	simm.s32 @p1 $0x1;
	p0 =	seq.s32 s7, s2  }
0x1e: {  	s7 =	smul.u32 @!p0 $0xF7A, s2;
	p2 =	seq.s32 @!p0 s5, $0x0  }
0x1f: {  	s9 =	smul.u32 $0xF7A, s1;
	s8 =	simm.s32 @!p0 $0x1BF5;
	p2 =	por !p2, p0  }
0x20: {  	[sflag:s8] =	ssyncset.s32 @!p0 $0xFFFFF086;
	s6 =	sadd.s32 @!p0 s3, s7;
	s7 =	simm.s32 @!p0 $0x108  }
0x21: {  	s3 =	sadd.s32 s3, s9;
	s6 =	sadd.s32 @!p0 $0x88, s6;
	s7 =	simm.s32 @p2 $0x1082  }
0x22: {  	[simem:s7], [sflag:s8] =	dma.local @!p0 [hbm:s6], $0xF7A  }
0x23: {  	s9 =	sor.u32 $0xD0000000, s2;
	s6 =	simm.s32 $0x108;
	_ =	swait.ge @!p0 [sflag:s8], $0x0  }
0x24: {  	s3 =	sadd.s32 $0x88, s3;
	s6 =	simm.s32 @!p1 $0x1082;
	[sflag:s4] =	ssyncset.s32 $0xFFFFF086  }
0x25: {  	[simem:s6], [sflag:s4] =	dma.local [hbm:s3], $0xF7A  }
0x26: {  	[smem:$0x3F9F] =	sst s1;
	(tag) =	ssettag s2;
	_ =	strace s9  }
0x27: {  	s1 =	sld [smem:$0x3FAF]  }
0x28: {  	s2 =	sld [smem:$0x3FB0]  }
0x29: {  	s4 =	sld [smem:$0x3FB2]  }
0x2a: {  	p0 =	seq.s32 s5, $0x0;
	s5 =	sld [smem:$0x3FB3]  }
0x2b: {  	s6 =	sld [smem:$0x3FB4]  }
0x2c: {  	s7 =	sld [smem:$0x3FB5]  }
0x2d: {  	s3 =	simm.s32 $0x108;
	s8 =	sld [smem:$0x3FB6]  }
0x2e: {  	s3 =	simm.s32 @!p0 $0x1082;
	s9 =	sld [smem:$0x3FB7]  }
0x2f: {  	lr =	sadd.s32 s0, s3;
	s0 =	sld [smem:$0x3FAE]  }
0x30: {  	s3 =	sld [smem:$0x3FB1]  }
0x31: {  	[smem:$0x3FBA] =	sst s10  }
0x32: {  	s10 =	sld [smem:$0x3FB8];
	_ =	sdelay $0x3  }
0x33: {  	p0 =	seq.s32 s10, $0x1;
	s10 =	sld [smem:$0x3FBA];
	_ =	sdelay $0x3  }
0x34: {  	[smem:$0x3FBA] =	sst s10  }
0x35: {  	s10 =	sld [smem:$0x3FB9];
	_ =	sdelay $0x3  }
0x36: {  	p1 =	seq.s32 s10, $0x1;
	s10 =	sld [smem:$0x3FBA];
	_ =	sdelay $0x3  }
0x37: {  	[smem:$0x3FBA] =	sst s10  }
0x38: {  	s10 =	sld [smem:$0x3FBB]  }
0x39: {  	_ = 	snop;
	(pc) =	sbr.ind lr, $3  }
0x3a: {  	_ = 	snop  }
0x3b: {  	_ = 	snop  }
0x3c: {  	p2 =	seq.s32 s10, $0x1;
	s10 =	sld [smem:$0x3FBA]  }
0x3d: {  	_ =	shalt  }
0x3e: {  	_ =	shalt  }
0x3f: {  	_ =	shalt  }
0x40: {  	_ =	shalt  }
0x41: {  	_ =	shalt  }
0x42: {  	_ =	shalt  }
0x43: {  	_ =	shalt  }
0x44: {  	_ =	shalt  }
0x45: {  	_ =	shalt  }
0x46: {  	_ =	shalt  }
0x47: {  	_ =	shalt  }
0x48: {  	_ =	shalt  }
0x49: {  	_ =	shalt  }
0x4a: {  	_ =	shalt  }
0x4b: {  	_ =	shalt  }
0x4c: {  	_ =	shalt  }
0x4d: {  	_ =	shalt  }
0x4e: {  	_ =	shalt  }
0x4f: {  	_ =	shalt  }
0x50: {  	_ =	shalt  }
0x51: {  	_ =	shalt  }
0x52: {  	_ =	shalt  }
0x53: {  	_ =	shalt  }
0x54: {  	_ =	shalt  }
0x55: {  	_ =	shalt  }
0x56: {  	_ =	shalt  }
0x57: {  	_ =	shalt  }
0x58: {  	_ =	shalt  }
0x59: {  	_ =	shalt  }
0x5a: {  	_ =	shalt  }
0x5b: {  	_ =	shalt  }
0x5c: {  	_ =	shalt  }
0x5d: {  	_ =	shalt  }
0x5e: {  	_ =	shalt  }
0x5f: {  	_ =	shalt  }
0x60: {  	_ =	shalt  }
0x61: {  	_ =	shalt  }
0x62: {  	_ =	shalt  }
0x63: {  	_ =	shalt  }
0x64: {  	_ =	shalt  }
0x65: {  	_ =	shalt  }
0x66: {  	_ =	shalt  }
0x67: {  	_ =	shalt  }
0x68: {  	_ =	shalt  }
0x69: {  	_ =	shalt  }
0x6a: {  	_ =	shalt  }
0x6b: {  	_ =	shalt  }
0x6c: {  	_ =	shalt  }
0x6d: {  	_ =	shalt  }
0x6e: {  	_ =	shalt  }
0x6f: {  	_ =	shalt  }
0x70: {  	_ =	shalt  }
0x71: {  	_ =	shalt  }
0x72: {  	_ =	shalt  }
0x73: {  	_ =	shalt  }
0x74: {  	_ =	shalt  }
0x75: {  	_ =	shalt  }
0x76: {  	_ =	shalt  }
0x77: {  	_ =	shalt  }
0x78: {  	_ =	shalt  }
0x79: {  	_ =	shalt  }
0x7a: {  	_ =	shalt  }
0x7b: {  	_ =	shalt  }
0x7c: {  	_ =	shalt  }
0x7d: {  	_ =	shalt  }
0x7e: {  	_ =	shalt  }
0x7f: {  	_ =	shalt  }
0x80: {  	_ =	shalt  }
0x81: {  	_ =	shalt  }
0x82: {  	_ =	shalt  }
0x83: {  	_ =	shalt  }
0x84: {  	_ =	shalt  }
0x85: {  	_ =	shalt  }
0x86: {  	_ =	shalt  }
0x87: {  	_ =	shalt  }
.Lfunc_end0:
.L_simem_size_0:
called_computation_lowered:
.L_overlay_start_0:
0x88: {  	s2 =	sld [smem:$0x3FD9]  }
0x89: {  	s3 =	sld [smem:$0x3FFE];
	_ =	sdelay $0x1  }
0x8a: {  	s1 =	srdreg.scid  }
0x8b: {  	s0 =	sand.u32 $0x1, s1  }
0x8c: {  	s17 =	sshll.u32 s0, $0xA;
	s2 =	sadd.s32 s3, s2  }
0x8d: {  	s2 =	sadd.s32 s2, s17  }
0x8e: {  	[smem:$0x3FC6] =	sst s2  }
0x8f: {  	_ = 	snop  }
0x90: {  	s2 =	sld [smem:$0x3FC8]  }
0x91: {  	s18 =	sld [smem:$0x3FD0];
	(tm) =	ssettm $0x1  }
0x92: {  	s4 =	sld [smem:$0x3FFB];
	_ =	sdelay $0x3  }
0x93: {  	_ =	strace s4  }
0x94: {  	s4 =	sld [smem:$0x3FFC];
	_ =	sdelay $0x3  }
0x95: {  	_ =	strace s4  }
0x96: {  	s4 =	sld [smem:$0x3FFD];
	_ =	sdelay $0x3  }
0x97: {  	_ =	strace s4  }
0x98: {  	_ =	strace $0x8FFFFFFF  }
0x99: {  	s19 =	sld [smem:$0x3FDB];
	_ =	sdelay $0x1  }
0x9a: {  	s5 =	simm.s32 $_scs_section_size  }
0x9b: {  	s6 =	simm.s32 $_size__tile_overlayer_lowered;
	s7 =	simm.s32 $_tile_overlayer_lowered  }
0x9c: {  	s22 =	simm.s32 $0x1BFF;
	s21 =	sshll.u32 s7, $0x1;
	s4 =	sadd.s32 s5, s19  }
0x9d: {  	s8 =	simm.s32 $0x0;
	s20 =	sshll.u32 s6, $0x1;
	s6 =	sadd.s32 s21, s4  }
0x9e: {  	[timem:s8], [sflag:s22] =	dma.local [hbm:s6], s20  }
0x9f: {  	_ =	swait.ge [sflag:s22], s20  }
0xa0: {  	s5 =	ssub.s32 $0x0, s20;
	[sflag:s22] =	ssyncset.done $0x0  }
0xa1: {  	[sflag:s22] =	ssyncadd.s32 s5;
	_ =	sdelay $0x1  }
0xa2: {  	s23 =	simm.s32 $0x1B8B  }
0xa3: {  	_ =	swait.ge [sflag:s23], $0x1  }
0xa4: {  	[sflag:s23] =	ssyncset.done $0x0  }
0xa5: {  	s25 =	simm.s32 $0x1B8E;
	s24 =	sld [smem:$0x3FFE];
	[sflag:s23] =	ssyncadd.s32 $0xFFFFFFFF  }
0xa6: {  	s26 =	simm.s32 $execute0_lowered;
	[smem:$0x3FD2] =	sst s25  }
0xa7: {  	s6 =	sshll.u32 s26, $0x1;
	_ =	strace $0x80000046;
	[dreg:$0x1] =	wrdreg $0xFFFFFFFF  }
0xa8: {  	s28 =	simm.s32 $_size_execute0_lowered;
	s4 =	sadd.s32 s4, s6;
	[dreg:$0x0] =	wrdreg $0x0  }
0xa9: {  	s6 =	sshll.u32 s28, $0x1;
	[dreg:$0x2] =	wrdreg s4  }
0xaa: {  	[dreg:$0x3] =	wrdreg s6  }
0xab: {  	[dreg:$0x4] =	wrdreg $0xC0  }
0xac: {  	_ =	task [dreg:s8], $0x5FFFF  }
0xad: {  	[dreg:$0x1] =	wrdreg $0xFFFFFFFF  }
0xae: {  	[dreg:$0x0] =	wrdreg $0x60  }
0xaf: {  	[dreg:$0x2] =	wrdreg s2  }
0xb0: {  	[dreg:$0x3] =	wrdreg s24  }
0xb1: {  	[dreg:$0x4] =	wrdreg s18  }
0xb2: {  	[dreg:$0x5] =	wrdreg $0x9  }
0xb3: {  	_ =	task.clear_ibuf [dreg:s8], $0x6FFFF;
	_ =	strace $0x90000046  }
0xb4: {  	s29 =	simm.s32 $0x9;
	_ =	strace $0x80000048  }
0xb5: {  	_ =	swait.ge [sflag:s29], $0x1  }
0xb6: {  	[sflag:s29] =	ssyncadd.s32 $0xFFFFFFFF  }
0xb7: {  	_ =	strace $0x90000048  }
0xb8: {  	_ =	sfence  }
0xb9: {  	s30 =	sld [smem:$0x0];
	_ =	sdelay $0x2  }
0xba: {  	s31 =	sshll.u32 s1, $0xD;
	s1 =	sshrl.u32 s1, $0x2  }
0xbb: {  	s3 =	sand.u32 $0x4000, s31;
	s1 =	sadd.s32 s1, s30  }
0xbc: {  	s0 =	sor.u32 s3, s0;
	s1 =	sshll.u32 s1, $0x11  }
0xbd: {  	s0 =	sor.u32 s1, s0  }
0xbe: {  	s0 =	sadd.s32 $0x8F2B, s0  }
0xbf: {  	[sflag:s0] =	ssyncadd.remote.s32 $0x1  }
0xc0: {  	_ =	sfence.sel $0xFFFF  }
0xc1: {  	[dreg:$0x0] =	wrdreg $0xFFFFFFFF;
	(pc) =	sbr.abs _section_cstart, $3  }
0xc2: {  	[dreg:$0x1] =	wrdreg $0xFFFFFFFF  }
0xc3: {  	_ =	task.clear_ibuf [dreg:s8], $0x2FFFF;
	_ =	strace $0x9FFFFFFF  }
0xc4: {  	(tm) =	ssettm $0x7FFFFFFF  }
0xc5: {  	_ =	shalt  }
tec
execute0_lowered:
.L_overlay_start_1:
0x0: {  	(tag) =	ssettag $0x1  }
0x1: {  	s1 =	rddreg [dreg:$0x0]  }
0x2: {  	s0 =	rddreg [dreg:$0x1];
	s2 =	srdreg.scid  }
0x3: {  	s4 =	stileid.u32;
	s3 =	rddreg [dreg:$0x2]  }
0x4: {  	s29 =	simm.s32 $0x16400;
	s2 =	sand.u32 $0x1, s2;
	s5 =	sshll.u32 s4, $0x1  }
0x5: {  	s30 =	simm.s32 $0x2;
	s5 =	sor.u32 s2, s5;
	s2 =	ssub.s32 $0x2, s2  }
0x6: {  	s31 =	simm.s32 $0x6;
	s7 =	sshrl.u32 s2, $0x1;
	s16 =	sshll.u32 s5, $0xD  }
0x7: {  	s4 =	simm.s32 $0x0;
	s2 =	ssub.s32 s2, s7;
	s7 =	sadd.s32 s3, s16  }
0x8: {  	s28 =	simm.s32 $0x4;
	[smem:$0x7FF] =	sst s4;
	s17 =	sadd.s32 $0x800, s7  }
0x9: {  	_ =	strace $0x80000047;
	s18 =	sadd.s32 $0x1000, s7;
	[dreg:$0x5] =	wrdreg s17  }
0xa: {  	s8 =	simm.s32 $0xA;
	s19 =	sadd.s32 $0x40000, s7;
	[dreg:$0x6] =	wrdreg s18  }
0xb: {  	s9 =	simm.s32 $0x0;
	s20 =	sadd.s32 $0x1800, s7;
	[dreg:$0x7] =	wrdreg s19  }
0xc: {  	s6 =	smul.u32 $0xC80, s5;
	s21 =	sadd.s32 $0xC01800, s7;
	[dreg:$0x8] =	wrdreg s20  }
0xd: {  	s5 =	sshll.u32 s5, $0x9;
	s22 =	sadd.s32 $0xC40800, s7;
	[dreg:$0x9] =	wrdreg s21  }
0xe: {  	s0 =	sadd.s32 s6, s0;
	s23 =	sadd.s32 $0xC40000, s7;
	[dreg:$0xa] =	wrdreg s22  }
0xf: {  	s24 =	sadd.s32 $0xC41000, s7;
	s25 =	sadd.s32 $0xC41800, s7;
	[dreg:$0xb] =	wrdreg s23  }
0x10: {  	s26 =	smax.u32 s2, $0x1;
	s2 =	simm.s32 $0x8;
	[dreg:$0xc] =	wrdreg s24  }
0x11: {  	s6 =	simm.s32 $0x9;
	s0 =	sadd.s32 $0x400, s0;
	[dreg:$0xd] =	wrdreg s25  }
0x12: {  	[dreg:$0xe] =	wrdreg s26;
	s18 =	simm.s32 $0xB;
	s19 =	simm.s32 $0x80  }
0x13: {  	s20 =	simm.s32 $0x6400;
	s21 =	simm.s32 $0xA400;
	s23 =	simm.s32 $0xE400  }
0x14: {  	s25 =	simm.s32 $0x12400;
	s26 =	simm.s32 $0x1;
	s22 =	simm.s32 $0x7  }
0x15: {  	s24 =	simm.s32 $0x5;
	[dreg:$0x4] =	wrdreg s0;
	s0 =	simm.s32 $0x3  }
.LBB2_1:
0x16: {  	s10 =	rddreg [dreg:$0x4]  }
0x17: {  	[tilespmem:s4], [sflag:$0xB] =	stream.linear.gather [hbm4b:s10+s4], $0x6400, $0x38;
	[tilespmem:$0x1A400] =	vst v63  }
0x18: {  	_ =	swait.ge [sflag:s18], $0x6400  }
0x19: {  	[sflag:s18] =	ssyncset.done $0x0  }
0x1a: {  	[sflag:s18] =	ssyncadd.s32 $0xFFFF9C00  }
0x1b: {  	[tilespmem:s20], [sflag:$0x1] =	stream.indirect.gather [hbm4b:s1+s19], $0x80, s4, s19, $0xb8;
	[tilespmem:$0x1A400] =	vst v63  }
0x1c: {  	_ = 	snop  }
0x1d: {  	[tilespmem:s21], [sflag:$0x2] =	stream.indirect.gather [hbm4b:s1+s19], $0x80, s19, s19, $0xb8;
	[tilespmem:$0x1A400] =	vst v63  }
0x1e: {  	s16 =	simm.s32 $0x100  }
0x1f: {  	[tilespmem:s23], [sflag:$0x3] =	stream.indirect.gather [hbm4b:s1+s19], $0x80, s16, s19, $0xb8;
	[tilespmem:$0x1A400] =	vst v63  }
0x20: {  	s17 =	simm.s32 $0x180  }
0x21: {  	[tilespmem:s25], [sflag:$0x4] =	stream.indirect.gather [hbm4b:s1+s19], $0x80, s17, s19, $0xb8;
	[tilespmem:$0x1A400] =	vst v63  }
0x22: {  	_ =	swait.ge [sflag:s26], $0x4000  }
0x23: {  	[sflag:s26] =	ssyncset.done $0x0  }
0x24: {  	s10 =	simm.s32 $0x0;
	[sflag:s26] =	ssyncadd.s32 $0xFFFFC000  }
0x25: {  	v3 =	vld [tilespmem:s10+$0x6400]  }
0x26: {  	v5 =	vld [tilespmem:s10+$0x6410]  }
0x27: {  	v4 =	vld [tilespmem:s10+$0x6420]  }
0x28: {  	v2 =	vld [tilespmem:s10+$0x6430]  }
0x29: {  	v0 =	vld [tilespmem:s10+$0x6440]  }
0x2a: {  	v1 =	vld [tilespmem:s10+$0x6450];
	v6 =	vmul.f32 $1.131370830e+01, v3  }
0x2b: {  	s11 =	simm.s32 $0x200;
	v5 =	vmul.f32 $1.131370830e+01, v5;
	v3 =	vld [tilespmem:s10+$0x6460]  }
.LBB2_2:
0x2c: {  	s12 =	sshra.s32 s11, $0x2;
	p0 =	sne.s32 s11, $0xFE00;
	[tilespmem:s10+$0x6400] =	vst v6;
	v4 =	vmul.f32 $1.131370830e+01, v4;
	v6 =	vld [tilespmem:s10+$0x6470]  }
0x2d: {  	v7 =	vld [tilespmem:s12+$0x6400];
	[tilespmem:s10+$0x6410] =	vst v5;
	v2 =	vmul.f32 $1.131370830e+01, v2  }
0x2e: {  	v5 =	vld [tilespmem:s12+$0x6410];
	[tilespmem:s10+$0x6420] =	vst v4;
	v0 =	vmul.f32 $1.131370830e+01, v0  }
.Ltmp0:
0x2f: {  	v4 =	vld [tilespmem:s12+$0x6420];
	[tilespmem:s10+$0x6430] =	vst v2;
	v1 =	vmul.f32 $1.131370830e+01, v1;
	(pc) =	sbr.rel @p0 .LBB2_2-.Ltmp0, $4  }
0x30: {  	v2 =	vld [tilespmem:s12+$0x6430];
	[tilespmem:s10+$0x6440] =	vst v0;
	v3 =	vmul.f32 $1.131370830e+01, v3  }
0x31: {  	v0 =	vld [tilespmem:s12+$0x6440];
	[tilespmem:s10+$0x6450] =	vst v1;
	v8 =	vmul.f32 $1.131370830e+01, v6  }
0x32: {  	v6 =	vmul.f32 $1.131370830e+01, v7;
	v1 =	vld [tilespmem:s12+$0x6450];
	[tilespmem:s10+$0x6460] =	vst v3  }
0x33: {  	s11 =	sadd.s32 $0x200, s11;
	v5 =	vmul.f32 $1.131370830e+01, v5;
	v3 =	vld [tilespmem:s12+$0x6460];
	[tilespmem:s10+$0x6470] =	vst v8;
	s10 =	smov.u32 s12  }
0x34: {  	[tilespmem:s10+$0x6400] =	vst v6;
	v4 =	vmul.f32 $1.131370830e+01, v4;
	v6 =	vld [tilespmem:s10+$0x6470]  }
0x35: {  	[tilespmem:s10+$0x6410] =	vst v5;
	v2 =	vmul.f32 $1.131370830e+01, v2  }
0x36: {  	[tilespmem:s10+$0x6420] =	vst v4;
	v0 =	vmul.f32 $1.131370830e+01, v0  }
0x37: {  	[tilespmem:s10+$0x6430] =	vst v2;
	v1 =	vmul.f32 $1.131370830e+01, v1  }
0x38: {  	[tilespmem:s10+$0x6440] =	vst v0;
	v0 =	vmul.f32 $1.131370830e+01, v3  }
0x39: {  	[tilespmem:s10+$0x6450] =	vst v1;
	v1 =	vmul.f32 $1.131370830e+01, v6  }
0x3a: {  	[tilespmem:s10+$0x6460] =	vst v0  }
0x3b: {  	s16 =	simm.s32 $0x0;
	[tilespmem:s10+$0x6470] =	vst v1  }
0x3c: {  	[hbm4b:s7+s16] =	stream.linear.scatter [tilespmem:s20], [sflag:$0x6], $0x4000, $0x38;
	[tilespmem:$0x1A400] =	vst v63  }
0x3d: {  	s17 =	simm.s32 $0x200  }
0x3e: {  	[tilespmem:s29], [sflag:$0x5] =	stream.indirect.gather [hbm4b:s1+s19], $0x80, s17, s19, $0xb8;
	[tilespmem:$0x1A400] =	vst v63  }
0x3f: {  	_ =	swait.ge [sflag:s30], $0x4000  }
0x40: {  	[sflag:s30] =	ssyncset.done $0x0  }
0x41: {  	s10 =	simm.s32 $0x0;
	[sflag:s30] =	ssyncadd.s32 $0xFFFFC000  }
0x42: {  	v3 =	vld [tilespmem:s10+$0xA400]  }
0x43: {  	v5 =	vld [tilespmem:s10+$0xA410]  }
0x44: {  	v4 =	vld [tilespmem:s10+$0xA420]  }
0x45: {  	v2 =	vld [tilespmem:s10+$0xA430]  }
0x46: {  	v0 =	vld [tilespmem:s10+$0xA440]  }
0x47: {  	v1 =	vld [tilespmem:s10+$0xA450];
	v6 =	vmul.f32 $1.131370830e+01, v3  }
0x48: {  	s11 =	simm.s32 $0x200;
	v5 =	vmul.f32 $1.131370830e+01, v5;
	v3 =	vld [tilespmem:s10+$0xA460]  }
.LBB2_4:
0x49: {  	s12 =	sshra.s32 s11, $0x2;
	p0 =	sne.s32 s11, $0xFE00;
	[tilespmem:s10+$0xA400] =	vst v6;
	v4 =	vmul.f32 $1.131370830e+01, v4;
	v6 =	vld [tilespmem:s10+$0xA470]  }
0x4a: {  	v7 =	vld [tilespmem:s12+$0xA400];
	[tilespmem:s10+$0xA410] =	vst v5;
	v2 =	vmul.f32 $1.131370830e+01, v2  }
0x4b: {  	v5 =	vld [tilespmem:s12+$0xA410];
	[tilespmem:s10+$0xA420] =	vst v4;
	v0 =	vmul.f32 $1.131370830e+01, v0  }
.Ltmp1:
0x4c: {  	v4 =	vld [tilespmem:s12+$0xA420];
	[tilespmem:s10+$0xA430] =	vst v2;
	v1 =	vmul.f32 $1.131370830e+01, v1;
	(pc) =	sbr.rel @p0 .LBB2_4-.Ltmp1, $4  }
0x4d: {  	v2 =	vld [tilespmem:s12+$0xA430];
	[tilespmem:s10+$0xA440] =	vst v0;
	v3 =	vmul.f32 $1.131370830e+01, v3  }
0x4e: {  	v0 =	vld [tilespmem:s12+$0xA440];
	[tilespmem:s10+$0xA450] =	vst v1;
	v8 =	vmul.f32 $1.131370830e+01, v6  }
0x4f: {  	v6 =	vmul.f32 $1.131370830e+01, v7;
	v1 =	vld [tilespmem:s12+$0xA450];
	[tilespmem:s10+$0xA460] =	vst v3  }
0x50: {  	s11 =	sadd.s32 $0x200, s11;
	v5 =	vmul.f32 $1.131370830e+01, v5;
	v3 =	vld [tilespmem:s12+$0xA460];
	[tilespmem:s10+$0xA470] =	vst v8;
	s10 =	smov.u32 s12  }
0x51: {  	[tilespmem:s10+$0xA400] =	vst v6;
	v4 =	vmul.f32 $1.131370830e+01, v4;
	v6 =	vld [tilespmem:s10+$0xA470]  }
0x52: {  	[tilespmem:s10+$0xA410] =	vst v5;
	v2 =	vmul.f32 $1.131370830e+01, v2  }
0x53: {  	[tilespmem:s10+$0xA420] =	vst v4;
	v0 =	vmul.f32 $1.131370830e+01, v0  }
0x54: {  	[tilespmem:s10+$0xA430] =	vst v2;
	v1 =	vmul.f32 $1.131370830e+01, v1  }
0x55: {  	[tilespmem:s10+$0xA440] =	vst v0;
	v0 =	vmul.f32 $1.131370830e+01, v3  }
0x56: {  	[tilespmem:s10+$0xA450] =	vst v1;
	v1 =	vmul.f32 $1.131370830e+01, v6  }
0x57: {  	[tilespmem:s10+$0xA460] =	vst v0  }
0x58: {  	s16 =	simm.s32 $0x0;
	s11 =	rddreg [dreg:$0x5];
	[tilespmem:s10+$0xA470] =	vst v1  }
0x59: {  	[hbm4b:s11+s16] =	stream.linear.scatter [tilespmem:s21], [sflag:$0x7], $0x4000, $0x38;
	[tilespmem:$0x1A400] =	vst v63  }
0x5a: {  	_ =	swait.ge [sflag:s31], $0x4000  }
0x5b: {  	[sflag:s31] =	ssyncset.done $0x0  }
0x5c: {  	s17 =	simm.s32 $0x280;
	[sflag:s31] =	ssyncadd.s32 $0xFFFFC000  }
0x5d: {  	[tilespmem:s20], [sflag:$0x1] =	stream.indirect.gather [hbm4b:s1+s19], $0x80, s17, s19, $0xb8;
	[tilespmem:$0x1A400] =	vst v63  }
0x5e: {  	_ =	swait.ge [sflag:s0], $0x4000  }
0x5f: {  	[sflag:s0] =	ssyncset.done $0x0  }
0x60: {  	s10 =	simm.s32 $0x0;
	[sflag:s0] =	ssyncadd.s32 $0xFFFFC000  }
0x61: {  	v3 =	vld [tilespmem:s10+$0xE400]  }
0x62: {  	v5 =	vld [tilespmem:s10+$0xE410]  }
0x63: {  	v4 =	vld [tilespmem:s10+$0xE420]  }
0x64: {  	v2 =	vld [tilespmem:s10+$0xE430]  }
0x65: {  	v0 =	vld [tilespmem:s10+$0xE440]  }
0x66: {  	v1 =	vld [tilespmem:s10+$0xE450];
	v6 =	vmul.f32 $1.131370830e+01, v3  }
0x67: {  	s11 =	simm.s32 $0x200;
	v5 =	vmul.f32 $1.131370830e+01, v5;
	v3 =	vld [tilespmem:s10+$0xE460]  }
.LBB2_6:
0x68: {  	s12 =	sshra.s32 s11, $0x2;
	p0 =	sne.s32 s11, $0xFE00;
	[tilespmem:s10+$0xE400] =	vst v6;
	v4 =	vmul.f32 $1.131370830e+01, v4;
	v6 =	vld [tilespmem:s10+$0xE470]  }
0x69: {  	v7 =	vld [tilespmem:s12+$0xE400];
	[tilespmem:s10+$0xE410] =	vst v5;
	v2 =	vmul.f32 $1.131370830e+01, v2  }
0x6a: {  	v5 =	vld [tilespmem:s12+$0xE410];
	[tilespmem:s10+$0xE420] =	vst v4;
	v0 =	vmul.f32 $1.131370830e+01, v0  }
.Ltmp2:
0x6b: {  	v4 =	vld [tilespmem:s12+$0xE420];
	[tilespmem:s10+$0xE430] =	vst v2;
	v1 =	vmul.f32 $1.131370830e+01, v1;
	(pc) =	sbr.rel @p0 .LBB2_6-.Ltmp2, $4  }
0x6c: {  	v2 =	vld [tilespmem:s12+$0xE430];
	[tilespmem:s10+$0xE440] =	vst v0;
	v3 =	vmul.f32 $1.131370830e+01, v3  }
0x6d: {  	v0 =	vld [tilespmem:s12+$0xE440];
	[tilespmem:s10+$0xE450] =	vst v1;
	v8 =	vmul.f32 $1.131370830e+01, v6  }
0x6e: {  	v6 =	vmul.f32 $1.131370830e+01, v7;
	v1 =	vld [tilespmem:s12+$0xE450];
	[tilespmem:s10+$0xE460] =	vst v3  }
0x6f: {  	s11 =	sadd.s32 $0x200, s11;
	v5 =	vmul.f32 $1.131370830e+01, v5;
	v3 =	vld [tilespmem:s12+$0xE460];
	[tilespmem:s10+$0xE470] =	vst v8;
	s10 =	smov.u32 s12  }
0x70: {  	[tilespmem:s10+$0xE400] =	vst v6;
	v4 =	vmul.f32 $1.131370830e+01, v4;
	v6 =	vld [tilespmem:s10+$0xE470]  }
0x71: {  	[tilespmem:s10+$0xE410] =	vst v5;
	v2 =	vmul.f32 $1.131370830e+01, v2  }
0x72: {  	[tilespmem:s10+$0xE420] =	vst v4;
	v0 =	vmul.f32 $1.131370830e+01, v0  }
0x73: {  	[tilespmem:s10+$0xE430] =	vst v2;
	v1 =	vmul.f32 $1.131370830e+01, v1  }
0x74: {  	[tilespmem:s10+$0xE440] =	vst v0;
	v0 =	vmul.f32 $1.131370830e+01, v3  }
0x75: {  	[tilespmem:s10+$0xE450] =	vst v1;
	v1 =	vmul.f32 $1.131370830e+01, v6  }
0x76: {  	[tilespmem:s10+$0xE460] =	vst v0  }
0x77: {  	s16 =	simm.s32 $0x0;
	s11 =	rddreg [dreg:$0x6];
	[tilespmem:s10+$0xE470] =	vst v1  }
0x78: {  	[hbm4b:s11+s16] =	stream.linear.scatter [tilespmem:s23], [sflag:$0x8], $0x4000, $0x38;
	[tilespmem:$0x1A400] =	vst v63  }
0x79: {  	_ =	swait.ge [sflag:s22], $0x4000  }
0x7a: {  	[sflag:s22] =	ssyncset.done $0x0  }
0x7b: {  	s17 =	simm.s32 $0x300;
	[sflag:s22] =	ssyncadd.s32 $0xFFFFC000  }
0x7c: {  	[tilespmem:s21], [sflag:$0x2] =	stream.indirect.gather [hbm4b:s1+s19], $0x80, s17, s19, $0xb8;
	[tilespmem:$0x1A400] =	vst v63  }
0x7d: {  	_ =	swait.ge [sflag:s28], $0x4000  }
0x7e: {  	[sflag:s28] =	ssyncset.done $0x0  }
0x7f: {  	s10 =	simm.s32 $0x0;
	[sflag:s28] =	ssyncadd.s32 $0xFFFFC000  }
0x80: {  	v3 =	vld [tilespmem:s10+$0x12400]  }
0x81: {  	v5 =	vld [tilespmem:s10+$0x12410]  }
0x82: {  	v4 =	vld [tilespmem:s10+$0x12420]  }
0x83: {  	v2 =	vld [tilespmem:s10+$0x12430]  }
0x84: {  	v0 =	vld [tilespmem:s10+$0x12440]  }
0x85: {  	v1 =	vld [tilespmem:s10+$0x12450];
	v6 =	vmul.f32 $1.131370830e+01, v3  }
0x86: {  	s11 =	simm.s32 $0x200;
	v5 =	vmul.f32 $1.131370830e+01, v5;
	v3 =	vld [tilespmem:s10+$0x12460]  }
.LBB2_8:
0x87: {  	s12 =	sshra.s32 s11, $0x2;
	p0 =	sne.s32 s11, $0xFE00;
	[tilespmem:s10+$0x12400] =	vst v6;
	v4 =	vmul.f32 $1.131370830e+01, v4;
	v6 =	vld [tilespmem:s10+$0x12470]  }
0x88: {  	v7 =	vld [tilespmem:s12+$0x12400];
	[tilespmem:s10+$0x12410] =	vst v5;
	v2 =	vmul.f32 $1.131370830e+01, v2  }
0x89: {  	v5 =	vld [tilespmem:s12+$0x12410];
	[tilespmem:s10+$0x12420] =	vst v4;
	v0 =	vmul.f32 $1.131370830e+01, v0  }
.Ltmp3:
0x8a: {  	v4 =	vld [tilespmem:s12+$0x12420];
	[tilespmem:s10+$0x12430] =	vst v2;
	v1 =	vmul.f32 $1.131370830e+01, v1;
	(pc) =	sbr.rel @p0 .LBB2_8-.Ltmp3, $4  }
0x8b: {  	v2 =	vld [tilespmem:s12+$0x12430];
	[tilespmem:s10+$0x12440] =	vst v0;
	v3 =	vmul.f32 $1.131370830e+01, v3  }
0x8c: {  	v0 =	vld [tilespmem:s12+$0x12440];
	[tilespmem:s10+$0x12450] =	vst v1;
	v8 =	vmul.f32 $1.131370830e+01, v6  }
0x8d: {  	v6 =	vmul.f32 $1.131370830e+01, v7;
	v1 =	vld [tilespmem:s12+$0x12450];
	[tilespmem:s10+$0x12460] =	vst v3  }
0x8e: {  	s11 =	sadd.s32 $0x200, s11;
	v5 =	vmul.f32 $1.131370830e+01, v5;
	v3 =	vld [tilespmem:s12+$0x12460];
	[tilespmem:s10+$0x12470] =	vst v8;
	s10 =	smov.u32 s12  }
0x8f: {  	[tilespmem:s10+$0x12400] =	vst v6;
	v4 =	vmul.f32 $1.131370830e+01, v4;
	v6 =	vld [tilespmem:s10+$0x12470]  }
0x90: {  	[tilespmem:s10+$0x12410] =	vst v5;
	v2 =	vmul.f32 $1.131370830e+01, v2  }
0x91: {  	[tilespmem:s10+$0x12420] =	vst v4;
	v0 =	vmul.f32 $1.131370830e+01, v0  }
0x92: {  	[tilespmem:s10+$0x12430] =	vst v2;
	v1 =	vmul.f32 $1.131370830e+01, v1  }
0x93: {  	[tilespmem:s10+$0x12440] =	vst v0;
	v0 =	vmul.f32 $1.131370830e+01, v3  }
0x94: {  	[tilespmem:s10+$0x12450] =	vst v1;
	v1 =	vmul.f32 $1.131370830e+01, v6  }
0x95: {  	[tilespmem:s10+$0x12460] =	vst v0  }
0x96: {  	s16 =	simm.s32 $0x0;
	s11 =	rddreg [dreg:$0x8];
	[tilespmem:s10+$0x12470] =	vst v1  }
0x97: {  	[hbm4b:s11+s16] =	stream.linear.scatter [tilespmem:s25], [sflag:$0x9], $0x4000, $0x38;
	[tilespmem:$0x1A400] =	vst v63  }
0x98: {  	_ =	swait.ge [sflag:s2], $0x4000  }
0x99: {  	[sflag:s2] =	ssyncset.done $0x0  }
0x9a: {  	s17 =	simm.s32 $0x380;
	[sflag:s2] =	ssyncadd.s32 $0xFFFFC000  }
0x9b: {  	[tilespmem:s23], [sflag:$0x3] =	stream.indirect.gather [hbm4b:s1+s19], $0x80, s17, s19, $0xb8;
	[tilespmem:$0x1A400] =	vst v63  }
0x9c: {  	_ =	swait.ge [sflag:s24], $0x4000  }
0x9d: {  	[sflag:s24] =	ssyncset.done $0x0  }
0x9e: {  	s10 =	simm.s32 $0x0;
	[sflag:s24] =	ssyncadd.s32 $0xFFFFC000  }
0x9f: {  	v3 =	vld [tilespmem:s10+$0x16400]  }
0xa0: {  	v5 =	vld [tilespmem:s10+$0x16410]  }
0xa1: {  	v4 =	vld [tilespmem:s10+$0x16420]  }
0xa2: {  	v2 =	vld [tilespmem:s10+$0x16430]  }
0xa3: {  	v0 =	vld [tilespmem:s10+$0x16440]  }
0xa4: {  	v1 =	vld [tilespmem:s10+$0x16450];
	v6 =	vmul.f32 $1.131370830e+01, v3  }
0xa5: {  	s11 =	simm.s32 $0x200;
	v5 =	vmul.f32 $1.131370830e+01, v5;
	v3 =	vld [tilespmem:s10+$0x16460]  }
.LBB2_10:
0xa6: {  	s12 =	sshra.s32 s11, $0x2;
	p0 =	sne.s32 s11, $0xFE00;
	[tilespmem:s10+$0x16400] =	vst v6;
	v4 =	vmul.f32 $1.131370830e+01, v4;
	v6 =	vld [tilespmem:s10+$0x16470]  }
0xa7: {  	v7 =	vld [tilespmem:s12+$0x16400];
	[tilespmem:s10+$0x16410] =	vst v5;
	v2 =	vmul.f32 $1.131370830e+01, v2  }
0xa8: {  	v5 =	vld [tilespmem:s12+$0x16410];
	[tilespmem:s10+$0x16420] =	vst v4;
	v0 =	vmul.f32 $1.131370830e+01, v0  }
.Ltmp4:
0xa9: {  	v4 =	vld [tilespmem:s12+$0x16420];
	[tilespmem:s10+$0x16430] =	vst v2;
	v1 =	vmul.f32 $1.131370830e+01, v1;
	(pc) =	sbr.rel @p0 .LBB2_10-.Ltmp4, $4  }
0xaa: {  	v2 =	vld [tilespmem:s12+$0x16430];
	[tilespmem:s10+$0x16440] =	vst v0;
	v3 =	vmul.f32 $1.131370830e+01, v3  }
0xab: {  	v0 =	vld [tilespmem:s12+$0x16440];
	[tilespmem:s10+$0x16450] =	vst v1;
	v8 =	vmul.f32 $1.131370830e+01, v6  }
0xac: {  	v6 =	vmul.f32 $1.131370830e+01, v7;
	v1 =	vld [tilespmem:s12+$0x16450];
	[tilespmem:s10+$0x16460] =	vst v3  }
0xad: {  	s11 =	sadd.s32 $0x200, s11;
	v5 =	vmul.f32 $1.131370830e+01, v5;
	v3 =	vld [tilespmem:s12+$0x16460];
	[tilespmem:s10+$0x16470] =	vst v8;
	s10 =	smov.u32 s12  }
0xae: {  	[tilespmem:s10+$0x16400] =	vst v6;
	v4 =	vmul.f32 $1.131370830e+01, v4;
	v61 =	vld [tilespmem:s10+$0x16470]  }
0xaf: {  	[tilespmem:s10+$0x16410] =	vst v5;
	v2 =	vmul.f32 $1.131370830e+01, v2  }
0xb0: {  	[tilespmem:s10+$0x16420] =	vst v4;
	v0 =	vmul.f32 $1.131370830e+01, v0  }
0xb1: {  	[tilespmem:s10+$0x16430] =	vst v2;
	v1 =	vmul.f32 $1.131370830e+01, v1  }
0xb2: {  	[tilespmem:s10+$0x16440] =	vst v0;
	v62 =	vmul.f32 $1.131370830e+01, v3  }
0xb3: {  	[tilespmem:s10+$0x16450] =	vst v1;
	v63 =	vmul.f32 $1.131370830e+01, v61  }
0xb4: {  	[tilespmem:s10+$0x16460] =	vst v62  }
0xb5: {  	s16 =	rddreg [dreg:$0x7];
	[tilespmem:s10+$0x16470] =	vst v63  }
0xb6: {  	[hbm4b:s16+s4] =	stream.linear.scatter [tilespmem:s29], [sflag:$0xA], $0x4000, $0x38;
	[tilespmem:$0x1A400] =	vst v63  }
0xb7: {  	_ =	swait.ge [sflag:s6], $0x4000  }
0xb8: {  	[sflag:s6] =	ssyncset.done $0x0  }
0xb9: {  	s17 =	simm.s32 $0x400;
	s10 =	simm.s32 $0x1;
	[sflag:s6] =	ssyncadd.s32 $0xFFFFC000  }
0xba: {  	[tilespmem:s25], [sflag:$0x4] =	stream.indirect.gather [hbm4b:s1+s19], $0x80, s17, s19, $0xb8;
	[tilespmem:$0x1A400] =	vst v63  }
.LBB2_12:
0xbb: {  	_ =	swait.ge [sflag:s26], $0x4000  }
0xbc: {  	[sflag:s26] =	ssyncset.done $0x0  }
0xbd: {  	s12 =	simm.s32 $0x0;
	[sflag:s26] =	ssyncadd.s32 $0xFFFFC000  }
0xbe: {  	v1 =	vld [tilespmem:s12+$0x6400]  }
0xbf: {  	v5 =	vld [tilespmem:s12+$0x6410]  }
0xc0: {  	v4 =	vld [tilespmem:s12+$0x6420]  }
0xc1: {  	v3 =	vld [tilespmem:s12+$0x6430]  }
0xc2: {  	v2 =	vld [tilespmem:s12+$0x6440]  }
0xc3: {  	v0 =	vld [tilespmem:s12+$0x6450];
	v6 =	vmul.f32 $1.131370830e+01, v1  }
0xc4: {  	s11 =	simm.s32 $0x200;
	v5 =	vmul.f32 $1.131370830e+01, v5;
	v1 =	vld [tilespmem:s12+$0x6460]  }
.LBB2_13:
0xc5: {  	s13 =	sshra.s32 s11, $0x2;
	p0 =	sne.s32 s11, $0xFE00;
	[tilespmem:s12+$0x6400] =	vst v6;
	v4 =	vmul.f32 $1.131370830e+01, v4;
	v6 =	vld [tilespmem:s12+$0x6470]  }
0xc6: {  	v7 =	vld [tilespmem:s13+$0x6400];
	[tilespmem:s12+$0x6410] =	vst v5;
	v3 =	vmul.f32 $1.131370830e+01, v3  }
0xc7: {  	v5 =	vld [tilespmem:s13+$0x6410];
	[tilespmem:s12+$0x6420] =	vst v4;
	v2 =	vmul.f32 $1.131370830e+01, v2  }
.Ltmp5:
0xc8: {  	v4 =	vld [tilespmem:s13+$0x6420];
	[tilespmem:s12+$0x6430] =	vst v3;
	v0 =	vmul.f32 $1.131370830e+01, v0;
	(pc) =	sbr.rel @p0 .LBB2_13-.Ltmp5, $4  }
0xc9: {  	v3 =	vld [tilespmem:s13+$0x6430];
	[tilespmem:s12+$0x6440] =	vst v2;
	v1 =	vmul.f32 $1.131370830e+01, v1  }
0xca: {  	v2 =	vld [tilespmem:s13+$0x6440];
	[tilespmem:s12+$0x6450] =	vst v0;
	v8 =	vmul.f32 $1.131370830e+01, v6  }
0xcb: {  	v6 =	vmul.f32 $1.131370830e+01, v7;
	v0 =	vld [tilespmem:s13+$0x6450];
	[tilespmem:s12+$0x6460] =	vst v1  }
0xcc: {  	s11 =	sadd.s32 $0x200, s11;
	v5 =	vmul.f32 $1.131370830e+01, v5;
	v1 =	vld [tilespmem:s13+$0x6460];
	[tilespmem:s12+$0x6470] =	vst v8;
	s12 =	smov.u32 s13  }
0xcd: {  	[tilespmem:s12+$0x6400] =	vst v6;
	v4 =	vmul.f32 $1.131370830e+01, v4;
	v6 =	vld [tilespmem:s12+$0x6470]  }
0xce: {  	s11 =	sshll.u32 s10, $0x7;
	[tilespmem:s12+$0x6410] =	vst v5;
	v3 =	vmul.f32 $1.131370830e+01, v3  }
0xcf: {  	s13 =	smul.u32 $0x280000, s10;
	s11 =	sand.u32 $0x180, s11;
	[tilespmem:s12+$0x6420] =	vst v4;
	v2 =	vmul.f32 $1.131370830e+01, v2  }
0xd0: {  	s11 =	sor.u32 s5, s11;
	[tilespmem:s12+$0x6430] =	vst v3;
	v0 =	vmul.f32 $1.131370830e+01, v0  }
0xd1: {  	s13 =	sand.u32 $0xFE00000, s13;
	s14 =	sshll.u32 s11, $0x7;
	[tilespmem:s12+$0x6440] =	vst v2;
	v1 =	vmul.f32 $1.131370830e+01, v1  }
0xd2: {  	s13 =	sor.u32 s13, s14;
	[tilespmem:s12+$0x6450] =	vst v0;
	v0 =	vmul.f32 $1.131370830e+01, v6  }
0xd3: {  	s13 =	sshrl.u32 s13, $0x3;
	[tilespmem:s12+$0x6460] =	vst v1  }
0xd4: {  	s16 =	simm.s32 $0x0;
	s14 =	smul.u32 $0x5, s10;
	s15 =	sadd.s32 s3, s13;
	[tilespmem:s12+$0x6470] =	vst v0  }
0xd5: {  	[hbm4b:s15+s16] =	stream.linear.scatter [tilespmem:s20], [sflag:$0x6], $0x4000, $0x38;
	[tilespmem:$0x1A400] =	vst v63  }
0xd6: {  	s12 =	sadd.s32 $0x4, s14;
	_ =	swait.ge [sflag:s8], $0x4000  }
0xd7: {  	s17 =	sshll.u32 s12, $0x7;
	[sflag:s8] =	ssyncset.done $0x0  }
0xd8: {  	s13 =	sand.u32 $0x3FFFFF80, s17;
	[sflag:s8] =	ssyncadd.s32 $0xFFFFC000  }
0xd9: {  	[tilespmem:s29], [sflag:$0x5] =	stream.indirect.gather [hbm4b:s1+s19], $0x80, s13, s19, $0xb8;
	[tilespmem:$0x1A400] =	vst v63  }
0xda: {  	_ =	swait.ge [sflag:s30], $0x4000  }
0xdb: {  	[sflag:s30] =	ssyncset.done $0x0  }
0xdc: {  	s13 =	simm.s32 $0x0;
	[sflag:s30] =	ssyncadd.s32 $0xFFFFC000  }
0xdd: {  	v1 =	vld [tilespmem:s13+$0xA400]  }
0xde: {  	v5 =	vld [tilespmem:s13+$0xA410]  }
0xdf: {  	v4 =	vld [tilespmem:s13+$0xA420]  }
0xe0: {  	v3 =	vld [tilespmem:s13+$0xA430]  }
0xe1: {  	v2 =	vld [tilespmem:s13+$0xA440]  }
0xe2: {  	v0 =	vld [tilespmem:s13+$0xA450];
	v6 =	vmul.f32 $1.131370830e+01, v1  }
0xe3: {  	s15 =	simm.s32 $0x200;
	v5 =	vmul.f32 $1.131370830e+01, v5;
	v1 =	vld [tilespmem:s13+$0xA460]  }
.LBB2_15:
0xe4: {  	s16 =	sshra.s32 s15, $0x2;
	p0 =	sne.s32 s15, $0xFE00;
	[tilespmem:s13+$0xA400] =	vst v6;
	v4 =	vmul.f32 $1.131370830e+01, v4;
	v6 =	vld [tilespmem:s13+$0xA470]  }
0xe5: {  	v7 =	vld [tilespmem:s16+$0xA400];
	[tilespmem:s13+$0xA410] =	vst v5;
	v3 =	vmul.f32 $1.131370830e+01, v3  }
0xe6: {  	v5 =	vld [tilespmem:s16+$0xA410];
	[tilespmem:s13+$0xA420] =	vst v4;
	v2 =	vmul.f32 $1.131370830e+01, v2  }
.Ltmp6:
0xe7: {  	v4 =	vld [tilespmem:s16+$0xA420];
	[tilespmem:s13+$0xA430] =	vst v3;
	v0 =	vmul.f32 $1.131370830e+01, v0;
	(pc) =	sbr.rel @p0 .LBB2_15-.Ltmp6, $4  }
0xe8: {  	v3 =	vld [tilespmem:s16+$0xA430];
	[tilespmem:s13+$0xA440] =	vst v2;
	v1 =	vmul.f32 $1.131370830e+01, v1  }
0xe9: {  	v2 =	vld [tilespmem:s16+$0xA440];
	[tilespmem:s13+$0xA450] =	vst v0;
	v8 =	vmul.f32 $1.131370830e+01, v6  }
0xea: {  	v6 =	vmul.f32 $1.131370830e+01, v7;
	v0 =	vld [tilespmem:s16+$0xA450];
	[tilespmem:s13+$0xA460] =	vst v1  }
0xeb: {  	s15 =	sadd.s32 $0x200, s15;
	v5 =	vmul.f32 $1.131370830e+01, v5;
	v1 =	vld [tilespmem:s16+$0xA460];
	[tilespmem:s13+$0xA470] =	vst v8;
	s13 =	smov.u32 s16  }
0xec: {  	[tilespmem:s13+$0xA400] =	vst v6;
	v4 =	vmul.f32 $1.131370830e+01, v4;
	v6 =	vld [tilespmem:s13+$0xA470]  }
0xed: {  	[tilespmem:s13+$0xA410] =	vst v5;
	v3 =	vmul.f32 $1.131370830e+01, v3  }
0xee: {  	s15 =	sadd.s32 $0x1, s14;
	[tilespmem:s13+$0xA420] =	vst v4;
	v2 =	vmul.f32 $1.131370830e+01, v2  }
0xef: {  	s16 =	sshll.u32 s15, $0x7;
	[tilespmem:s13+$0xA430] =	vst v3;
	v0 =	vmul.f32 $1.131370830e+01, v0  }
0xf0: {  	s15 =	sshll.u32 s15, $0x10;
	s16 =	sand.u32 $0x180, s16;
	[tilespmem:s13+$0xA440] =	vst v2;
	v1 =	vmul.f32 $1.131370830e+01, v1  }
0xf1: {  	s15 =	sand.u32 $0x3FC0000, s15;
	s16 =	sor.u32 s5, s16;
	[tilespmem:s13+$0xA450] =	vst v0;
	v0 =	vmul.f32 $1.131370830e+01, v6  }
0xf2: {  	s15 =	sadd.s32 s3, s15;
	s16 =	sshll.u32 s16, $0x4;
	[tilespmem:s13+$0xA460] =	vst v1  }
0xf3: {  	s17 =	simm.s32 $0x0;
	s16 =	sadd.s32 s16, s15;
	[tilespmem:s13+$0xA470] =	vst v0  }
0xf4: {  	[hbm4b:s16+s17] =	stream.linear.scatter [tilespmem:s21], [sflag:$0x7], $0x4000, $0x38;
	[tilespmem:$0x1A400] =	vst v63  }
0xf5: {  	s16 =	smul.u32 $0xA00, s10  }
0xf6: {  	_ =	swait.ge [sflag:s31], $0x4000  }
0xf7: {  	[sflag:s31] =	ssyncset.done $0x0;
	s13 =	sshra.s32 s16, $0x2  }
0xf8: {  	[sflag:s31] =	ssyncadd.s32 $0xFFFFC000;
	s17 =	sadd.s32 $0x280, s13  }
0xf9: {  	[tilespmem:s20], [sflag:$0x1] =	stream.indirect.gather [hbm4b:s1+s19], $0x80, s17, s19, $0xb8;
	[tilespmem:$0x1A400] =	vst v63  }
0xfa: {  	_ =	swait.ge [sflag:s0], $0x4000  }
0xfb: {  	[sflag:s0] =	ssyncset.done $0x0  }
0xfc: {  	s15 =	simm.s32 $0x0;
	[sflag:s0] =	ssyncadd.s32 $0xFFFFC000  }
0xfd: {  	v1 =	vld [tilespmem:s15+$0xE400]  }
0xfe: {  	v5 =	vld [tilespmem:s15+$0xE410]  }
0xff: {  	v4 =	vld [tilespmem:s15+$0xE420]  }
0x100: {  	v3 =	vld [tilespmem:s15+$0xE430]  }
0x101: {  	v2 =	vld [tilespmem:s15+$0xE440]  }
0x102: {  	v0 =	vld [tilespmem:s15+$0xE450];
	v6 =	vmul.f32 $1.131370830e+01, v1  }
0x103: {  	s16 =	simm.s32 $0x200;
	v5 =	vmul.f32 $1.131370830e+01, v5;
	v1 =	vld [tilespmem:s15+$0xE460]  }
.LBB2_17:
0x104: {  	s17 =	sshra.s32 s16, $0x2;
	p0 =	sne.s32 s16, $0xFE00;
	[tilespmem:s15+$0xE400] =	vst v6;
	v4 =	vmul.f32 $1.131370830e+01, v4;
	v6 =	vld [tilespmem:s15+$0xE470]  }
0x105: {  	v7 =	vld [tilespmem:s17+$0xE400];
	[tilespmem:s15+$0xE410] =	vst v5;
	v3 =	vmul.f32 $1.131370830e+01, v3  }
0x106: {  	v5 =	vld [tilespmem:s17+$0xE410];
	[tilespmem:s15+$0xE420] =	vst v4;
	v2 =	vmul.f32 $1.131370830e+01, v2  }
.Ltmp7:
0x107: {  	v4 =	vld [tilespmem:s17+$0xE420];
	[tilespmem:s15+$0xE430] =	vst v3;
	v0 =	vmul.f32 $1.131370830e+01, v0;
	(pc) =	sbr.rel @p0 .LBB2_17-.Ltmp7, $4  }
0x108: {  	v3 =	vld [tilespmem:s17+$0xE430];
	[tilespmem:s15+$0xE440] =	vst v2;
	v1 =	vmul.f32 $1.131370830e+01, v1  }
0x109: {  	v2 =	vld [tilespmem:s17+$0xE440];
	[tilespmem:s15+$0xE450] =	vst v0;
	v8 =	vmul.f32 $1.131370830e+01, v6  }
0x10a: {  	v6 =	vmul.f32 $1.131370830e+01, v7;
	v0 =	vld [tilespmem:s17+$0xE450];
	[tilespmem:s15+$0xE460] =	vst v1  }
0x10b: {  	s16 =	sadd.s32 $0x200, s16;
	v5 =	vmul.f32 $1.131370830e+01, v5;
	v1 =	vld [tilespmem:s17+$0xE460];
	[tilespmem:s15+$0xE470] =	vst v8;
	s15 =	smov.u32 s17  }
0x10c: {  	[tilespmem:s15+$0xE400] =	vst v6;
	v4 =	vmul.f32 $1.131370830e+01, v4;
	v6 =	vld [tilespmem:s15+$0xE470]  }
0x10d: {  	[tilespmem:s15+$0xE410] =	vst v5;
	v3 =	vmul.f32 $1.131370830e+01, v3  }
0x10e: {  	s16 =	sadd.s32 $0x2, s14;
	[tilespmem:s15+$0xE420] =	vst v4;
	v2 =	vmul.f32 $1.131370830e+01, v2  }
0x10f: {  	s17 =	sshll.u32 s16, $0x7;
	[tilespmem:s15+$0xE430] =	vst v3;
	v0 =	vmul.f32 $1.131370830e+01, v0  }
0x110: {  	s16 =	sshll.u32 s16, $0x10;
	s17 =	sand.u32 $0x180, s17;
	[tilespmem:s15+$0xE440] =	vst v2;
	v1 =	vmul.f32 $1.131370830e+01, v1  }
0x111: {  	s16 =	sand.u32 $0x3FC0000, s16;
	s17 =	sor.u32 s5, s17;
	[tilespmem:s15+$0xE450] =	vst v0;
	v0 =	vmul.f32 $1.131370830e+01, v6  }
0x112: {  	s16 =	sadd.s32 s3, s16;
	s17 =	sshll.u32 s17, $0x4;
	[tilespmem:s15+$0xE460] =	vst v1  }
0x113: {  	s16 =	sadd.s32 s17, s16;
	s17 =	simm.s32 $0x0;
	[tilespmem:s15+$0xE470] =	vst v0  }
0x114: {  	[hbm4b:s16+s17] =	stream.linear.scatter [tilespmem:s23], [sflag:$0x8], $0x4000, $0x38;
	[tilespmem:$0x1A400] =	vst v63  }
0x115: {  	_ =	swait.ge [sflag:s22], $0x4000  }
0x116: {  	[sflag:s22] =	ssyncset.done $0x0  }
0x117: {  	s17 =	sadd.s32 $0x300, s13;
	[sflag:s22] =	ssyncadd.s32 $0xFFFFC000  }
0x118: {  	[tilespmem:s21], [sflag:$0x2] =	stream.indirect.gather [hbm4b:s1+s19], $0x80, s17, s19, $0xb8;
	[tilespmem:$0x1A400] =	vst v63  }
0x119: {  	_ =	swait.ge [sflag:s28], $0x4000  }
0x11a: {  	[sflag:s28] =	ssyncset.done $0x0  }
0x11b: {  	s15 =	simm.s32 $0x0;
	[sflag:s28] =	ssyncadd.s32 $0xFFFFC000  }
0x11c: {  	v1 =	vld [tilespmem:s15+$0x12400]  }
0x11d: {  	v5 =	vld [tilespmem:s15+$0x12410]  }
0x11e: {  	v4 =	vld [tilespmem:s15+$0x12420]  }
0x11f: {  	v3 =	vld [tilespmem:s15+$0x12430]  }
0x120: {  	v2 =	vld [tilespmem:s15+$0x12440]  }
0x121: {  	v0 =	vld [tilespmem:s15+$0x12450];
	v6 =	vmul.f32 $1.131370830e+01, v1  }
0x122: {  	s16 =	simm.s32 $0x200;
	v5 =	vmul.f32 $1.131370830e+01, v5;
	v1 =	vld [tilespmem:s15+$0x12460]  }
.LBB2_19:
0x123: {  	s17 =	sshra.s32 s16, $0x2;
	p0 =	sne.s32 s16, $0xFE00;
	[tilespmem:s15+$0x12400] =	vst v6;
	v4 =	vmul.f32 $1.131370830e+01, v4;
	v6 =	vld [tilespmem:s15+$0x12470]  }
0x124: {  	v7 =	vld [tilespmem:s17+$0x12400];
	[tilespmem:s15+$0x12410] =	vst v5;
	v3 =	vmul.f32 $1.131370830e+01, v3  }
0x125: {  	v5 =	vld [tilespmem:s17+$0x12410];
	[tilespmem:s15+$0x12420] =	vst v4;
	v2 =	vmul.f32 $1.131370830e+01, v2  }
.Ltmp8:
0x126: {  	v4 =	vld [tilespmem:s17+$0x12420];
	[tilespmem:s15+$0x12430] =	vst v3;
	v0 =	vmul.f32 $1.131370830e+01, v0;
	(pc) =	sbr.rel @p0 .LBB2_19-.Ltmp8, $4  }
0x127: {  	v3 =	vld [tilespmem:s17+$0x12430];
	[tilespmem:s15+$0x12440] =	vst v2;
	v1 =	vmul.f32 $1.131370830e+01, v1  }
0x128: {  	v2 =	vld [tilespmem:s17+$0x12440];
	[tilespmem:s15+$0x12450] =	vst v0;
	v8 =	vmul.f32 $1.131370830e+01, v6  }
0x129: {  	v6 =	vmul.f32 $1.131370830e+01, v7;
	v0 =	vld [tilespmem:s17+$0x12450];
	[tilespmem:s15+$0x12460] =	vst v1  }
0x12a: {  	s16 =	sadd.s32 $0x200, s16;
	v5 =	vmul.f32 $1.131370830e+01, v5;
	v1 =	vld [tilespmem:s17+$0x12460];
	[tilespmem:s15+$0x12470] =	vst v8;
	s15 =	smov.u32 s17  }
0x12b: {  	[tilespmem:s15+$0x12400] =	vst v6;
	v4 =	vmul.f32 $1.131370830e+01, v4;
	v6 =	vld [tilespmem:s15+$0x12470]  }
0x12c: {  	[tilespmem:s15+$0x12410] =	vst v5;
	v3 =	vmul.f32 $1.131370830e+01, v3  }
0x12d: {  	s14 =	sadd.s32 $0x3, s14;
	[tilespmem:s15+$0x12420] =	vst v4;
	v2 =	vmul.f32 $1.131370830e+01, v2  }
0x12e: {  	s16 =	sshll.u32 s14, $0x7;
	[tilespmem:s15+$0x12430] =	vst v3;
	v0 =	vmul.f32 $1.131370830e+01, v0  }
0x12f: {  	s14 =	sshll.u32 s14, $0x10;
	s16 =	sand.u32 $0x180, s16;
	[tilespmem:s15+$0x12440] =	vst v2;
	v1 =	vmul.f32 $1.131370830e+01, v1  }
0x130: {  	s14 =	sand.u32 $0x3FC0000, s14;
	s16 =	sor.u32 s5, s16;
	[tilespmem:s15+$0x12450] =	vst v0;
	v0 =	vmul.f32 $1.131370830e+01, v6  }
0x131: {  	s14 =	sadd.s32 s3, s14;
	s16 =	sshll.u32 s16, $0x4;
	[tilespmem:s15+$0x12460] =	vst v1  }
0x132: {  	s14 =	sadd.s32 s16, s14;
	s16 =	simm.s32 $0x0;
	[tilespmem:s15+$0x12470] =	vst v0  }
0x133: {  	[hbm4b:s14+s16] =	stream.linear.scatter [tilespmem:s25], [sflag:$0x9], $0x4000, $0x38;
	[tilespmem:$0x1A400] =	vst v63  }
0x134: {  	_ =	swait.ge [sflag:s2], $0x4000  }
0x135: {  	[sflag:s2] =	ssyncset.done $0x0  }
0x136: {  	s17 =	sadd.s32 $0x380, s13;
	[sflag:s2] =	ssyncadd.s32 $0xFFFFC000  }
0x137: {  	[tilespmem:s23], [sflag:$0x3] =	stream.indirect.gather [hbm4b:s1+s19], $0x80, s17, s19, $0xb8;
	[tilespmem:$0x1A400] =	vst v63  }
0x138: {  	_ =	swait.ge [sflag:s24], $0x4000  }
0x139: {  	[sflag:s24] =	ssyncset.done $0x0  }
0x13a: {  	s14 =	simm.s32 $0x0;
	[sflag:s24] =	ssyncadd.s32 $0xFFFFC000  }
0x13b: {  	v3 =	vld [tilespmem:s14+$0x16400]  }
0x13c: {  	v5 =	vld [tilespmem:s14+$0x16410]  }
0x13d: {  	v4 =	vld [tilespmem:s14+$0x16420]  }
0x13e: {  	v2 =	vld [tilespmem:s14+$0x16430]  }
0x13f: {  	v0 =	vld [tilespmem:s14+$0x16440]  }
0x140: {  	v1 =	vld [tilespmem:s14+$0x16450];
	v6 =	vmul.f32 $1.131370830e+01, v3  }
0x141: {  	s15 =	simm.s32 $0x200;
	v5 =	vmul.f32 $1.131370830e+01, v5;
	v3 =	vld [tilespmem:s14+$0x16460]  }
.LBB2_21:
0x142: {  	s16 =	sshra.s32 s15, $0x2;
	p0 =	sne.s32 s15, $0xFE00;
	[tilespmem:s14+$0x16400] =	vst v6;
	v4 =	vmul.f32 $1.131370830e+01, v4;
	v6 =	vld [tilespmem:s14+$0x16470]  }
0x143: {  	v7 =	vld [tilespmem:s16+$0x16400];
	[tilespmem:s14+$0x16410] =	vst v5;
	v2 =	vmul.f32 $1.131370830e+01, v2  }
0x144: {  	v5 =	vld [tilespmem:s16+$0x16410];
	[tilespmem:s14+$0x16420] =	vst v4;
	v0 =	vmul.f32 $1.131370830e+01, v0  }
.Ltmp9:
0x145: {  	v4 =	vld [tilespmem:s16+$0x16420];
	[tilespmem:s14+$0x16430] =	vst v2;
	v1 =	vmul.f32 $1.131370830e+01, v1;
	(pc) =	sbr.rel @p0 .LBB2_21-.Ltmp9, $4  }
0x146: {  	v2 =	vld [tilespmem:s16+$0x16430];
	[tilespmem:s14+$0x16440] =	vst v0;
	v3 =	vmul.f32 $1.131370830e+01, v3  }
0x147: {  	v0 =	vld [tilespmem:s16+$0x16440];
	[tilespmem:s14+$0x16450] =	vst v1;
	v8 =	vmul.f32 $1.131370830e+01, v6  }
0x148: {  	v6 =	vmul.f32 $1.131370830e+01, v7;
	v1 =	vld [tilespmem:s16+$0x16450];
	[tilespmem:s14+$0x16460] =	vst v3  }
0x149: {  	s15 =	sadd.s32 $0x200, s15;
	v5 =	vmul.f32 $1.131370830e+01, v5;
	v3 =	vld [tilespmem:s16+$0x16460];
	[tilespmem:s14+$0x16470] =	vst v8;
	s14 =	smov.u32 s16  }
0x14a: {  	[tilespmem:s14+$0x16400] =	vst v6;
	v4 =	vmul.f32 $1.131370830e+01, v4;
	v61 =	vld [tilespmem:s14+$0x16470]  }
0x14b: {  	[tilespmem:s14+$0x16410] =	vst v5;
	v2 =	vmul.f32 $1.131370830e+01, v2  }
0x14c: {  	[tilespmem:s14+$0x16420] =	vst v4;
	v0 =	vmul.f32 $1.131370830e+01, v0  }
0x14d: {  	[tilespmem:s14+$0x16430] =	vst v2;
	v1 =	vmul.f32 $1.131370830e+01, v1  }
0x14e: {  	[tilespmem:s14+$0x16440] =	vst v0;
	v62 =	vmul.f32 $1.131370830e+01, v3  }
0x14f: {  	s12 =	sshll.u32 s12, $0x10;
	s11 =	sshll.u32 s11, $0x4;
	[tilespmem:s14+$0x16450] =	vst v1;
	v63 =	vmul.f32 $1.131370830e+01, v61  }
0x150: {  	s10 =	sadd.s32 $0x1, s10;
	s12 =	sand.u32 $0x3FC0000, s12;
	s11 =	sadd.s32 s3, s11;
	[tilespmem:s14+$0x16460] =	vst v62  }
0x151: {  	p0 =	sne.s32 s10, $0x27;
	s11 =	sadd.s32 s12, s11;
	[tilespmem:s14+$0x16470] =	vst v63  }
0x152: {  	[hbm4b:s11+s4] =	stream.linear.scatter [tilespmem:s29], [sflag:$0xA], $0x4000, $0x38;
	[tilespmem:$0x1A400] =	vst v63  }
.Ltmp10:
0x153: {  	_ = 	snop;
	(pc) =	sbr.rel @p0 .LBB2_12-.Ltmp10, $4  }
0x154: {  	_ =	swait.ge [sflag:s6], $0x4000  }
0x155: {  	[sflag:s6] =	ssyncset.done $0x0  }
0x156: {  	s17 =	sadd.s32 $0x400, s13;
	[sflag:s6] =	ssyncadd.s32 $0xFFFFC000  }
0x157: {  	[tilespmem:s25], [sflag:$0x4] =	stream.indirect.gather [hbm4b:s1+s19], $0x80, s17, s19, $0xb8;
	[tilespmem:$0x1A400] =	vst v63  }
0x158: {  	_ =	swait.ge [sflag:s26], $0x4000  }
0x159: {  	[sflag:s26] =	ssyncset.done $0x0  }
0x15a: {  	s10 =	simm.s32 $0x0;
	[sflag:s26] =	ssyncadd.s32 $0xFFFFC000  }
0x15b: {  	v3 =	vld [tilespmem:s10+$0x6400]  }
0x15c: {  	v5 =	vld [tilespmem:s10+$0x6410]  }
0x15d: {  	v4 =	vld [tilespmem:s10+$0x6420]  }
0x15e: {  	v2 =	vld [tilespmem:s10+$0x6430]  }
0x15f: {  	v0 =	vld [tilespmem:s10+$0x6440]  }
0x160: {  	v1 =	vld [tilespmem:s10+$0x6450];
	v6 =	vmul.f32 $1.131370830e+01, v3  }
0x161: {  	s11 =	simm.s32 $0x200;
	v5 =	vmul.f32 $1.131370830e+01, v5;
	v3 =	vld [tilespmem:s10+$0x6460]  }
.LBB2_24:
0x162: {  	s12 =	sshra.s32 s11, $0x2;
	p0 =	sne.s32 s11, $0xFE00;
	[tilespmem:s10+$0x6400] =	vst v6;
	v4 =	vmul.f32 $1.131370830e+01, v4;
	v6 =	vld [tilespmem:s10+$0x6470]  }
0x163: {  	v7 =	vld [tilespmem:s12+$0x6400];
	[tilespmem:s10+$0x6410] =	vst v5;
	v2 =	vmul.f32 $1.131370830e+01, v2  }
0x164: {  	v5 =	vld [tilespmem:s12+$0x6410];
	[tilespmem:s10+$0x6420] =	vst v4;
	v0 =	vmul.f32 $1.131370830e+01, v0  }
.Ltmp11:
0x165: {  	v4 =	vld [tilespmem:s12+$0x6420];
	[tilespmem:s10+$0x6430] =	vst v2;
	v1 =	vmul.f32 $1.131370830e+01, v1;
	(pc) =	sbr.rel @p0 .LBB2_24-.Ltmp11, $4  }
0x166: {  	v2 =	vld [tilespmem:s12+$0x6430];
	[tilespmem:s10+$0x6440] =	vst v0;
	v3 =	vmul.f32 $1.131370830e+01, v3  }
0x167: {  	v0 =	vld [tilespmem:s12+$0x6440];
	[tilespmem:s10+$0x6450] =	vst v1;
	v8 =	vmul.f32 $1.131370830e+01, v6  }
0x168: {  	v6 =	vmul.f32 $1.131370830e+01, v7;
	v1 =	vld [tilespmem:s12+$0x6450];
	[tilespmem:s10+$0x6460] =	vst v3  }
0x169: {  	s11 =	sadd.s32 $0x200, s11;
	v5 =	vmul.f32 $1.131370830e+01, v5;
	v3 =	vld [tilespmem:s12+$0x6460];
	[tilespmem:s10+$0x6470] =	vst v8;
	s10 =	smov.u32 s12  }
0x16a: {  	[tilespmem:s10+$0x6400] =	vst v6;
	v4 =	vmul.f32 $1.131370830e+01, v4;
	v6 =	vld [tilespmem:s10+$0x6470]  }
0x16b: {  	[tilespmem:s10+$0x6410] =	vst v5;
	v2 =	vmul.f32 $1.131370830e+01, v2  }
0x16c: {  	[tilespmem:s10+$0x6420] =	vst v4;
	v0 =	vmul.f32 $1.131370830e+01, v0  }
0x16d: {  	[tilespmem:s10+$0x6430] =	vst v2;
	v1 =	vmul.f32 $1.131370830e+01, v1  }
0x16e: {  	[tilespmem:s10+$0x6440] =	vst v0;
	v0 =	vmul.f32 $1.131370830e+01, v3  }
0x16f: {  	[tilespmem:s10+$0x6450] =	vst v1;
	v1 =	vmul.f32 $1.131370830e+01, v6  }
0x170: {  	[tilespmem:s10+$0x6460] =	vst v0  }
0x171: {  	s16 =	simm.s32 $0x0;
	s11 =	rddreg [dreg:$0x9];
	[tilespmem:s10+$0x6470] =	vst v1  }
0x172: {  	[hbm4b:s11+s16] =	stream.linear.scatter [tilespmem:s20], [sflag:$0x6], $0x4000, $0x38;
	[tilespmem:$0x1A400] =	vst v63  }
0x173: {  	_ =	swait.ge [sflag:s8], $0x4000  }
0x174: {  	[sflag:s8] =	ssyncset.done $0x0  }
0x175: {  	s17 =	simm.s32 $0x6380;
	[sflag:s8] =	ssyncadd.s32 $0xFFFFC000  }
0x176: {  	[tilespmem:s29], [sflag:$0x5] =	stream.indirect.gather [hbm4b:s1+s19], $0x80, s17, s19, $0xb8;
	[tilespmem:$0x1A400] =	vst v63  }
0x177: {  	_ =	swait.ge [sflag:s30], $0x4000  }
0x178: {  	[sflag:s30] =	ssyncset.done $0x0  }
0x179: {  	s10 =	simm.s32 $0x0;
	[sflag:s30] =	ssyncadd.s32 $0xFFFFC000  }
0x17a: {  	v3 =	vld [tilespmem:s10+$0xA400]  }
0x17b: {  	v5 =	vld [tilespmem:s10+$0xA410]  }
0x17c: {  	v4 =	vld [tilespmem:s10+$0xA420]  }
0x17d: {  	v2 =	vld [tilespmem:s10+$0xA430]  }
0x17e: {  	v0 =	vld [tilespmem:s10+$0xA440]  }
0x17f: {  	v1 =	vld [tilespmem:s10+$0xA450];
	v6 =	vmul.f32 $1.131370830e+01, v3  }
0x180: {  	s11 =	simm.s32 $0x200;
	v5 =	vmul.f32 $1.131370830e+01, v5;
	v3 =	vld [tilespmem:s10+$0xA460]  }
.LBB2_26:
0x181: {  	s12 =	sshra.s32 s11, $0x2;
	p0 =	sne.s32 s11, $0xFE00;
	[tilespmem:s10+$0xA400] =	vst v6;
	v4 =	vmul.f32 $1.131370830e+01, v4;
	v6 =	vld [tilespmem:s10+$0xA470]  }
0x182: {  	v7 =	vld [tilespmem:s12+$0xA400];
	[tilespmem:s10+$0xA410] =	vst v5;
	v2 =	vmul.f32 $1.131370830e+01, v2  }
0x183: {  	v5 =	vld [tilespmem:s12+$0xA410];
	[tilespmem:s10+$0xA420] =	vst v4;
	v0 =	vmul.f32 $1.131370830e+01, v0  }
.Ltmp12:
0x184: {  	v4 =	vld [tilespmem:s12+$0xA420];
	[tilespmem:s10+$0xA430] =	vst v2;
	v1 =	vmul.f32 $1.131370830e+01, v1;
	(pc) =	sbr.rel @p0 .LBB2_26-.Ltmp12, $4  }
0x185: {  	v2 =	vld [tilespmem:s12+$0xA430];
	[tilespmem:s10+$0xA440] =	vst v0;
	v3 =	vmul.f32 $1.131370830e+01, v3  }
0x186: {  	v0 =	vld [tilespmem:s12+$0xA440];
	[tilespmem:s10+$0xA450] =	vst v1;
	v8 =	vmul.f32 $1.131370830e+01, v6  }
0x187: {  	v6 =	vmul.f32 $1.131370830e+01, v7;
	v1 =	vld [tilespmem:s12+$0xA450];
	[tilespmem:s10+$0xA460] =	vst v3  }
0x188: {  	s11 =	sadd.s32 $0x200, s11;
	v5 =	vmul.f32 $1.131370830e+01, v5;
	v3 =	vld [tilespmem:s12+$0xA460];
	[tilespmem:s10+$0xA470] =	vst v8;
	s10 =	smov.u32 s12  }
0x189: {  	[tilespmem:s10+$0xA400] =	vst v6;
	v4 =	vmul.f32 $1.131370830e+01, v4;
	v6 =	vld [tilespmem:s10+$0xA470]  }
0x18a: {  	[tilespmem:s10+$0xA410] =	vst v5;
	v2 =	vmul.f32 $1.131370830e+01, v2  }
0x18b: {  	[tilespmem:s10+$0xA420] =	vst v4;
	v0 =	vmul.f32 $1.131370830e+01, v0  }
0x18c: {  	[tilespmem:s10+$0xA430] =	vst v2;
	v1 =	vmul.f32 $1.131370830e+01, v1  }
0x18d: {  	[tilespmem:s10+$0xA440] =	vst v0;
	v0 =	vmul.f32 $1.131370830e+01, v3  }
0x18e: {  	[tilespmem:s10+$0xA450] =	vst v1;
	v1 =	vmul.f32 $1.131370830e+01, v6  }
0x18f: {  	[tilespmem:s10+$0xA460] =	vst v0  }
0x190: {  	s17 =	simm.s32 $0x0;
	s11 =	rddreg [dreg:$0xb];
	[tilespmem:s10+$0xA470] =	vst v1  }
0x191: {  	[hbm4b:s11+s17] =	stream.linear.scatter [tilespmem:s21], [sflag:$0x7], $0x4000, $0x38;
	[tilespmem:$0x1A400] =	vst v63  }
0x192: {  	_ =	swait.ge [sflag:s0], $0x4000  }
0x193: {  	[sflag:s0] =	ssyncset.done $0x0  }
0x194: {  	s10 =	simm.s32 $0x0;
	[sflag:s0] =	ssyncadd.s32 $0xFFFFC000  }
0x195: {  	v3 =	vld [tilespmem:s10+$0xE400]  }
0x196: {  	v5 =	vld [tilespmem:s10+$0xE410]  }
0x197: {  	v4 =	vld [tilespmem:s10+$0xE420]  }
0x198: {  	v2 =	vld [tilespmem:s10+$0xE430]  }
0x199: {  	v0 =	vld [tilespmem:s10+$0xE440]  }
0x19a: {  	v1 =	vld [tilespmem:s10+$0xE450];
	v6 =	vmul.f32 $1.131370830e+01, v3  }
0x19b: {  	s11 =	simm.s32 $0x200;
	v5 =	vmul.f32 $1.131370830e+01, v5;
	v3 =	vld [tilespmem:s10+$0xE460]  }
.LBB2_28:
0x19c: {  	s12 =	sshra.s32 s11, $0x2;
	p0 =	sne.s32 s11, $0xFE00;
	[tilespmem:s10+$0xE400] =	vst v6;
	v4 =	vmul.f32 $1.131370830e+01, v4;
	v6 =	vld [tilespmem:s10+$0xE470]  }
0x19d: {  	v7 =	vld [tilespmem:s12+$0xE400];
	[tilespmem:s10+$0xE410] =	vst v5;
	v2 =	vmul.f32 $1.131370830e+01, v2  }
0x19e: {  	v5 =	vld [tilespmem:s12+$0xE410];
	[tilespmem:s10+$0xE420] =	vst v4;
	v0 =	vmul.f32 $1.131370830e+01, v0  }
.Ltmp13:
0x19f: {  	v4 =	vld [tilespmem:s12+$0xE420];
	[tilespmem:s10+$0xE430] =	vst v2;
	v1 =	vmul.f32 $1.131370830e+01, v1;
	(pc) =	sbr.rel @p0 .LBB2_28-.Ltmp13, $4  }
0x1a0: {  	v2 =	vld [tilespmem:s12+$0xE430];
	[tilespmem:s10+$0xE440] =	vst v0;
	v3 =	vmul.f32 $1.131370830e+01, v3  }
0x1a1: {  	v0 =	vld [tilespmem:s12+$0xE440];
	[tilespmem:s10+$0xE450] =	vst v1;
	v8 =	vmul.f32 $1.131370830e+01, v6  }
0x1a2: {  	v6 =	vmul.f32 $1.131370830e+01, v7;
	v1 =	vld [tilespmem:s12+$0xE450];
	[tilespmem:s10+$0xE460] =	vst v3  }
0x1a3: {  	s11 =	sadd.s32 $0x200, s11;
	v5 =	vmul.f32 $1.131370830e+01, v5;
	v3 =	vld [tilespmem:s12+$0xE460];
	[tilespmem:s10+$0xE470] =	vst v8;
	s10 =	smov.u32 s12  }
0x1a4: {  	[tilespmem:s10+$0xE400] =	vst v6;
	v4 =	vmul.f32 $1.131370830e+01, v4;
	v6 =	vld [tilespmem:s10+$0xE470]  }
0x1a5: {  	[tilespmem:s10+$0xE410] =	vst v5;
	v2 =	vmul.f32 $1.131370830e+01, v2  }
0x1a6: {  	[tilespmem:s10+$0xE420] =	vst v4;
	v0 =	vmul.f32 $1.131370830e+01, v0  }
0x1a7: {  	[tilespmem:s10+$0xE430] =	vst v2;
	v1 =	vmul.f32 $1.131370830e+01, v1  }
0x1a8: {  	[tilespmem:s10+$0xE440] =	vst v0;
	v0 =	vmul.f32 $1.131370830e+01, v3  }
0x1a9: {  	[tilespmem:s10+$0xE450] =	vst v1;
	v1 =	vmul.f32 $1.131370830e+01, v6  }
0x1aa: {  	[tilespmem:s10+$0xE460] =	vst v0  }
0x1ab: {  	s17 =	simm.s32 $0x0;
	s11 =	rddreg [dreg:$0xa];
	[tilespmem:s10+$0xE470] =	vst v1  }
0x1ac: {  	[hbm4b:s11+s17] =	stream.linear.scatter [tilespmem:s23], [sflag:$0x8], $0x4000, $0x38;
	[tilespmem:$0x1A400] =	vst v63  }
0x1ad: {  	_ =	swait.ge [sflag:s28], $0x4000  }
0x1ae: {  	[sflag:s28] =	ssyncset.done $0x0  }
0x1af: {  	s10 =	simm.s32 $0x0;
	[sflag:s28] =	ssyncadd.s32 $0xFFFFC000  }
0x1b0: {  	v3 =	vld [tilespmem:s10+$0x12400]  }
0x1b1: {  	v5 =	vld [tilespmem:s10+$0x12410]  }
0x1b2: {  	v4 =	vld [tilespmem:s10+$0x12420]  }
0x1b3: {  	v2 =	vld [tilespmem:s10+$0x12430]  }
0x1b4: {  	v0 =	vld [tilespmem:s10+$0x12440]  }
0x1b5: {  	v1 =	vld [tilespmem:s10+$0x12450];
	v6 =	vmul.f32 $1.131370830e+01, v3  }
0x1b6: {  	s11 =	simm.s32 $0x200;
	v5 =	vmul.f32 $1.131370830e+01, v5;
	v3 =	vld [tilespmem:s10+$0x12460]  }
.LBB2_30:
0x1b7: {  	s12 =	sshra.s32 s11, $0x2;
	p0 =	sne.s32 s11, $0xFE00;
	[tilespmem:s10+$0x12400] =	vst v6;
	v4 =	vmul.f32 $1.131370830e+01, v4;
	v6 =	vld [tilespmem:s10+$0x12470]  }
0x1b8: {  	v7 =	vld [tilespmem:s12+$0x12400];
	[tilespmem:s10+$0x12410] =	vst v5;
	v2 =	vmul.f32 $1.131370830e+01, v2  }
0x1b9: {  	v5 =	vld [tilespmem:s12+$0x12410];
	[tilespmem:s10+$0x12420] =	vst v4;
	v0 =	vmul.f32 $1.131370830e+01, v0  }
.Ltmp14:
0x1ba: {  	v4 =	vld [tilespmem:s12+$0x12420];
	[tilespmem:s10+$0x12430] =	vst v2;
	v1 =	vmul.f32 $1.131370830e+01, v1;
	(pc) =	sbr.rel @p0 .LBB2_30-.Ltmp14, $4  }
0x1bb: {  	v2 =	vld [tilespmem:s12+$0x12430];
	[tilespmem:s10+$0x12440] =	vst v0;
	v3 =	vmul.f32 $1.131370830e+01, v3  }
0x1bc: {  	v0 =	vld [tilespmem:s12+$0x12440];
	[tilespmem:s10+$0x12450] =	vst v1;
	v8 =	vmul.f32 $1.131370830e+01, v6  }
0x1bd: {  	v6 =	vmul.f32 $1.131370830e+01, v7;
	v1 =	vld [tilespmem:s12+$0x12450];
	[tilespmem:s10+$0x12460] =	vst v3  }
0x1be: {  	s11 =	sadd.s32 $0x200, s11;
	v5 =	vmul.f32 $1.131370830e+01, v5;
	v3 =	vld [tilespmem:s12+$0x12460];
	[tilespmem:s10+$0x12470] =	vst v8;
	s10 =	smov.u32 s12  }
0x1bf: {  	[tilespmem:s10+$0x12400] =	vst v6;
	v4 =	vmul.f32 $1.131370830e+01, v4;
	v6 =	vld [tilespmem:s10+$0x12470]  }
0x1c0: {  	[tilespmem:s10+$0x12410] =	vst v5;
	v2 =	vmul.f32 $1.131370830e+01, v2  }
0x1c1: {  	[tilespmem:s10+$0x12420] =	vst v4;
	v0 =	vmul.f32 $1.131370830e+01, v0  }
0x1c2: {  	[tilespmem:s10+$0x12430] =	vst v2;
	v1 =	vmul.f32 $1.131370830e+01, v1  }
0x1c3: {  	[tilespmem:s10+$0x12440] =	vst v0;
	v0 =	vmul.f32 $1.131370830e+01, v3  }
0x1c4: {  	[tilespmem:s10+$0x12450] =	vst v1;
	v1 =	vmul.f32 $1.131370830e+01, v6  }
0x1c5: {  	[tilespmem:s10+$0x12460] =	vst v0  }
0x1c6: {  	s17 =	simm.s32 $0x0;
	s11 =	rddreg [dreg:$0xc];
	[tilespmem:s10+$0x12470] =	vst v1  }
0x1c7: {  	[hbm4b:s11+s17] =	stream.linear.scatter [tilespmem:s25], [sflag:$0x9], $0x4000, $0x38;
	[tilespmem:$0x1A400] =	vst v63  }
0x1c8: {  	_ =	swait.ge [sflag:s24], $0x4000  }
0x1c9: {  	[sflag:s24] =	ssyncset.done $0x0  }
0x1ca: {  	s10 =	simm.s32 $0x0;
	[sflag:s24] =	ssyncadd.s32 $0xFFFFC000  }
0x1cb: {  	v3 =	vld [tilespmem:s10+$0x16400]  }
0x1cc: {  	v5 =	vld [tilespmem:s10+$0x16410]  }
0x1cd: {  	v4 =	vld [tilespmem:s10+$0x16420]  }
0x1ce: {  	v2 =	vld [tilespmem:s10+$0x16430]  }
0x1cf: {  	v0 =	vld [tilespmem:s10+$0x16440]  }
0x1d0: {  	v1 =	vld [tilespmem:s10+$0x16450];
	v6 =	vmul.f32 $1.131370830e+01, v3  }
0x1d1: {  	s11 =	simm.s32 $0x200;
	v5 =	vmul.f32 $1.131370830e+01, v5;
	v3 =	vld [tilespmem:s10+$0x16460]  }
.LBB2_32:
0x1d2: {  	s12 =	sshra.s32 s11, $0x2;
	p0 =	sne.s32 s11, $0xFE00;
	[tilespmem:s10+$0x16400] =	vst v6;
	v4 =	vmul.f32 $1.131370830e+01, v4;
	v6 =	vld [tilespmem:s10+$0x16470]  }
0x1d3: {  	v7 =	vld [tilespmem:s12+$0x16400];
	[tilespmem:s10+$0x16410] =	vst v5;
	v2 =	vmul.f32 $1.131370830e+01, v2  }
0x1d4: {  	v5 =	vld [tilespmem:s12+$0x16410];
	[tilespmem:s10+$0x16420] =	vst v4;
	v0 =	vmul.f32 $1.131370830e+01, v0  }
.Ltmp15:
0x1d5: {  	v4 =	vld [tilespmem:s12+$0x16420];
	[tilespmem:s10+$0x16430] =	vst v2;
	v1 =	vmul.f32 $1.131370830e+01, v1;
	(pc) =	sbr.rel @p0 .LBB2_32-.Ltmp15, $4  }
0x1d6: {  	v2 =	vld [tilespmem:s12+$0x16430];
	[tilespmem:s10+$0x16440] =	vst v0;
	v3 =	vmul.f32 $1.131370830e+01, v3  }
0x1d7: {  	v0 =	vld [tilespmem:s12+$0x16440];
	[tilespmem:s10+$0x16450] =	vst v1;
	v8 =	vmul.f32 $1.131370830e+01, v6  }
0x1d8: {  	v6 =	vmul.f32 $1.131370830e+01, v7;
	v1 =	vld [tilespmem:s12+$0x16450];
	[tilespmem:s10+$0x16460] =	vst v3  }
0x1d9: {  	s11 =	sadd.s32 $0x200, s11;
	v5 =	vmul.f32 $1.131370830e+01, v5;
	v3 =	vld [tilespmem:s12+$0x16460];
	[tilespmem:s10+$0x16470] =	vst v8;
	s10 =	smov.u32 s12  }
0x1da: {  	[tilespmem:s10+$0x16400] =	vst v6;
	v4 =	vmul.f32 $1.131370830e+01, v4;
	v61 =	vld [tilespmem:s10+$0x16470]  }
0x1db: {  	[tilespmem:s10+$0x16410] =	vst v5;
	v2 =	vmul.f32 $1.131370830e+01, v2  }
0x1dc: {  	[tilespmem:s10+$0x16420] =	vst v4;
	v0 =	vmul.f32 $1.131370830e+01, v0  }
0x1dd: {  	[tilespmem:s10+$0x16430] =	vst v2;
	v1 =	vmul.f32 $1.131370830e+01, v1  }
0x1de: {  	[tilespmem:s10+$0x16440] =	vst v0;
	v62 =	vmul.f32 $1.131370830e+01, v3  }
0x1df: {  	[tilespmem:s10+$0x16450] =	vst v1;
	v63 =	vmul.f32 $1.131370830e+01, v61  }
0x1e0: {  	[tilespmem:s10+$0x16460] =	vst v62  }
0x1e1: {  	s16 =	rddreg [dreg:$0xd];
	[tilespmem:s10+$0x16470] =	vst v63  }
0x1e2: {  	[hbm4b:s16+s4] =	stream.linear.scatter [tilespmem:s29], [sflag:$0xA], $0x4000, $0x38;
	[tilespmem:$0x1A400] =	vst v63  }
0x1e3: {  	_ =	swait.ge [sflag:s31], $0x4000  }
0x1e4: {  	[sflag:s31] =	ssyncset.done $0x0  }
0x1e5: {  	[sflag:s31] =	ssyncadd.s32 $0xFFFFC000  }
0x1e6: {  	_ =	swait.ge [sflag:s22], $0x4000  }
0x1e7: {  	[sflag:s22] =	ssyncset.done $0x0  }
0x1e8: {  	[sflag:s22] =	ssyncadd.s32 $0xFFFFC000  }
0x1e9: {  	_ =	swait.ge [sflag:s2], $0x4000  }
0x1ea: {  	[sflag:s2] =	ssyncset.done $0x0  }
0x1eb: {  	[sflag:s2] =	ssyncadd.s32 $0xFFFFC000  }
0x1ec: {  	_ =	swait.ge [sflag:s6], $0x4000  }
0x1ed: {  	[sflag:s6] =	ssyncset.done $0x0  }
0x1ee: {  	[sflag:s6] =	ssyncadd.s32 $0xFFFFC000  }
0x1ef: {  	_ =	swait.ge [sflag:s8], $0x4000  }
0x1f0: {  	s9 =	sadd.s32 $0x1, s9;
	s17 =	rddreg [dreg:$0xe]  }
0x1f1: {  	p0 =	sne.s32 s9, s17  }
.Ltmp16:
0x1f2: {  	_ = 	snop;
	(pc) =	sbr.rel @p0 .LBB2_1-.Ltmp16, $3  }
0x1f3: {  	_ =	sdelay $0x1  }
0x1f4: {  	[sflag:s8] =	ssyncset.done $0x0  }
0x1f5: {  	[sflag:s8] =	ssyncadd.s32 $0xFFFFC000  }
0x1f6: {  	_ =	sfence.sel $0x180000  }
0x1f7: {  	[bflag:$0x0] =	sbarrier.arrive $0xFFFF  }
0x1f8: {  	_ =	strace $0x90000047  }
0x1f9: {  	s0 =	stileid.u32;
	[bflag:$0x2] =	sbarrier.arrive $0xFFFF  }
0x1fa: {  	p0 =	sne.s32 s0, $0x0;
	s0 =	rddreg [dreg:$0x3]  }
0x1fb: {  	s0 =	sadd.s32 @!p0 $0x100000, s0  }
0x1fc: {  	[sflag:s0] =	ssyncadd.tile.s32 @!p0 $0x1;
	_ =	shalt  }
.Lfunc_end2:
_tile_overlayer_lowered:
.L_overlay_start_2:
0x1fd: {  	(tag) =	ssettag $0x2  }
0x1fe: {  	s0 =	rddreg [dreg:$0x0];
	s2 =	stileid.u32  }
0x1ff: {  	s1 =	rddreg [dreg:$0x1];
	p0 =	sne.s32 s2, $0x0  }
0x200: {  	s3 =	rddreg [dreg:$0x2];
	[bflag:$0x3] =	sbarrier.arrive $0xFFFF;
	s2 =	simm.s32 @!p0 $0x1C0B  }
0x201: {  	[timem:s3], [sflag:s2] =	dma.local @!p0 [hbm:s0], s1  }
0x202: {  	s0 =	simm.s32 @!p0 $0xB  }
0x203: {  	_ =	swait.ge @!p0 [sflag:s0], s1  }
0x204: {  	s1 =	ssub.s32 @!p0 $0x0, s1;
	[sflag:s0] =	ssyncset.done @!p0 $0x0  }
0x205: {  	[sflag:s0] =	ssyncadd.s32 @!p0 s1  }
0x206: {  	[bflag:$0x3] =	sbarrier.arrive $0xFFFF  }
0x207: {  	_ =	shalt  }

</sc_bundles>
